<compile_context>
chip_gen: v7x
topology: tpu7x:2x2x1
jax: 0.10.2.dev20260603
libtpu: 0.0.44.dev20260713+nightly
codegen_flags: <defaults>
</compile_context>

<pallas_src>
import functools

import jax
import jax.numpy as jnp
from jax import lax
from jax.experimental import pallas as pl
from jax.experimental.pallas import tpu as pltpu
from jax.experimental.pallas import tpu_sc as plsc

N = 10000
E = 320000
D = 128
H = 64
O = 2
W1 = H + 16

NC = 2
NS = 16
NW = NC * NS

LANES = 128
CH = 10
HB = CH // 2
R = 10240
ROWS_PER_TILE = R // NS
E_PAD = 327680
IDX_ROWS = E_PAD // LANES
ROWS_PER_WORKER = IDX_ROWS // NW

BN = 1000
GRID = N // BN


def _make_sc_aggregate(width):
    mesh = plsc.VectorSubcoreMesh(core_axis_name="c", subcore_axis_name="s",
                                  num_cores=NC, num_subcores=NS)
    t_rows = N // NS

    def body(p_hbm, src_hbm, dst_hbm, agg_out,
             srcc_v, dstc_v, rows_v, table_sh, acc_sh, sem_g, sem_s, sem_i):
        cid = lax.axis_index("c")
        sid = lax.axis_index("s")
        wid = cid * NS + sid
        r0 = sid * ROWS_PER_TILE
        base = wid * ROWS_PER_WORKER

        ct = pltpu.async_copy(p_hbm.at[pl.ds(sid * t_rows, t_rows)],
                              table_sh.at[pl.ds(sid * t_rows, t_rows)],
                              sem_i)

        def zstore(i, carry):
            for k in range(width // 16):
                rows_v[0, pl.ds(i * 2, 2), pl.ds(k * 16, 16)] = jnp.zeros(
                    (2, 16), jnp.bfloat16)
            return carry

        lax.fori_loop(0, LANES // 2, zstore, 0)
        for q in range(ROWS_PER_TILE // LANES):
            pltpu.sync_copy(rows_v.at[0],
                            acc_sh.at[pl.ds(r0 + q * LANES, LANES)])
        ct.wait()
        plsc.subcore_barrier()

        def chunk(c, carry):
            crow = base + c * CH
            ci0 = pltpu.async_copy(src_hbm.at[pl.ds(crow, CH)], srcc_v,
                                   sem_i)
            ci1 = pltpu.async_copy(dst_hbm.at[pl.ds(crow, CH)], dstc_v,
                                   sem_i)
            ci0.wait()
            ci1.wait()

            g0 = [pltpu.async_copy(table_sh.at[srcc_v.at[j]],
                                   rows_v.at[j], sem_g)
                  for j in range(HB)]
            scatters = []
            g1 = []
            for j in range(HB):
                g0[j].wait()
                scatters.append(
                    pltpu.async_copy(rows_v.at[j],
                                     acc_sh.at[dstc_v.at[j]],
                                     sem_s, add=True))
                g1.append(
                    pltpu.async_copy(table_sh.at[srcc_v.at[HB + j]],
                                     rows_v.at[HB + j], sem_g))
            for j in range(HB):
                g1[j].wait()
                scatters.append(
                    pltpu.async_copy(rows_v.at[HB + j],
                                     acc_sh.at[dstc_v.at[HB + j]],
                                     sem_s, add=True))
            for h in scatters:
                h.wait()
            return carry

        lax.fori_loop(0, ROWS_PER_WORKER // CH, chunk, 0)
        plsc.subcore_barrier()

        pltpu.sync_copy(acc_sh.at[pl.ds(r0, ROWS_PER_TILE)],
                        agg_out.at[cid, pl.ds(r0, ROWS_PER_TILE)])

    return pl.kernel(
        body,
        out_type=jax.ShapeDtypeStruct((NC, R, width), jnp.bfloat16),
        mesh=mesh,
        scratch_types=(
            pltpu.VMEM((CH, LANES), jnp.int32),
            pltpu.VMEM((CH, LANES), jnp.int32),
            pltpu.VMEM((CH, LANES, width), jnp.bfloat16),
            pltpu.VMEM_SHARED((N, width), jnp.bfloat16),
            pltpu.VMEM_SHARED((R, width), jnp.bfloat16),
            pltpu.SemaphoreType.DMA,
            pltpu.SemaphoreType.DMA,
            pltpu.SemaphoreType.DMA,
        ),
        compiler_params=pltpu.CompilerParams(use_tc_tiling_on_sc=False))


_sc_agg_w1 = _make_sc_aggregate(W1)
_sc_agg_w2 = _make_sc_aggregate(H)


def _proj1_body(x_ref, wa_ref, wb_ref, oa_ref, ob_ref):
    xb = x_ref[...]
    oa_ref[...] = jnp.dot(xb, wa_ref[...], preferred_element_type=jnp.float32)
    pb = jnp.dot(xb, wb_ref[...], preferred_element_type=jnp.float32)
    ob_ref[...] = jnp.concatenate(
        [pb, jnp.ones((BN, W1 - H), jnp.float32)], axis=1).astype(jnp.bfloat16)


def _proj1(x, wa, wb):
    return pl.pallas_call(
        _proj1_body,
        grid=(GRID,),
        in_specs=[
            pl.BlockSpec((BN, D), lambda i: (i, 0)),
            pl.BlockSpec((D, H), lambda i: (0, 0)),
            pl.BlockSpec((D, H), lambda i: (0, 0)),
        ],
        out_specs=[
            pl.BlockSpec((BN, H), lambda i: (i, 0)),
            pl.BlockSpec((BN, W1), lambda i: (i, 0)),
        ],
        out_shape=[
            jax.ShapeDtypeStruct((N, H), jnp.float32),
            jax.ShapeDtypeStruct((N, W1), jnp.bfloat16),
        ],
    )(x, wa, wb)


def _layer2_body(s_ref, aggp_ref, b_ref, wa_ref, wb_ref,
                 oa_ref, ob_ref, od_ref):
    comb = (aggp_ref[0].astype(jnp.float32)
            + aggp_ref[1].astype(jnp.float32))
    deg = comb[:, H:H + 1]
    h = jnp.maximum(
        s_ref[...] + comb[:, :H] / jnp.maximum(deg, 1.0) + b_ref[...], 0.0)
    oa_ref[...] = jnp.dot(h, wa_ref[...], preferred_element_type=jnp.float32)
    ob_ref[...] = jnp.dot(h, wb_ref[...],
                          preferred_element_type=jnp.float32
                          ).astype(jnp.bfloat16)
    od_ref[...] = comb[:, H:]


def _layer2(s, aggp, b, wa, wb):
    return pl.pallas_call(
        _layer2_body,
        grid=(GRID,),
        in_specs=[
            pl.BlockSpec((BN, H), lambda i: (i, 0)),
            pl.BlockSpec((NC, BN, W1), lambda i: (0, i, 0)),
            pl.BlockSpec((1, H), lambda i: (0, 0)),
            pl.BlockSpec((H, H), lambda i: (0, 0)),
            pl.BlockSpec((H, H), lambda i: (0, 0)),
        ],
        out_specs=[
            pl.BlockSpec((BN, H), lambda i: (i, 0)),
            pl.BlockSpec((BN, H), lambda i: (i, 0)),
            pl.BlockSpec((BN, W1 - H), lambda i: (i, 0)),
        ],
        out_shape=[
            jax.ShapeDtypeStruct((N, H), jnp.float32),
            jax.ShapeDtypeStruct((N, H), jnp.bfloat16),
            jax.ShapeDtypeStruct((N, W1 - H), jnp.float32),
        ],
    )(s, aggp, b, wa, wb)


def _head_body(s_ref, aggp_ref, deg_ref, b_ref, wh_ref, bh_ref, o_ref):
    agg = (aggp_ref[0].astype(jnp.float32)
           + aggp_ref[1].astype(jnp.float32))
    deg = deg_ref[:, 0:1]
    h = jnp.maximum(
        s_ref[...] + agg / jnp.maximum(deg, 1.0) + b_ref[...], 0.0)
    o_ref[...] = (jnp.dot(h, wh_ref[...], preferred_element_type=jnp.float32)
                  + bh_ref[...])


def _head(s, aggp, deg, b, wh, bh):
    return pl.pallas_call(
        _head_body,
        grid=(GRID,),
        in_specs=[
            pl.BlockSpec((BN, H), lambda i: (i, 0)),
            pl.BlockSpec((NC, BN, H), lambda i: (0, i, 0)),
            pl.BlockSpec((BN, W1 - H), lambda i: (i, 0)),
            pl.BlockSpec((1, H), lambda i: (0, 0)),
            pl.BlockSpec((H, O), lambda i: (0, 0)),
            pl.BlockSpec((1, O), lambda i: (0, 0)),
        ],
        out_specs=pl.BlockSpec((BN, O), lambda i: (i, 0)),
        out_shape=jax.ShapeDtypeStruct((N, O), jnp.float32),
    )(s, aggp, deg, b, wh, bh)


def kernel(x, edge_index, W_self1, W_neigh1, b1, W_self2, W_neigh2, b2,
           W_head, b_head):
    src = edge_index[0].astype(jnp.int32)
    dst = edge_index[1].astype(jnp.int32)
    pad = E_PAD - E
    src_p = jnp.concatenate([src, jnp.zeros((pad,), jnp.int32)])
    dst_p = jnp.concatenate([dst, jnp.full((pad,), N, jnp.int32)])
    src_p = src_p.reshape(IDX_ROWS, LANES)
    dst_p = dst_p.reshape(IDX_ROWS, LANES)

    s1, p1 = _proj1(x, W_self1, W_neigh1)
    aggp1 = _sc_agg_w1(p1, src_p, dst_p)

    s2, p2, deg = _layer2(s1, aggp1, b1.reshape(1, H), W_self2, W_neigh2)

    aggp2 = _sc_agg_w2(p2, src_p, dst_p)

    return _head(s2, aggp2, deg, b2.reshape(1, H), W_head,
                 b_head.reshape(1, O))

# --- scband reference (transcript-rebuilt; emitter-appended) ---
"""Pipeline reference for scband-girl-16913581212181 (READ-ONLY COPY).

The authoritative reference and input builder live on the scoring server;
editing this copy changes nothing except your own understanding.
"""

import jax, jax.numpy as jnp
import numpy as np

N, E, D, H, O = 10000, 320000, 128, 64, 2

def setup_inputs(seed: int = 0) -> dict:
    key = jax.random.key(seed)
    ks = jax.random.split(key, 10)
    x = jax.random.normal(ks[0], (N, D), dtype=jnp.float32)
    edge_index = jax.random.randint(ks[1], (2, E), 0, N)
    s = 0.05
    W_self1 = jax.random.normal(ks[2], (D, H), dtype=jnp.float32) * s
    W_neigh1 = jax.random.normal(ks[3], (D, H), dtype=jnp.float32) * s
    b1 = jnp.zeros((H,), dtype=jnp.float32)
    W_self2 = jax.random.normal(ks[4], (H, H), dtype=jnp.float32) * s
    W_neigh2 = jax.random.normal(ks[5], (H, H), dtype=jnp.float32) * s
    b2 = jnp.zeros((H,), dtype=jnp.float32)
    W_head = jax.random.normal(ks[6], (H, O), dtype=jnp.float32) * s
    b_head = jnp.zeros((O,), dtype=jnp.float32)
    return {"x": x, "edge_index": edge_index, "W_self1": W_self1, "W_neigh1": W_neigh1, "b1": b1, "W_self2": W_self2, "W_neigh2": W_neigh2, "b2": b2, "W_head": W_head, "b_head": b_head}


def _sage_conv(h, edge_index, W_self, W_neigh, b):
    # PyG SAGEConv: out = lin_r(x_i) + lin_l(mean_{j in N(i)} x_j)
    # (equivalent to projecting the concatenation [h_i || MEAN(h_j)])
    src = edge_index[0]
    dst = edge_index[1]
    n = h.shape[0]
    msgs = jnp.take(h, src, axis=0)  # gather (SparseCore)
    agg = jax.ops.segment_sum(msgs, dst, num_segments=n)  # scatter-add
    deg = jax.ops.segment_sum(jnp.ones((edge_index.shape[1],), dtype=h.dtype), dst, num_segments=n)
    mean = agg / jnp.clip(deg, 1.0, None)[:, None]
    return h @ W_self + mean @ W_neigh + b


def reference(x, edge_index, W_self1, W_neigh1, b1, W_self2, W_neigh2, b2, W_head, b_head):
    # encode: conv1 -> relu -> dropout(eval: identity) -> conv2 -> relu
    h = jax.nn.relu(_sage_conv(x, edge_index, W_self1, W_neigh1, b1))
    h = jax.nn.relu(_sage_conv(h, edge_index, W_self2, W_neigh2, b2))
    # forward: dropout(eval: identity) -> linear head
    out = h @ W_head + b_head
    return out

if __name__ == "__main__":
    import jax
    _d = setup_inputs()
    print(jax.jit(kernel)(*tuple(_d.values())))

</pallas_src>

<mosaic_0001>
#map = affine_map<(d0, d1) -> (0, 0)>
#map1 = affine_map<(d0, d1) -> (0, 0, 0)>
module attributes {stable_mosaic.version = 14 : i64} {
  func.func @body(%arg0: i32, %arg1: i32, %arg2: memref<10000x80xbf16, #tpu.memory_space<hbm>>, %arg3: memref<2560x128xi32, #tpu.memory_space<hbm>>, %arg4: memref<2560x128xi32, #tpu.memory_space<hbm>>, %arg5: memref<2x10240x80xbf16, #tpu.memory_space<hbm>>, %arg6: memref<10x128xi32, #tpu.memory_space<vmem>>, %arg7: memref<10x128xi32, #tpu.memory_space<vmem>>, %arg8: memref<10x128x80xbf16, #tpu.memory_space<vmem>>, %arg9: memref<10000x80xbf16, #tpu.memory_space<vmem_shared>>, %arg10: memref<10240x80xbf16, #tpu.memory_space<vmem_shared>>, %arg11: memref<!tpu.dma_semaphore, #tpu.memory_space<semaphore_mem>>, %arg12: memref<!tpu.dma_semaphore, #tpu.memory_space<semaphore_mem>>, %arg13: memref<!tpu.dma_semaphore, #tpu.memory_space<semaphore_mem>>) attributes {dimension_semantics = [#tpu.dimension_semantics<core_parallel>, #tpu.dimension_semantics<subcore_parallel>], iteration_bounds = array<i64: 2, 16>, scalar_prefetch = 0 : i64, scratch_operands = 8 : i64, tpu.core_type = #tpu.core_type<sc_vector_subcore>, window_params = [{transform_indices = #map}, {transform_indices = #map}, {transform_indices = #map}, {transform_indices = #map1}]} {
    %mul3A = arith.constant 16 : i32
    %mul3A_0 = arith.muli %arg0, %mul3A : i32
    %add3A = arith.addi %mul3A_0, %arg1 : i32
    %mul3A_1 = arith.constant 640 : i32
    %mul3A_2 = arith.muli %arg1, %mul3A_1 : i32
    %mul3A_3 = arith.constant 80 : i32
    %mul3A_4 = arith.muli %add3A, %mul3A_3 : i32
    %mul3A_5 = arith.constant 625 : i32
    %mul3A_6 = arith.muli %arg1, %mul3A_5 : i32
    %mul3A_7 = arith.constant 625 : i32
    %mul3A_8 = arith.muli %arg1, %mul3A_7 : i32
    %dma_start3A = arith.constant 0 : i32
    %dma_start3A_9 = tpu.memref_slice %arg9[%mul3A_8, %dma_start3A] : memref<10000x80xbf16, #tpu.memory_space<vmem_shared>> -> memref<625x80xbf16, #tpu.memory_space<vmem_shared>>
    %dma_start3A_10 = arith.constant 0 : i32
    %dma_start3A_11 = tpu.memref_slice %arg2[%mul3A_6, %dma_start3A_10] : memref<10000x80xbf16, #tpu.memory_space<hbm>> -> memref<625x80xbf16, #tpu.memory_space<hbm>>
    tpu.enqueue_dma source(%dma_start3A_11 : memref<625x80xbf16, #tpu.memory_space<hbm>>) target(%dma_start3A_9 : memref<625x80xbf16, #tpu.memory_space<vmem_shared>>) target_semaphore(%arg13 : memref<!tpu.dma_semaphore, #tpu.memory_space<semaphore_mem>>)
    %scan3A = arith.constant 0 : i32
    %scan3A_12 = arith.constant 0 : i32
    %scan3A_13 = arith.constant 64 : i32
    %scan3A_14 = arith.addi %scan3A_12, %scan3A_13 : i32
    %scan3A_15 = arith.constant 1 : i32
    scf.for %scan3A_41 = %scan3A_12 to %scan3A_14 step %scan3A_15  : i32 {
      %broadcast_in_dim3A = arith.constant 0.000000e+00 : bf16
      %broadcast_in_dim3A_42 = vector.broadcast %broadcast_in_dim3A : bf16 to vector<2x16xbf16>
      %mul3A_43 = arith.constant 2 : i32
      %mul3A_44 = arith.muli %scan3A_41, %mul3A_43 : i32
      %swap3A = arith.constant 0 : i32
      %swap3A_45 = arith.index_cast %swap3A : i32 to index
      %swap3A_46 = arith.index_cast %mul3A_44 : i32 to index
      %swap3A_47 = arith.constant 0 : index
      %swap3A_48 = tpu.vector_load %arg8[%swap3A_45, %swap3A_46, %swap3A_47] {strides = array<i32>} : memref<10x128x80xbf16, #tpu.memory_space<vmem>>, vector<1x2x16xbf16>,
      %swap3A_49 = vector.shape_cast %swap3A_48 : vector<1x2x16xbf16> to vector<2x16xbf16>
      %swap3A_50 = vector.shape_cast %broadcast_in_dim3A_42 : vector<2x16xbf16> to vector<1x2x16xbf16>
      tpu.vector_store %arg8[%swap3A_45, %swap3A_46, %swap3A_47], %swap3A_50 {strides = array<i32>} : memref<10x128x80xbf16, #tpu.memory_space<vmem>>, vector<1x2x16xbf16>,
      %broadcast_in_dim3A_51 = arith.constant 0.000000e+00 : bf16
      %broadcast_in_dim3A_52 = vector.broadcast %broadcast_in_dim3A_51 : bf16 to vector<2x16xbf16>
      %mul3A_53 = arith.constant 2 : i32
      %mul3A_54 = arith.muli %scan3A_41, %mul3A_53 : i32
      %swap3A_55 = arith.constant 0 : i32
      %swap3A_56 = arith.index_cast %swap3A_55 : i32 to index
      %swap3A_57 = arith.index_cast %mul3A_54 : i32 to index
      %swap3A_58 = arith.constant 16 : index
      %swap3A_59 = tpu.vector_load %arg8[%swap3A_56, %swap3A_57, %swap3A_58] {strides = array<i32>} : memref<10x128x80xbf16, #tpu.memory_space<vmem>>, vector<1x2x16xbf16>,
      %swap3A_60 = vector.shape_cast %swap3A_59 : vector<1x2x16xbf16> to vector<2x16xbf16>
      %swap3A_61 = vector.shape_cast %broadcast_in_dim3A_52 : vector<2x16xbf16> to vector<1x2x16xbf16>
      tpu.vector_store %arg8[%swap3A_56, %swap3A_57, %swap3A_58], %swap3A_61 {strides = array<i32>} : memref<10x128x80xbf16, #tpu.memory_space<vmem>>, vector<1x2x16xbf16>,
      %broadcast_in_dim3A_62 = arith.constant 0.000000e+00 : bf16
      %broadcast_in_dim3A_63 = vector.broadcast %broadcast_in_dim3A_62 : bf16 to vector<2x16xbf16>
      %mul3A_64 = arith.constant 2 : i32
      %mul3A_65 = arith.muli %scan3A_41, %mul3A_64 : i32
      %swap3A_66 = arith.constant 0 : i32
      %swap3A_67 = arith.index_cast %swap3A_66 : i32 to index
      %swap3A_68 = arith.index_cast %mul3A_65 : i32 to index
      %swap3A_69 = arith.constant 32 : index
      %swap3A_70 = tpu.vector_load %arg8[%swap3A_67, %swap3A_68, %swap3A_69] {strides = array<i32>} : memref<10x128x80xbf16, #tpu.memory_space<vmem>>, vector<1x2x16xbf16>,
      %swap3A_71 = vector.shape_cast %swap3A_70 : vector<1x2x16xbf16> to vector<2x16xbf16>
      %swap3A_72 = vector.shape_cast %broadcast_in_dim3A_63 : vector<2x16xbf16> to vector<1x2x16xbf16>
      tpu.vector_store %arg8[%swap3A_67, %swap3A_68, %swap3A_69], %swap3A_72 {strides = array<i32>} : memref<10x128x80xbf16, #tpu.memory_space<vmem>>, vector<1x2x16xbf16>,
      %broadcast_in_dim3A_73 = arith.constant 0.000000e+00 : bf16
      %broadcast_in_dim3A_74 = vector.broadcast %broadcast_in_dim3A_73 : bf16 to vector<2x16xbf16>
      %mul3A_75 = arith.constant 2 : i32
      %mul3A_76 = arith.muli %scan3A_41, %mul3A_75 : i32
      %swap3A_77 = arith.constant 0 : i32
      %swap3A_78 = arith.index_cast %swap3A_77 : i32 to index
      %swap3A_79 = arith.index_cast %mul3A_76 : i32 to index
      %swap3A_80 = arith.constant 48 : index
      %swap3A_81 = tpu.vector_load %arg8[%swap3A_78, %swap3A_79, %swap3A_80] {strides = array<i32>} : memref<10x128x80xbf16, #tpu.memory_space<vmem>>, vector<1x2x16xbf16>,
      %swap3A_82 = vector.shape_cast %swap3A_81 : vector<1x2x16xbf16> to vector<2x16xbf16>
      %swap3A_83 = vector.shape_cast %broadcast_in_dim3A_74 : vector<2x16xbf16> to vector<1x2x16xbf16>
      tpu.vector_store %arg8[%swap3A_78, %swap3A_79, %swap3A_80], %swap3A_83 {strides = array<i32>} : memref<10x128x80xbf16, #tpu.memory_space<vmem>>, vector<1x2x16xbf16>,
      %broadcast_in_dim3A_84 = arith.constant 0.000000e+00 : bf16
      %broadcast_in_dim3A_85 = vector.broadcast %broadcast_in_dim3A_84 : bf16 to vector<2x16xbf16>
      %mul3A_86 = arith.constant 2 : i32
      %mul3A_87 = arith.muli %scan3A_41, %mul3A_86 : i32
      %swap3A_88 = arith.constant 0 : i32
      %swap3A_89 = arith.index_cast %swap3A_88 : i32 to index
      %swap3A_90 = arith.index_cast %mul3A_87 : i32 to index
      %swap3A_91 = arith.constant 64 : index
      %swap3A_92 = tpu.vector_load %arg8[%swap3A_89, %swap3A_90, %swap3A_91] {strides = array<i32>} : memref<10x128x80xbf16, #tpu.memory_space<vmem>>, vector<1x2x16xbf16>,
      %swap3A_93 = vector.shape_cast %swap3A_92 : vector<1x2x16xbf16> to vector<2x16xbf16>
      %swap3A_94 = vector.shape_cast %broadcast_in_dim3A_85 : vector<2x16xbf16> to vector<1x2x16xbf16>
      tpu.vector_store %arg8[%swap3A_89, %swap3A_90, %swap3A_91], %swap3A_94 {strides = array<i32>} : memref<10x128x80xbf16, #tpu.memory_space<vmem>>, vector<1x2x16xbf16>,
    }
    %scan3A_16 = arith.constant 64 : i32
    %add3A_17 = arith.constant 0 : i32
    %add3A_18 = arith.addi %mul3A_2, %add3A_17 : i32
    %run_scoped3A = arith.constant 0 : i32
    "tpu.region"() ({
      %run_scoped3A_41 = tpu.sem_alloc : memref<!tpu.dma_semaphore, #tpu.memory_space<semaphore_mem>>
      %dma_start3A_42 = arith.constant 0 : i32
      %dma_start3A_43 = arith.constant 0 : i32
      %dma_start3A_44 = tpu.memref_slice %arg8[%run_scoped3A, %dma_start3A_42, %dma_start3A_43] : memref<10x128x80xbf16, #tpu.memory_space<vmem>> -> memref<1x128x80xbf16, #tpu.memory_space<vmem>>
      %dma_start3A_45 = tpu.memref_squeeze %dma_start3A_44 : memref<1x128x80xbf16, #tpu.memory_space<vmem>> -> memref<128x80xbf16, #tpu.memory_space<vmem>>
      %dma_start3A_46 = arith.constant 0 : i32
      %dma_start3A_47 = tpu.memref_slice %arg10[%add3A_18, %dma_start3A_46] : memref<10240x80xbf16, #tpu.memory_space<vmem_shared>> -> memref<128x80xbf16, #tpu.memory_space<vmem_shared>>
      %dma_start3A_48 = arith.constant 0 : i32
      %dma_start3A_49 = tpu.memref_slice %arg10[%add3A_18, %dma_start3A_48] : memref<10240x80xbf16, #tpu.memory_space<vmem_shared>> -> memref<128x80xbf16, #tpu.memory_space<vmem_shared>>
      %dma_start3A_50 = arith.constant 0 : i32
      %dma_start3A_51 = arith.constant 0 : i32
      %dma_start3A_52 = tpu.memref_slice %arg8[%run_scoped3A, %dma_start3A_50, %dma_start3A_51] : memref<10x128x80xbf16, #tpu.memory_space<vmem>> -> memref<1x128x80xbf16, #tpu.memory_space<vmem>>
      %dma_start3A_53 = tpu.memref_squeeze %dma_start3A_52 : memref<1x128x80xbf16, #tpu.memory_space<vmem>> -> memref<128x80xbf16, #tpu.memory_space<vmem>>
      tpu.enqueue_dma source(%dma_start3A_53 : memref<128x80xbf16, #tpu.memory_space<vmem>>) target(%dma_start3A_49 : memref<128x80xbf16, #tpu.memory_space<vmem_shared>>) target_semaphore(%run_scoped3A_41 : memref<!tpu.dma_semaphore, #tpu.memory_space<semaphore_mem>>)
      %dma_wait3A_54 = arith.constant 0 : i32
      %dma_wait3A_55 = arith.constant 0 : i32
      %dma_wait3A_56 = tpu.memref_slice %arg8[%run_scoped3A, %dma_wait3A_54, %dma_wait3A_55] : memref<10x128x80xbf16, #tpu.memory_space<vmem>> -> memref<1x128x80xbf16, #tpu.memory_space<vmem>>
      %dma_wait3A_57 = tpu.memref_squeeze %dma_wait3A_56 : memref<1x128x80xbf16, #tpu.memory_space<vmem>> -> memref<128x80xbf16, #tpu.memory_space<vmem>>
      %dma_wait3A_58 = arith.constant 0 : i32
      %dma_wait3A_59 = tpu.memref_slice %arg10[%add3A_18, %dma_wait3A_58] : memref<10240x80xbf16, #tpu.memory_space<vmem_shared>> -> memref<128x80xbf16, #tpu.memory_space<vmem_shared>>
      %dma_wait3A_60 = arith.constant 0 : i32
      %dma_wait3A_61 = tpu.memref_slice %arg10[%add3A_18, %dma_wait3A_60] : memref<10240x80xbf16, #tpu.memory_space<vmem_shared>> -> memref<128x80xbf16, #tpu.memory_space<vmem_shared>>
      %dma_wait3A_62 = arith.constant 0 : i32
      %dma_wait3A_63 = arith.constant 0 : i32
      %dma_wait3A_64 = tpu.memref_slice %arg8[%run_scoped3A, %dma_wait3A_62, %dma_wait3A_63] : memref<10x128x80xbf16, #tpu.memory_space<vmem>> -> memref<1x128x80xbf16, #tpu.memory_space<vmem>>
      %dma_wait3A_65 = tpu.memref_squeeze %dma_wait3A_64 : memref<1x128x80xbf16, #tpu.memory_space<vmem>> -> memref<128x80xbf16, #tpu.memory_space<vmem>>
      tpu.wait_dma2 semaphore(%run_scoped3A_41 : memref<!tpu.dma_semaphore, #tpu.memory_space<semaphore_mem>>) src(%dma_wait3A_65 : memref<128x80xbf16, #tpu.memory_space<vmem>>) dst(%dma_wait3A_61 : memref<128x80xbf16, #tpu.memory_space<vmem_shared>>)
      tpu.yield
    }) : () -> ()
    %add3A_19 = arith.constant 128 : i32
    %add3A_20 = arith.addi %mul3A_2, %add3A_19 : i32
    %run_scoped3A_21 = arith.constant 0 : i32
    "tpu.region"() ({
      %run_scoped3A_41 = tpu.sem_alloc : memref<!tpu.dma_semaphore, #tpu.memory_space<semaphore_mem>>
      %dma_start3A_42 = arith.constant 0 : i32
      %dma_start3A_43 = arith.constant 0 : i32
      %dma_start3A_44 = tpu.memref_slice %arg8[%run_scoped3A_21, %dma_start3A_42, %dma_start3A_43] : memref<10x128x80xbf16, #tpu.memory_space<vmem>> -> memref<1x128x80xbf16, #tpu.memory_space<vmem>>
      %dma_start3A_45 = tpu.memref_squeeze %dma_start3A_44 : memref<1x128x80xbf16, #tpu.memory_space<vmem>> -> memref<128x80xbf16, #tpu.memory_space<vmem>>
      %dma_start3A_46 = arith.constant 0 : i32
      %dma_start3A_47 = tpu.memref_slice %arg10[%add3A_20, %dma_start3A_46] : memref<10240x80xbf16, #tpu.memory_space<vmem_shared>> -> memref<128x80xbf16, #tpu.memory_space<vmem_shared>>
      %dma_start3A_48 = arith.constant 0 : i32
      %dma_start3A_49 = tpu.memref_slice %arg10[%add3A_20, %dma_start3A_48] : memref<10240x80xbf16, #tpu.memory_space<vmem_shared>> -> memref<128x80xbf16, #tpu.memory_space<vmem_shared>>
      %dma_start3A_50 = arith.constant 0 : i32
      %dma_start3A_51 = arith.constant 0 : i32
      %dma_start3A_52 = tpu.memref_slice %arg8[%run_scoped3A_21, %dma_start3A_50, %dma_start3A_51] : memref<10x128x80xbf16, #tpu.memory_space<vmem>> -> memref<1x128x80xbf16, #tpu.memory_space<vmem>>
      %dma_start3A_53 = tpu.memref_squeeze %dma_start3A_52 : memref<1x128x80xbf16, #tpu.memory_space<vmem>> -> memref<128x80xbf16, #tpu.memory_space<vmem>>
      tpu.enqueue_dma source(%dma_start3A_53 : memref<128x80xbf16, #tpu.memory_space<vmem>>) target(%dma_start3A_49 : memref<128x80xbf16, #tpu.memory_space<vmem_shared>>) target_semaphore(%run_scoped3A_41 : memref<!tpu.dma_semaphore, #tpu.memory_space<semaphore_mem>>)
      %dma_wait3A_54 = arith.constant 0 : i32
      %dma_wait3A_55 = arith.constant 0 : i32
      %dma_wait3A_56 = tpu.memref_slice %arg8[%run_scoped3A_21, %dma_wait3A_54, %dma_wait3A_55] : memref<10x128x80xbf16, #tpu.memory_space<vmem>> -> memref<1x128x80xbf16, #tpu.memory_space<vmem>>
      %dma_wait3A_57 = tpu.memref_squeeze %dma_wait3A_56 : memref<1x128x80xbf16, #tpu.memory_space<vmem>> -> memref<128x80xbf16, #tpu.memory_space<vmem>>
      %dma_wait3A_58 = arith.constant 0 : i32
      %dma_wait3A_59 = tpu.memref_slice %arg10[%add3A_20, %dma_wait3A_58] : memref<10240x80xbf16, #tpu.memory_space<vmem_shared>> -> memref<128x80xbf16, #tpu.memory_space<vmem_shared>>
      %dma_wait3A_60 = arith.constant 0 : i32
      %dma_wait3A_61 = tpu.memref_slice %arg10[%add3A_20, %dma_wait3A_60] : memref<10240x80xbf16, #tpu.memory_space<vmem_shared>> -> memref<128x80xbf16, #tpu.memory_space<vmem_shared>>
      %dma_wait3A_62 = arith.constant 0 : i32
      %dma_wait3A_63 = arith.constant 0 : i32
      %dma_wait3A_64 = tpu.memref_slice %arg8[%run_scoped3A_21, %dma_wait3A_62, %dma_wait3A_63] : memref<10x128x80xbf16, #tpu.memory_space<vmem>> -> memref<1x128x80xbf16, #tpu.memory_space<vmem>>
      %dma_wait3A_65 = tpu.memref_squeeze %dma_wait3A_64 : memref<1x128x80xbf16, #tpu.memory_space<vmem>> -> memref<128x80xbf16, #tpu.memory_space<vmem>>
      tpu.wait_dma2 semaphore(%run_scoped3A_41 : memref<!tpu.dma_semaphore, #tpu.memory_space<semaphore_mem>>) src(%dma_wait3A_65 : memref<128x80xbf16, #tpu.memory_space<vmem>>) dst(%dma_wait3A_61 : memref<128x80xbf16, #tpu.memory_space<vmem_shared>>)
      tpu.yield
    }) : () -> ()
    %add3A_22 = arith.constant 256 : i32
    %add3A_23 = arith.addi %mul3A_2, %add3A_22 : i32
    %run_scoped3A_24 = arith.constant 0 : i32
    "tpu.region"() ({
      %run_scoped3A_41 = tpu.sem_alloc : memref<!tpu.dma_semaphore, #tpu.memory_space<semaphore_mem>>
      %dma_start3A_42 = arith.constant 0 : i32
      %dma_start3A_43 = arith.constant 0 : i32
      %dma_start3A_44 = tpu.memref_slice %arg8[%run_scoped3A_24, %dma_start3A_42, %dma_start3A_43] : memref<10x128x80xbf16, #tpu.memory_space<vmem>> -> memref<1x128x80xbf16, #tpu.memory_space<vmem>>
      %dma_start3A_45 = tpu.memref_squeeze %dma_start3A_44 : memref<1x128x80xbf16, #tpu.memory_space<vmem>> -> memref<128x80xbf16, #tpu.memory_space<vmem>>
      %dma_start3A_46 = arith.constant 0 : i32
      %dma_start3A_47 = tpu.memref_slice %arg10[%add3A_23, %dma_start3A_46] : memref<10240x80xbf16, #tpu.memory_space<vmem_shared>> -> memref<128x80xbf16, #tpu.memory_space<vmem_shared>>
      %dma_start3A_48 = arith.constant 0 : i32
      %dma_start3A_49 = tpu.memref_slice %arg10[%add3A_23, %dma_start3A_48] : memref<10240x80xbf16, #tpu.memory_space<vmem_shared>> -> memref<128x80xbf16, #tpu.memory_space<vmem_shared>>
      %dma_start3A_50 = arith.constant 0 : i32
      %dma_start3A_51 = arith.constant 0 : i32
      %dma_start3A_52 = tpu.memref_slice %arg8[%run_scoped3A_24, %dma_start3A_50, %dma_start3A_51] : memref<10x128x80xbf16, #tpu.memory_space<vmem>> -> memref<1x128x80xbf16, #tpu.memory_space<vmem>>
      %dma_start3A_53 = tpu.memref_squeeze %dma_start3A_52 : memref<1x128x80xbf16, #tpu.memory_space<vmem>> -> memref<128x80xbf16, #tpu.memory_space<vmem>>
      tpu.enqueue_dma source(%dma_start3A_53 : memref<128x80xbf16, #tpu.memory_space<vmem>>) target(%dma_start3A_49 : memref<128x80xbf16, #tpu.memory_space<vmem_shared>>) target_semaphore(%run_scoped3A_41 : memref<!tpu.dma_semaphore, #tpu.memory_space<semaphore_mem>>)
      %dma_wait3A_54 = arith.constant 0 : i32
      %dma_wait3A_55 = arith.constant 0 : i32
      %dma_wait3A_56 = tpu.memref_slice %arg8[%run_scoped3A_24, %dma_wait3A_54, %dma_wait3A_55] : memref<10x128x80xbf16, #tpu.memory_space<vmem>> -> memref<1x128x80xbf16, #tpu.memory_space<vmem>>
      %dma_wait3A_57 = tpu.memref_squeeze %dma_wait3A_56 : memref<1x128x80xbf16, #tpu.memory_space<vmem>> -> memref<128x80xbf16, #tpu.memory_space<vmem>>
      %dma_wait3A_58 = arith.constant 0 : i32
      %dma_wait3A_59 = tpu.memref_slice %arg10[%add3A_23, %dma_wait3A_58] : memref<10240x80xbf16, #tpu.memory_space<vmem_shared>> -> memref<128x80xbf16, #tpu.memory_space<vmem_shared>>
      %dma_wait3A_60 = arith.constant 0 : i32
      %dma_wait3A_61 = tpu.memref_slice %arg10[%add3A_23, %dma_wait3A_60] : memref<10240x80xbf16, #tpu.memory_space<vmem_shared>> -> memref<128x80xbf16, #tpu.memory_space<vmem_shared>>
      %dma_wait3A_62 = arith.constant 0 : i32
      %dma_wait3A_63 = arith.constant 0 : i32
      %dma_wait3A_64 = tpu.memref_slice %arg8[%run_scoped3A_24, %dma_wait3A_62, %dma_wait3A_63] : memref<10x128x80xbf16, #tpu.memory_space<vmem>> -> memref<1x128x80xbf16, #tpu.memory_space<vmem>>
      %dma_wait3A_65 = tpu.memref_squeeze %dma_wait3A_64 : memref<1x128x80xbf16, #tpu.memory_space<vmem>> -> memref<128x80xbf16, #tpu.memory_space<vmem>>
      tpu.wait_dma2 semaphore(%run_scoped3A_41 : memref<!tpu.dma_semaphore, #tpu.memory_space<semaphore_mem>>) src(%dma_wait3A_65 : memref<128x80xbf16, #tpu.memory_space<vmem>>) dst(%dma_wait3A_61 : memref<128x80xbf16, #tpu.memory_space<vmem_shared>>)
      tpu.yield
    }) : () -> ()
    %add3A_25 = arith.constant 384 : i32
    %add3A_26 = arith.addi %mul3A_2, %add3A_25 : i32
    %run_scoped3A_27 = arith.constant 0 : i32
    "tpu.region"() ({
      %run_scoped3A_41 = tpu.sem_alloc : memref<!tpu.dma_semaphore, #tpu.memory_space<semaphore_mem>>
      %dma_start3A_42 = arith.constant 0 : i32
      %dma_start3A_43 = arith.constant 0 : i32
      %dma_start3A_44 = tpu.memref_slice %arg8[%run_scoped3A_27, %dma_start3A_42, %dma_start3A_43] : memref<10x128x80xbf16, #tpu.memory_space<vmem>> -> memref<1x128x80xbf16, #tpu.memory_space<vmem>>
      %dma_start3A_45 = tpu.memref_squeeze %dma_start3A_44 : memref<1x128x80xbf16, #tpu.memory_space<vmem>> -> memref<128x80xbf16, #tpu.memory_space<vmem>>
      %dma_start3A_46 = arith.constant 0 : i32
      %dma_start3A_47 = tpu.memref_slice %arg10[%add3A_26, %dma_start3A_46] : memref<10240x80xbf16, #tpu.memory_space<vmem_shared>> -> memref<128x80xbf16, #tpu.memory_space<vmem_shared>>
      %dma_start3A_48 = arith.constant 0 : i32
      %dma_start3A_49 = tpu.memref_slice %arg10[%add3A_26, %dma_start3A_48] : memref<10240x80xbf16, #tpu.memory_space<vmem_shared>> -> memref<128x80xbf16, #tpu.memory_space<vmem_shared>>
      %dma_start3A_50 = arith.constant 0 : i32
      %dma_start3A_51 = arith.constant 0 : i32
      %dma_start3A_52 = tpu.memref_slice %arg8[%run_scoped3A_27, %dma_start3A_50, %dma_start3A_51] : memref<10x128x80xbf16, #tpu.memory_space<vmem>> -> memref<1x128x80xbf16, #tpu.memory_space<vmem>>
      %dma_start3A_53 = tpu.memref_squeeze %dma_start3A_52 : memref<1x128x80xbf16, #tpu.memory_space<vmem>> -> memref<128x80xbf16, #tpu.memory_space<vmem>>
      tpu.enqueue_dma source(%dma_start3A_53 : memref<128x80xbf16, #tpu.memory_space<vmem>>) target(%dma_start3A_49 : memref<128x80xbf16, #tpu.memory_space<vmem_shared>>) target_semaphore(%run_scoped3A_41 : memref<!tpu.dma_semaphore, #tpu.memory_space<semaphore_mem>>)
      %dma_wait3A_54 = arith.constant 0 : i32
      %dma_wait3A_55 = arith.constant 0 : i32
      %dma_wait3A_56 = tpu.memref_slice %arg8[%run_scoped3A_27, %dma_wait3A_54, %dma_wait3A_55] : memref<10x128x80xbf16, #tpu.memory_space<vmem>> -> memref<1x128x80xbf16, #tpu.memory_space<vmem>>
      %dma_wait3A_57 = tpu.memref_squeeze %dma_wait3A_56 : memref<1x128x80xbf16, #tpu.memory_space<vmem>> -> memref<128x80xbf16, #tpu.memory_space<vmem>>
      %dma_wait3A_58 = arith.constant 0 : i32
      %dma_wait3A_59 = tpu.memref_slice %arg10[%add3A_26, %dma_wait3A_58] : memref<10240x80xbf16, #tpu.memory_space<vmem_shared>> -> memref<128x80xbf16, #tpu.memory_space<vmem_shared>>
      %dma_wait3A_60 = arith.constant 0 : i32
      %dma_wait3A_61 = tpu.memref_slice %arg10[%add3A_26, %dma_wait3A_60] : memref<10240x80xbf16, #tpu.memory_space<vmem_shared>> -> memref<128x80xbf16, #tpu.memory_space<vmem_shared>>
      %dma_wait3A_62 = arith.constant 0 : i32
      %dma_wait3A_63 = arith.constant 0 : i32
      %dma_wait3A_64 = tpu.memref_slice %arg8[%run_scoped3A_27, %dma_wait3A_62, %dma_wait3A_63] : memref<10x128x80xbf16, #tpu.memory_space<vmem>> -> memref<1x128x80xbf16, #tpu.memory_space<vmem>>
      %dma_wait3A_65 = tpu.memref_squeeze %dma_wait3A_64 : memref<1x128x80xbf16, #tpu.memory_space<vmem>> -> memref<128x80xbf16, #tpu.memory_space<vmem>>
      tpu.wait_dma2 semaphore(%run_scoped3A_41 : memref<!tpu.dma_semaphore, #tpu.memory_space<semaphore_mem>>) src(%dma_wait3A_65 : memref<128x80xbf16, #tpu.memory_space<vmem>>) dst(%dma_wait3A_61 : memref<128x80xbf16, #tpu.memory_space<vmem_shared>>)
      tpu.yield
    }) : () -> ()
    %add3A_28 = arith.constant 512 : i32
    %add3A_29 = arith.addi %mul3A_2, %add3A_28 : i32
    %run_scoped3A_30 = arith.constant 0 : i32
    "tpu.region"() ({
      %run_scoped3A_41 = tpu.sem_alloc : memref<!tpu.dma_semaphore, #tpu.memory_space<semaphore_mem>>
      %dma_start3A_42 = arith.constant 0 : i32
      %dma_start3A_43 = arith.constant 0 : i32
      %dma_start3A_44 = tpu.memref_slice %arg8[%run_scoped3A_30, %dma_start3A_42, %dma_start3A_43] : memref<10x128x80xbf16, #tpu.memory_space<vmem>> -> memref<1x128x80xbf16, #tpu.memory_space<vmem>>
      %dma_start3A_45 = tpu.memref_squeeze %dma_start3A_44 : memref<1x128x80xbf16, #tpu.memory_space<vmem>> -> memref<128x80xbf16, #tpu.memory_space<vmem>>
      %dma_start3A_46 = arith.constant 0 : i32
      %dma_start3A_47 = tpu.memref_slice %arg10[%add3A_29, %dma_start3A_46] : memref<10240x80xbf16, #tpu.memory_space<vmem_shared>> -> memref<128x80xbf16, #tpu.memory_space<vmem_shared>>
      %dma_start3A_48 = arith.constant 0 : i32
      %dma_start3A_49 = tpu.memref_slice %arg10[%add3A_29, %dma_start3A_48] : memref<10240x80xbf16, #tpu.memory_space<vmem_shared>> -> memref<128x80xbf16, #tpu.memory_space<vmem_shared>>
      %dma_start3A_50 = arith.constant 0 : i32
      %dma_start3A_51 = arith.constant 0 : i32
      %dma_start3A_52 = tpu.memref_slice %arg8[%run_scoped3A_30, %dma_start3A_50, %dma_start3A_51] : memref<10x128x80xbf16, #tpu.memory_space<vmem>> -> memref<1x128x80xbf16, #tpu.memory_space<vmem>>
      %dma_start3A_53 = tpu.memref_squeeze %dma_start3A_52 : memref<1x128x80xbf16, #tpu.memory_space<vmem>> -> memref<128x80xbf16, #tpu.memory_space<vmem>>
      tpu.enqueue_dma source(%dma_start3A_53 : memref<128x80xbf16, #tpu.memory_space<vmem>>) target(%dma_start3A_49 : memref<128x80xbf16, #tpu.memory_space<vmem_shared>>) target_semaphore(%run_scoped3A_41 : memref<!tpu.dma_semaphore, #tpu.memory_space<semaphore_mem>>)
      %dma_wait3A_54 = arith.constant 0 : i32
      %dma_wait3A_55 = arith.constant 0 : i32
      %dma_wait3A_56 = tpu.memref_slice %arg8[%run_scoped3A_30, %dma_wait3A_54, %dma_wait3A_55] : memref<10x128x80xbf16, #tpu.memory_space<vmem>> -> memref<1x128x80xbf16, #tpu.memory_space<vmem>>
      %dma_wait3A_57 = tpu.memref_squeeze %dma_wait3A_56 : memref<1x128x80xbf16, #tpu.memory_space<vmem>> -> memref<128x80xbf16, #tpu.memory_space<vmem>>
      %dma_wait3A_58 = arith.constant 0 : i32
      %dma_wait3A_59 = tpu.memref_slice %arg10[%add3A_29, %dma_wait3A_58] : memref<10240x80xbf16, #tpu.memory_space<vmem_shared>> -> memref<128x80xbf16, #tpu.memory_space<vmem_shared>>
      %dma_wait3A_60 = arith.constant 0 : i32
      %dma_wait3A_61 = tpu.memref_slice %arg10[%add3A_29, %dma_wait3A_60] : memref<10240x80xbf16, #tpu.memory_space<vmem_shared>> -> memref<128x80xbf16, #tpu.memory_space<vmem_shared>>
      %dma_wait3A_62 = arith.constant 0 : i32
      %dma_wait3A_63 = arith.constant 0 : i32
      %dma_wait3A_64 = tpu.memref_slice %arg8[%run_scoped3A_30, %dma_wait3A_62, %dma_wait3A_63] : memref<10x128x80xbf16, #tpu.memory_space<vmem>> -> memref<1x128x80xbf16, #tpu.memory_space<vmem>>
      %dma_wait3A_65 = tpu.memref_squeeze %dma_wait3A_64 : memref<1x128x80xbf16, #tpu.memory_space<vmem>> -> memref<128x80xbf16, #tpu.memory_space<vmem>>
      tpu.wait_dma2 semaphore(%run_scoped3A_41 : memref<!tpu.dma_semaphore, #tpu.memory_space<semaphore_mem>>) src(%dma_wait3A_65 : memref<128x80xbf16, #tpu.memory_space<vmem>>) dst(%dma_wait3A_61 : memref<128x80xbf16, #tpu.memory_space<vmem_shared>>)
      tpu.yield
    }) : () -> ()
    %dma_wait3A = arith.constant 0 : i32
    %dma_wait3A_31 = tpu.memref_slice %arg9[%mul3A_8, %dma_wait3A] : memref<10000x80xbf16, #tpu.memory_space<vmem_shared>> -> memref<625x80xbf16, #tpu.memory_space<vmem_shared>>
    %dma_wait3A_32 = arith.constant 0 : i32
    %dma_wait3A_33 = tpu.memref_slice %arg2[%mul3A_6, %dma_wait3A_32] : memref<10000x80xbf16, #tpu.memory_space<hbm>> -> memref<625x80xbf16, #tpu.memory_space<hbm>>
    tpu.wait_dma2 semaphore(%arg13 : memref<!tpu.dma_semaphore, #tpu.memory_space<semaphore_mem>>) src(%dma_wait3A_33 : memref<625x80xbf16, #tpu.memory_space<hbm>>) dst(%dma_wait3A_31 : memref<625x80xbf16, #tpu.memory_space<vmem_shared>>)
    %barrier3A = arith.constant 0 : index
    tpu.barrier barrier_id(%barrier3A)
    %scan3A_34 = arith.constant 0 : i32
    %scan3A_35 = arith.constant 0 : i32
    %scan3A_36 = arith.constant 8 : i32
    %scan3A_37 = arith.addi %scan3A_35, %scan3A_36 : i32
    %scan3A_38 = arith.constant 1 : i32
    scf.for %scan3A_41 = %scan3A_35 to %scan3A_37 step %scan3A_38  : i32 {
      %mul3A_42 = arith.constant 10 : i32
      %mul3A_43 = arith.muli %scan3A_41, %mul3A_42 : i32
      %add3A_44 = arith.addi %mul3A_4, %mul3A_43 : i32
      %dma_start3A_45 = arith.constant 0 : i32
      %dma_start3A_46 = tpu.memref_slice %arg3[%add3A_44, %dma_start3A_45] : memref<2560x128xi32, #tpu.memory_space<hbm>> -> memref<10x128xi32, #tpu.memory_space<hbm>>
      %dma_start3A_47 = arith.constant 0 : i32
      %dma_start3A_48 = tpu.memref_slice %arg3[%add3A_44, %dma_start3A_47] : memref<2560x128xi32, #tpu.memory_space<hbm>> -> memref<10x128xi32, #tpu.memory_space<hbm>>
      tpu.enqueue_dma source(%dma_start3A_48 : memref<10x128xi32, #tpu.memory_space<hbm>>) target(%arg6 : memref<10x128xi32, #tpu.memory_space<vmem>>) target_semaphore(%arg13 : memref<!tpu.dma_semaphore, #tpu.memory_space<semaphore_mem>>)
      %dma_start3A_49 = arith.constant 0 : i32
      %dma_start3A_50 = tpu.memref_slice %arg4[%add3A_44, %dma_start3A_49] : memref<2560x128xi32, #tpu.memory_space<hbm>> -> memref<10x128xi32, #tpu.memory_space<hbm>>
      %dma_start3A_51 = arith.constant 0 : i32
      %dma_start3A_52 = tpu.memref_slice %arg4[%add3A_44, %dma_start3A_51] : memref<2560x128xi32, #tpu.memory_space<hbm>> -> memref<10x128xi32, #tpu.memory_space<hbm>>
      tpu.enqueue_dma source(%dma_start3A_52 : memref<10x128xi32, #tpu.memory_space<hbm>>) target(%arg7 : memref<10x128xi32, #tpu.memory_space<vmem>>) target_semaphore(%arg13 : memref<!tpu.dma_semaphore, #tpu.memory_space<semaphore_mem>>)
      %dma_wait3A_53 = arith.constant 0 : i32
      %dma_wait3A_54 = tpu.memref_slice %arg3[%add3A_44, %dma_wait3A_53] : memref<2560x128xi32, #tpu.memory_space<hbm>> -> memref<10x128xi32, #tpu.memory_space<hbm>>
      %dma_wait3A_55 = arith.constant 0 : i32
      %dma_wait3A_56 = tpu.memref_slice %arg3[%add3A_44, %dma_wait3A_55] : memref<2560x128xi32, #tpu.memory_space<hbm>> -> memref<10x128xi32, #tpu.memory_space<hbm>>
      tpu.wait_dma2 semaphore(%arg13 : memref<!tpu.dma_semaphore, #tpu.memory_space<semaphore_mem>>) src(%dma_wait3A_56 : memref<10x128xi32, #tpu.memory_space<hbm>>) dst(%arg6 : memref<10x128xi32, #tpu.memory_space<vmem>>)
      %dma_wait3A_57 = arith.constant 0 : i32
      %dma_wait3A_58 = tpu.memref_slice %arg4[%add3A_44, %dma_wait3A_57] : memref<2560x128xi32, #tpu.memory_space<hbm>> -> memref<10x128xi32, #tpu.memory_space<hbm>>
      %dma_wait3A_59 = arith.constant 0 : i32
      %dma_wait3A_60 = tpu.memref_slice %arg4[%add3A_44, %dma_wait3A_59] : memref<2560x128xi32, #tpu.memory_space<hbm>> -> memref<10x128xi32, #tpu.memory_space<hbm>>
      tpu.wait_dma2 semaphore(%arg13 : memref<!tpu.dma_semaphore, #tpu.memory_space<semaphore_mem>>) src(%dma_wait3A_60 : memref<10x128xi32, #tpu.memory_space<hbm>>) dst(%arg7 : memref<10x128xi32, #tpu.memory_space<vmem>>)
      %dma_start3A_61 = arith.constant 0 : i32
      %dma_start3A_62 = arith.constant 0 : i32
      %dma_start3A_63 = arith.constant 0 : i32
      %dma_start3A_64 = arith.constant 0 : i32
      %dma_start3A_65 = tpu.memref_slice %arg8[%dma_start3A_62, %dma_start3A_63, %dma_start3A_64] : memref<10x128x80xbf16, #tpu.memory_space<vmem>> -> memref<1x128x80xbf16, #tpu.memory_space<vmem>>
      %dma_start3A_66 = tpu.memref_squeeze %dma_start3A_65 : memref<1x128x80xbf16, #tpu.memory_space<vmem>> -> memref<128x80xbf16, #tpu.memory_space<vmem>>
      %dma_start3A_67 = arith.constant 0 : i32
      %dma_start3A_68 = tpu.memref_slice %arg6[%dma_start3A_61, %dma_start3A_67] : memref<10x128xi32, #tpu.memory_space<vmem>> -> memref<1x128xi32, #tpu.memory_space<vmem>>
      %dma_start3A_69 = tpu.memref_squeeze %dma_start3A_68 : memref<1x128xi32, #tpu.memory_space<vmem>> -> memref<128xi32, #tpu.memory_space<vmem>>
      %dma_start3A_70 = arith.constant 0 : i32
      %dma_start3A_71 = arith.constant 0 : i32
      %dma_start3A_72 = tpu.memref_slice %arg9[%dma_start3A_70, %dma_start3A_71] : memref<10000x80xbf16, #tpu.memory_space<vmem_shared>> -> memref<10000x80xbf16, #tpu.memory_space<vmem_shared>>
      tpu.enqueue_indirect_dma source(%dma_start3A_72 : memref<10000x80xbf16, #tpu.memory_space<vmem_shared>>) target(%dma_start3A_66 : memref<128x80xbf16, #tpu.memory_space<vmem>>) offsets(%dma_start3A_69 : memref<128xi32, #tpu.memory_space<vmem>>) semaphore(%arg11 : memref<!tpu.dma_semaphore, #tpu.memory_space<semaphore_mem>>)
      %dma_start3A_73 = arith.constant 1 : i32
      %dma_start3A_74 = arith.constant 1 : i32
      %dma_start3A_75 = arith.constant 0 : i32
      %dma_start3A_76 = arith.constant 0 : i32
      %dma_start3A_77 = tpu.memref_slice %arg8[%dma_start3A_74, %dma_start3A_75, %dma_start3A_76] : memref<10x128x80xbf16, #tpu.memory_space<vmem>> -> memref<1x128x80xbf16, #tpu.memory_space<vmem>>
      %dma_start3A_78 = tpu.memref_squeeze %dma_start3A_77 : memref<1x128x80xbf16, #tpu.memory_space<vmem>> -> memref<128x80xbf16, #tpu.memory_space<vmem>>
      %dma_start3A_79 = arith.constant 0 : i32
      %dma_start3A_80 = tpu.memref_slice %arg6[%dma_start3A_73, %dma_start3A_79] : memref<10x128xi32, #tpu.memory_space<vmem>> -> memref<1x128xi32, #tpu.memory_space<vmem>>
      %dma_start3A_81 = tpu.memref_squeeze %dma_start3A_80 : memref<1x128xi32, #tpu.memory_space<vmem>> -> memref<128xi32, #tpu.memory_space<vmem>>
      %dma_start3A_82 = arith.constant 0 : i32
      %dma_start3A_83 = arith.constant 0 : i32
      %dma_start3A_84 = tpu.memref_slice %arg9[%dma_start3A_82, %dma_start3A_83] : memref<10000x80xbf16, #tpu.memory_space<vmem_shared>> -> memref<10000x80xbf16, #tpu.memory_space<vmem_shared>>
      tpu.enqueue_indirect_dma source(%dma_start3A_84 : memref<10000x80xbf16, #tpu.memory_space<vmem_shared>>) target(%dma_start3A_78 : memref<128x80xbf16, #tpu.memory_space<vmem>>) offsets(%dma_start3A_81 : memref<128xi32, #tpu.memory_space<vmem>>) semaphore(%arg11 : memref<!tpu.dma_semaphore, #tpu.memory_space<semaphore_mem>>)
      %dma_start3A_85 = arith.constant 2 : i32
      %dma_start3A_86 = arith.constant 2 : i32
      %dma_start3A_87 = arith.constant 0 : i32
      %dma_start3A_88 = arith.constant 0 : i32
      %dma_start3A_89 = tpu.memref_slice %arg8[%dma_start3A_86, %dma_start3A_87, %dma_start3A_88] : memref<10x128x80xbf16, #tpu.memory_space<vmem>> -> memref<1x128x80xbf16, #tpu.memory_space<vmem>>
      %dma_start3A_90 = tpu.memref_squeeze %dma_start3A_89 : memref<1x128x80xbf16, #tpu.memory_space<vmem>> -> memref<128x80xbf16, #tpu.memory_space<vmem>>
      %dma_start3A_91 = arith.constant 0 : i32
      %dma_start3A_92 = tpu.memref_slice %arg6[%dma_start3A_85, %dma_start3A_91] : memref<10x128xi32, #tpu.memory_space<vmem>> -> memref<1x128xi32, #tpu.memory_space<vmem>>
      %dma_start3A_93 = tpu.memref_squeeze %dma_start3A_92 : memref<1x128xi32, #tpu.memory_space<vmem>> -> memref<128xi32, #tpu.memory_space<vmem>>
      %dma_start3A_94 = arith.constant 0 : i32
      %dma_start3A_95 = arith.constant 0 : i32
      %dma_start3A_96 = tpu.memref_slice %arg9[%dma_start3A_94, %dma_start3A_95] : memref<10000x80xbf16, #tpu.memory_space<vmem_shared>> -> memref<10000x80xbf16, #tpu.memory_space<vmem_shared>>
      tpu.enqueue_indirect_dma source(%dma_start3A_96 : memref<10000x80xbf16, #tpu.memory_space<vmem_shared>>) target(%dma_start3A_90 : memref<128x80xbf16, #tpu.memory_space<vmem>>) offsets(%dma_start3A_93 : memref<128xi32, #tpu.memory_space<vmem>>) semaphore(%arg11 : memref<!tpu.dma_semaphore, #tpu.memory_space<semaphore_mem>>)
      %dma_start3A_97 = arith.constant 3 : i32
      %dma_start3A_98 = arith.constant 3 : i32
      %dma_start3A_99 = arith.constant 0 : i32
      %dma_start3A_100 = arith.constant 0 : i32
      %dma_start3A_101 = tpu.memref_slice %arg8[%dma_start3A_98, %dma_start3A_99, %dma_start3A_100] : memref<10x128x80xbf16, #tpu.memory_space<vmem>> -> memref<1x128x80xbf16, #tpu.memory_space<vmem>>
      %dma_start3A_102 = tpu.memref_squeeze %dma_start3A_101 : memref<1x128x80xbf16, #tpu.memory_space<vmem>> -> memref<128x80xbf16, #tpu.memory_space<vmem>>
      %dma_start3A_103 = arith.constant 0 : i32
      %dma_start3A_104 = tpu.memref_slice %arg6[%dma_start3A_97, %dma_start3A_103] : memref<10x128xi32, #tpu.memory_space<vmem>> -> memref<1x128xi32, #tpu.memory_space<vmem>>
      %dma_start3A_105 = tpu.memref_squeeze %dma_start3A_104 : memref<1x128xi32, #tpu.memory_space<vmem>> -> memref<128xi32, #tpu.memory_space<vmem>>
      %dma_start3A_106 = arith.constant 0 : i32
      %dma_start3A_107 = arith.constant 0 : i32
      %dma_start3A_108 = tpu.memref_slice %arg9[%dma_start3A_106, %dma_start3A_107] : memref<10000x80xbf16, #tpu.memory_space<vmem_shared>> -> memref<10000x80xbf16, #tpu.memory_space<vmem_shared>>
      tpu.enqueue_indirect_dma source(%dma_start3A_108 : memref<10000x80xbf16, #tpu.memory_space<vmem_shared>>) target(%dma_start3A_102 : memref<128x80xbf16, #tpu.memory_space<vmem>>) offsets(%dma_start3A_105 : memref<128xi32, #tpu.memory_space<vmem>>) semaphore(%arg11 : memref<!tpu.dma_semaphore, #tpu.memory_space<semaphore_mem>>)
      %dma_start3A_109 = arith.constant 4 : i32
      %dma_start3A_110 = arith.constant 4 : i32
      %dma_start3A_111 = arith.constant 0 : i32
      %dma_start3A_112 = arith.constant 0 : i32
      %dma_start3A_113 = tpu.memref_slice %arg8[%dma_start3A_110, %dma_start3A_111, %dma_start3A_112] : memref<10x128x80xbf16, #tpu.memory_space<vmem>> -> memref<1x128x80xbf16, #tpu.memory_space<vmem>>
      %dma_start3A_114 = tpu.memref_squeeze %dma_start3A_113 : memref<1x128x80xbf16, #tpu.memory_space<vmem>> -> memref<128x80xbf16, #tpu.memory_space<vmem>>
      %dma_start3A_115 = arith.constant 0 : i32
      %dma_start3A_116 = tpu.memref_slice %arg6[%dma_start3A_109, %dma_start3A_115] : memref<10x128xi32, #tpu.memory_space<vmem>> -> memref<1x128xi32, #tpu.memory_space<vmem>>
      %dma_start3A_117 = tpu.memref_squeeze %dma_start3A_116 : memref<1x128xi32, #tpu.memory_space<vmem>> -> memref<128xi32, #tpu.memory_space<vmem>>
      %dma_start3A_118 = arith.constant 0 : i32
      %dma_start3A_119 = arith.constant 0 : i32
      %dma_start3A_120 = tpu.memref_slice %arg9[%dma_start3A_118, %dma_start3A_119] : memref<10000x80xbf16, #tpu.memory_space<vmem_shared>> -> memref<10000x80xbf16, #tpu.memory_space<vmem_shared>>
      tpu.enqueue_indirect_dma source(%dma_start3A_120 : memref<10000x80xbf16, #tpu.memory_space<vmem_shared>>) target(%dma_start3A_114 : memref<128x80xbf16, #tpu.memory_space<vmem>>) offsets(%dma_start3A_117 : memref<128xi32, #tpu.memory_space<vmem>>) semaphore(%arg11 : memref<!tpu.dma_semaphore, #tpu.memory_space<semaphore_mem>>)
      %dma_wait3A_121 = arith.constant 0 : i32
      %dma_wait3A_122 = arith.constant 0 : i32
      %dma_wait3A_123 = arith.constant 0 : i32
      %dma_wait3A_124 = arith.constant 0 : i32
      %dma_wait3A_125 = tpu.memref_slice %arg8[%dma_wait3A_122, %dma_wait3A_123, %dma_wait3A_124] : memref<10x128x80xbf16, #tpu.memory_space<vmem>> -> memref<1x128x80xbf16, #tpu.memory_space<vmem>>
      %dma_wait3A_126 = tpu.memref_squeeze %dma_wait3A_125 : memref<1x128x80xbf16, #tpu.memory_space<vmem>> -> memref<128x80xbf16, #tpu.memory_space<vmem>>
      %dma_wait3A_127 = arith.constant 0 : i32
      %dma_wait3A_128 = tpu.memref_slice %arg6[%dma_wait3A_121, %dma_wait3A_127] : memref<10x128xi32, #tpu.memory_space<vmem>> -> memref<1x128xi32, #tpu.memory_space<vmem>>
      %dma_wait3A_129 = tpu.memref_squeeze %dma_wait3A_128 : memref<1x128xi32, #tpu.memory_space<vmem>> -> memref<128xi32, #tpu.memory_space<vmem>>
      %dma_wait3A_130 = arith.constant 0 : i32
      %dma_wait3A_131 = arith.constant 0 : i32
      %dma_wait3A_132 = tpu.memref_slice %arg9[%dma_wait3A_130, %dma_wait3A_131] : memref<10000x80xbf16, #tpu.memory_space<vmem_shared>> -> memref<10000x80xbf16, #tpu.memory_space<vmem_shared>>
      tpu.wait_indirect_dma semaphore(%arg11 : memref<!tpu.dma_semaphore, #tpu.memory_space<semaphore_mem>>) src(%dma_wait3A_132 : memref<10000x80xbf16, #tpu.memory_space<vmem_shared>>) dst(%dma_wait3A_126 : memref<128x80xbf16, #tpu.memory_space<vmem>>)
      %dma_start3A_133 = arith.constant 0 : i32
      %dma_start3A_134 = arith.constant 0 : i32
      %dma_start3A_135 = arith.constant 0 : i32
      %dma_start3A_136 = arith.constant 0 : i32
      %dma_start3A_137 = tpu.memref_slice %arg8[%dma_start3A_133, %dma_start3A_135, %dma_start3A_136] : memref<10x128x80xbf16, #tpu.memory_space<vmem>> -> memref<1x128x80xbf16, #tpu.memory_space<vmem>>
      %dma_start3A_138 = tpu.memref_squeeze %dma_start3A_137 : memref<1x128x80xbf16, #tpu.memory_space<vmem>> -> memref<128x80xbf16, #tpu.memory_space<vmem>>
      %dma_start3A_139 = arith.constant 0 : i32
      %dma_start3A_140 = tpu.memref_slice %arg7[%dma_start3A_134, %dma_start3A_139] : memref<10x128xi32, #tpu.memory_space<vmem>> -> memref<1x128xi32, #tpu.memory_space<vmem>>
      %dma_start3A_141 = tpu.memref_squeeze %dma_start3A_140 : memref<1x128xi32, #tpu.memory_space<vmem>> -> memref<128xi32, #tpu.memory_space<vmem>>
      %dma_start3A_142 = arith.constant 0 : i32
      %dma_start3A_143 = arith.constant 0 : i32
      %dma_start3A_144 = tpu.memref_slice %arg10[%dma_start3A_142, %dma_start3A_143] : memref<10240x80xbf16, #tpu.memory_space<vmem_shared>> -> memref<10240x80xbf16, #tpu.memory_space<vmem_shared>>
      tpu.enqueue_indirect_dma source(%dma_start3A_138 : memref<128x80xbf16, #tpu.memory_space<vmem>>) target(%dma_start3A_144 : memref<10240x80xbf16, #tpu.memory_space<vmem_shared>>) offsets(%dma_start3A_141 : memref<128xi32, #tpu.memory_space<vmem>>) semaphore(%arg12 : memref<!tpu.dma_semaphore, #tpu.memory_space<semaphore_mem>>) {add = true}
      %dma_start3A_145 = arith.constant 5 : i32
      %dma_start3A_146 = arith.constant 5 : i32
      %dma_start3A_147 = arith.constant 0 : i32
      %dma_start3A_148 = arith.constant 0 : i32
      %dma_start3A_149 = tpu.memref_slice %arg8[%dma_start3A_146, %dma_start3A_147, %dma_start3A_148] : memref<10x128x80xbf16, #tpu.memory_space<vmem>> -> memref<1x128x80xbf16, #tpu.memory_space<vmem>>
      %dma_start3A_150 = tpu.memref_squeeze %dma_start3A_149 : memref<1x128x80xbf16, #tpu.memory_space<vmem>> -> memref<128x80xbf16, #tpu.memory_space<vmem>>
      %dma_start3A_151 = arith.constant 0 : i32
      %dma_start3A_152 = tpu.memref_slice %arg6[%dma_start3A_145, %dma_start3A_151] : memref<10x128xi32, #tpu.memory_space<vmem>> -> memref<1x128xi32, #tpu.memory_space<vmem>>
      %dma_start3A_153 = tpu.memref_squeeze %dma_start3A_152 : memref<1x128xi32, #tpu.memory_space<vmem>> -> memref<128xi32, #tpu.memory_space<vmem>>
      %dma_start3A_154 = arith.constant 0 : i32
      %dma_start3A_155 = arith.constant 0 : i32
      %dma_start3A_156 = tpu.memref_slice %arg9[%dma_start3A_154, %dma_start3A_155] : memref<10000x80xbf16, #tpu.memory_space<vmem_shared>> -> memref<10000x80xbf16, #tpu.memory_space<vmem_shared>>
      tpu.enqueue_indirect_dma source(%dma_start3A_156 : memref<10000x80xbf16, #tpu.memory_space<vmem_shared>>) target(%dma_start3A_150 : memref<128x80xbf16, #tpu.memory_space<vmem>>) offsets(%dma_start3A_153 : memref<128xi32, #tpu.memory_space<vmem>>) semaphore(%arg11 : memref<!tpu.dma_semaphore, #tpu.memory_space<semaphore_mem>>)
      %dma_wait3A_157 = arith.constant 1 : i32
      %dma_wait3A_158 = arith.constant 1 : i32
      %dma_wait3A_159 = arith.constant 0 : i32
      %dma_wait3A_160 = arith.constant 0 : i32
      %dma_wait3A_161 = tpu.memref_slice %arg8[%dma_wait3A_158, %dma_wait3A_159, %dma_wait3A_160] : memref<10x128x80xbf16, #tpu.memory_space<vmem>> -> memref<1x128x80xbf16, #tpu.memory_space<vmem>>
      %dma_wait3A_162 = tpu.memref_squeeze %dma_wait3A_161 : memref<1x128x80xbf16, #tpu.memory_space<vmem>> -> memref<128x80xbf16, #tpu.memory_space<vmem>>
      %dma_wait3A_163 = arith.constant 0 : i32
      %dma_wait3A_164 = tpu.memref_slice %arg6[%dma_wait3A_157, %dma_wait3A_163] : memref<10x128xi32, #tpu.memory_space<vmem>> -> memref<1x128xi32, #tpu.memory_space<vmem>>
      %dma_wait3A_165 = tpu.memref_squeeze %dma_wait3A_164 : memref<1x128xi32, #tpu.memory_space<vmem>> -> memref<128xi32, #tpu.memory_space<vmem>>
      %dma_wait3A_166 = arith.constant 0 : i32
      %dma_wait3A_167 = arith.constant 0 : i32
      %dma_wait3A_168 = tpu.memref_slice %arg9[%dma_wait3A_166, %dma_wait3A_167] : memref<10000x80xbf16, #tpu.memory_space<vmem_shared>> -> memref<10000x80xbf16, #tpu.memory_space<vmem_shared>>
      tpu.wait_indirect_dma semaphore(%arg11 : memref<!tpu.dma_semaphore, #tpu.memory_space<semaphore_mem>>) src(%dma_wait3A_168 : memref<10000x80xbf16, #tpu.memory_space<vmem_shared>>) dst(%dma_wait3A_162 : memref<128x80xbf16, #tpu.memory_space<vmem>>)
      %dma_start3A_169 = arith.constant 1 : i32
      %dma_start3A_170 = arith.constant 1 : i32
      %dma_start3A_171 = arith.constant 0 : i32
      %dma_start3A_172 = arith.constant 0 : i32
      %dma_start3A_173 = tpu.memref_slice %arg8[%dma_start3A_169, %dma_start3A_171, %dma_start3A_172] : memref<10x128x80xbf16, #tpu.memory_space<vmem>> -> memref<1x128x80xbf16, #tpu.memory_space<vmem>>
      %dma_start3A_174 = tpu.memref_squeeze %dma_start3A_173 : memref<1x128x80xbf16, #tpu.memory_space<vmem>> -> memref<128x80xbf16, #tpu.memory_space<vmem>>
      %dma_start3A_175 = arith.constant 0 : i32
      %dma_start3A_176 = tpu.memref_slice %arg7[%dma_start3A_170, %dma_start3A_175] : memref<10x128xi32, #tpu.memory_space<vmem>> -> memref<1x128xi32, #tpu.memory_space<vmem>>
      %dma_start3A_177 = tpu.memref_squeeze %dma_start3A_176 : memref<1x128xi32, #tpu.memory_space<vmem>> -> memref<128xi32, #tpu.memory_space<vmem>>
      %dma_start3A_178 = arith.constant 0 : i32
      %dma_start3A_179 = arith.constant 0 : i32
      %dma_start3A_180 = tpu.memref_slice %arg10[%dma_start3A_178, %dma_start3A_179] : memref<10240x80xbf16, #tpu.memory_space<vmem_shared>> -> memref<10240x80xbf16, #tpu.memory_space<vmem_shared>>
      tpu.enqueue_indirect_dma source(%dma_start3A_174 : memref<128x80xbf16, #tpu.memory_space<vmem>>) target(%dma_start3A_180 : memref<10240x80xbf16, #tpu.memory_space<vmem_shared>>) offsets(%dma_start3A_177 : memref<128xi32, #tpu.memory_space<vmem>>) semaphore(%arg12 : memref<!tpu.dma_semaphore, #tpu.memory_space<semaphore_mem>>) {add = true}
      %dma_start3A_181 = arith.constant 6 : i32
      %dma_start3A_182 = arith.constant 6 : i32
      %dma_start3A_183 = arith.constant 0 : i32
      %dma_start3A_184 = arith.constant 0 : i32
      %dma_start3A_185 = tpu.memref_slice %arg8[%dma_start3A_182, %dma_start3A_183, %dma_start3A_184] : memref<10x128x80xbf16, #tpu.memory_space<vmem>> -> memref<1x128x80xbf16, #tpu.memory_space<vmem>>
      %dma_start3A_186 = tpu.memref_squeeze %dma_start3A_185 : memref<1x128x80xbf16, #tpu.memory_space<vmem>> -> memref<128x80xbf16, #tpu.memory_space<vmem>>
      %dma_start3A_187 = arith.constant 0 : i32
      %dma_start3A_188 = tpu.memref_slice %arg6[%dma_start3A_181, %dma_start3A_187] : memref<10x128xi32, #tpu.memory_space<vmem>> -> memref<1x128xi32, #tpu.memory_space<vmem>>
      %dma_start3A_189 = tpu.memref_squeeze %dma_start3A_188 : memref<1x128xi32, #tpu.memory_space<vmem>> -> memref<128xi32, #tpu.memory_space<vmem>>
      %dma_start3A_190 = arith.constant 0 : i32
      %dma_start3A_191 = arith.constant 0 : i32
      %dma_start3A_192 = tpu.memref_slice %arg9[%dma_start3A_190, %dma_start3A_191] : memref<10000x80xbf16, #tpu.memory_space<vmem_shared>> -> memref<10000x80xbf16, #tpu.memory_space<vmem_shared>>
      tpu.enqueue_indirect_dma source(%dma_start3A_192 : memref<10000x80xbf16, #tpu.memory_space<vmem_shared>>) target(%dma_start3A_186 : memref<128x80xbf16, #tpu.memory_space<vmem>>) offsets(%dma_start3A_189 : memref<128xi32, #tpu.memory_space<vmem>>) semaphore(%arg11 : memref<!tpu.dma_semaphore, #tpu.memory_space<semaphore_mem>>)
      %dma_wait3A_193 = arith.constant 2 : i32
      %dma_wait3A_194 = arith.constant 2 : i32
      %dma_wait3A_195 = arith.constant 0 : i32
      %dma_wait3A_196 = arith.constant 0 : i32
      %dma_wait3A_197 = tpu.memref_slice %arg8[%dma_wait3A_194, %dma_wait3A_195, %dma_wait3A_196] : memref<10x128x80xbf16, #tpu.memory_space<vmem>> -> memref<1x128x80xbf16, #tpu.memory_space<vmem>>
      %dma_wait3A_198 = tpu.memref_squeeze %dma_wait3A_197 : memref<1x128x80xbf16, #tpu.memory_space<vmem>> -> memref<128x80xbf16, #tpu.memory_space<vmem>>
      %dma_wait3A_199 = arith.constant 0 : i32
      %dma_wait3A_200 = tpu.memref_slice %arg6[%dma_wait3A_193, %dma_wait3A_199] : memref<10x128xi32, #tpu.memory_space<vmem>> -> memref<1x128xi32, #tpu.memory_space<vmem>>
      %dma_wait3A_201 = tpu.memref_squeeze %dma_wait3A_200 : memref<1x128xi32, #tpu.memory_space<vmem>> -> memref<128xi32, #tpu.memory_space<vmem>>
      %dma_wait3A_202 = arith.constant 0 : i32
      %dma_wait3A_203 = arith.constant 0 : i32
      %dma_wait3A_204 = tpu.memref_slice %arg9[%dma_wait3A_202, %dma_wait3A_203] : memref<10000x80xbf16, #tpu.memory_space<vmem_shared>> -> memref<10000x80xbf16, #tpu.memory_space<vmem_shared>>
      tpu.wait_indirect_dma semaphore(%arg11 : memref<!tpu.dma_semaphore, #tpu.memory_space<semaphore_mem>>) src(%dma_wait3A_204 : memref<10000x80xbf16, #tpu.memory_space<vmem_shared>>) dst(%dma_wait3A_198 : memref<128x80xbf16, #tpu.memory_space<vmem>>)
      %dma_start3A_205 = arith.constant 2 : i32
      %dma_start3A_206 = arith.constant 2 : i32
      %dma_start3A_207 = arith.constant 0 : i32
      %dma_start3A_208 = arith.constant 0 : i32
      %dma_start3A_209 = tpu.memref_slice %arg8[%dma_start3A_205, %dma_start3A_207, %dma_start3A_208] : memref<10x128x80xbf16, #tpu.memory_space<vmem>> -> memref<1x128x80xbf16, #tpu.memory_space<vmem>>
      %dma_start3A_210 = tpu.memref_squeeze %dma_start3A_209 : memref<1x128x80xbf16, #tpu.memory_space<vmem>> -> memref<128x80xbf16, #tpu.memory_space<vmem>>
      %dma_start3A_211 = arith.constant 0 : i32
      %dma_start3A_212 = tpu.memref_slice %arg7[%dma_start3A_206, %dma_start3A_211] : memref<10x128xi32, #tpu.memory_space<vmem>> -> memref<1x128xi32, #tpu.memory_space<vmem>>
      %dma_start3A_213 = tpu.memref_squeeze %dma_start3A_212 : memref<1x128xi32, #tpu.memory_space<vmem>> -> memref<128xi32, #tpu.memory_space<vmem>>
      %dma_start3A_214 = arith.constant 0 : i32
      %dma_start3A_215 = arith.constant 0 : i32
      %dma_start3A_216 = tpu.memref_slice %arg10[%dma_start3A_214, %dma_start3A_215] : memref<10240x80xbf16, #tpu.memory_space<vmem_shared>> -> memref<10240x80xbf16, #tpu.memory_space<vmem_shared>>
      tpu.enqueue_indirect_dma source(%dma_start3A_210 : memref<128x80xbf16, #tpu.memory_space<vmem>>) target(%dma_start3A_216 : memref<10240x80xbf16, #tpu.memory_space<vmem_shared>>) offsets(%dma_start3A_213 : memref<128xi32, #tpu.memory_space<vmem>>) semaphore(%arg12 : memref<!tpu.dma_semaphore, #tpu.memory_space<semaphore_mem>>) {add = true}
      %dma_start3A_217 = arith.constant 7 : i32
      %dma_start3A_218 = arith.constant 7 : i32
      %dma_start3A_219 = arith.constant 0 : i32
      %dma_start3A_220 = arith.constant 0 : i32
      %dma_start3A_221 = tpu.memref_slice %arg8[%dma_start3A_218, %dma_start3A_219, %dma_start3A_220] : memref<10x128x80xbf16, #tpu.memory_space<vmem>> -> memref<1x128x80xbf16, #tpu.memory_space<vmem>>
      %dma_start3A_222 = tpu.memref_squeeze %dma_start3A_221 : memref<1x128x80xbf16, #tpu.memory_space<vmem>> -> memref<128x80xbf16, #tpu.memory_space<vmem>>
      %dma_start3A_223 = arith.constant 0 : i32
      %dma_start3A_224 = tpu.memref_slice %arg6[%dma_start3A_217, %dma_start3A_223] : memref<10x128xi32, #tpu.memory_space<vmem>> -> memref<1x128xi32, #tpu.memory_space<vmem>>
      %dma_start3A_225 = tpu.memref_squeeze %dma_start3A_224 : memref<1x128xi32, #tpu.memory_space<vmem>> -> memref<128xi32, #tpu.memory_space<vmem>>
      %dma_start3A_226 = arith.constant 0 : i32
      %dma_start3A_227 = arith.constant 0 : i32
      %dma_start3A_228 = tpu.memref_slice %arg9[%dma_start3A_226, %dma_start3A_227] : memref<10000x80xbf16, #tpu.memory_space<vmem_shared>> -> memref<10000x80xbf16, #tpu.memory_space<vmem_shared>>
      tpu.enqueue_indirect_dma source(%dma_start3A_228 : memref<10000x80xbf16, #tpu.memory_space<vmem_shared>>) target(%dma_start3A_222 : memref<128x80xbf16, #tpu.memory_space<vmem>>) offsets(%dma_start3A_225 : memref<128xi32, #tpu.memory_space<vmem>>) semaphore(%arg11 : memref<!tpu.dma_semaphore, #tpu.memory_space<semaphore_mem>>)
      %dma_wait3A_229 = arith.constant 3 : i32
      %dma_wait3A_230 = arith.constant 3 : i32
      %dma_wait3A_231 = arith.constant 0 : i32
      %dma_wait3A_232 = arith.constant 0 : i32
      %dma_wait3A_233 = tpu.memref_slice %arg8[%dma_wait3A_230, %dma_wait3A_231, %dma_wait3A_232] : memref<10x128x80xbf16, #tpu.memory_space<vmem>> -> memref<1x128x80xbf16, #tpu.memory_space<vmem>>
      %dma_wait3A_234 = tpu.memref_squeeze %dma_wait3A_233 : memref<1x128x80xbf16, #tpu.memory_space<vmem>> -> memref<128x80xbf16, #tpu.memory_space<vmem>>
      %dma_wait3A_235 = arith.constant 0 : i32
      %dma_wait3A_236 = tpu.memref_slice %arg6[%dma_wait3A_229, %dma_wait3A_235] : memref<10x128xi32, #tpu.memory_space<vmem>> -> memref<1x128xi32, #tpu.memory_space<vmem>>
      %dma_wait3A_237 = tpu.memref_squeeze %dma_wait3A_236 : memref<1x128xi32, #tpu.memory_space<vmem>> -> memref<128xi32, #tpu.memory_space<vmem>>
      %dma_wait3A_238 = arith.constant 0 : i32
      %dma_wait3A_239 = arith.constant 0 : i32
      %dma_wait3A_240 = tpu.memref_slice %arg9[%dma_wait3A_238, %dma_wait3A_239] : memref<10000x80xbf16, #tpu.memory_space<vmem_shared>> -> memref<10000x80xbf16, #tpu.memory_space<vmem_shared>>
      tpu.wait_indirect_dma semaphore(%arg11 : memref<!tpu.dma_semaphore, #tpu.memory_space<semaphore_mem>>) src(%dma_wait3A_240 : memref<10000x80xbf16, #tpu.memory_space<vmem_shared>>) dst(%dma_wait3A_234 : memref<128x80xbf16, #tpu.memory_space<vmem>>)
      %dma_start3A_241 = arith.constant 3 : i32
      %dma_start3A_242 = arith.constant 3 : i32
      %dma_start3A_243 = arith.constant 0 : i32
      %dma_start3A_244 = arith.constant 0 : i32
      %dma_start3A_245 = tpu.memref_slice %arg8[%dma_start3A_241, %dma_start3A_243, %dma_start3A_244] : memref<10x128x80xbf16, #tpu.memory_space<vmem>> -> memref<1x128x80xbf16, #tpu.memory_space<vmem>>
      %dma_start3A_246 = tpu.memref_squeeze %dma_start3A_245 : memref<1x128x80xbf16, #tpu.memory_space<vmem>> -> memref<128x80xbf16, #tpu.memory_space<vmem>>
      %dma_start3A_247 = arith.constant 0 : i32
      %dma_start3A_248 = tpu.memref_slice %arg7[%dma_start3A_242, %dma_start3A_247] : memref<10x128xi32, #tpu.memory_space<vmem>> -> memref<1x128xi32, #tpu.memory_space<vmem>>
      %dma_start3A_249 = tpu.memref_squeeze %dma_start3A_248 : memref<1x128xi32, #tpu.memory_space<vmem>> -> memref<128xi32, #tpu.memory_space<vmem>>
      %dma_start3A_250 = arith.constant 0 : i32
      %dma_start3A_251 = arith.constant 0 : i32
      %dma_start3A_252 = tpu.memref_slice %arg10[%dma_start3A_250, %dma_start3A_251] : memref<10240x80xbf16, #tpu.memory_space<vmem_shared>> -> memref<10240x80xbf16, #tpu.memory_space<vmem_shared>>
      tpu.enqueue_indirect_dma source(%dma_start3A_246 : memref<128x80xbf16, #tpu.memory_space<vmem>>) target(%dma_start3A_252 : memref<10240x80xbf16, #tpu.memory_space<vmem_shared>>) offsets(%dma_start3A_249 : memref<128xi32, #tpu.memory_space<vmem>>) semaphore(%arg12 : memref<!tpu.dma_semaphore, #tpu.memory_space<semaphore_mem>>) {add = true}
      %dma_start3A_253 = arith.constant 8 : i32
      %dma_start3A_254 = arith.constant 8 : i32
      %dma_start3A_255 = arith.constant 0 : i32
      %dma_start3A_256 = arith.constant 0 : i32
      %dma_start3A_257 = tpu.memref_slice %arg8[%dma_start3A_254, %dma_start3A_255, %dma_start3A_256] : memref<10x128x80xbf16, #tpu.memory_space<vmem>> -> memref<1x128x80xbf16, #tpu.memory_space<vmem>>
      %dma_start3A_258 = tpu.memref_squeeze %dma_start3A_257 : memref<1x128x80xbf16, #tpu.memory_space<vmem>> -> memref<128x80xbf16, #tpu.memory_space<vmem>>
      %dma_start3A_259 = arith.constant 0 : i32
      %dma_start3A_260 = tpu.memref_slice %arg6[%dma_start3A_253, %dma_start3A_259] : memref<10x128xi32, #tpu.memory_space<vmem>> -> memref<1x128xi32, #tpu.memory_space<vmem>>
      %dma_start3A_261 = tpu.memref_squeeze %dma_start3A_260 : memref<1x128xi32, #tpu.memory_space<vmem>> -> memref<128xi32, #tpu.memory_space<vmem>>
      %dma_start3A_262 = arith.constant 0 : i32
      %dma_start3A_263 = arith.constant 0 : i32
      %dma_start3A_264 = tpu.memref_slice %arg9[%dma_start3A_262, %dma_start3A_263] : memref<10000x80xbf16, #tpu.memory_space<vmem_shared>> -> memref<10000x80xbf16, #tpu.memory_space<vmem_shared>>
      tpu.enqueue_indirect_dma source(%dma_start3A_264 : memref<10000x80xbf16, #tpu.memory_space<vmem_shared>>) target(%dma_start3A_258 : memref<128x80xbf16, #tpu.memory_space<vmem>>) offsets(%dma_start3A_261 : memref<128xi32, #tpu.memory_space<vmem>>) semaphore(%arg11 : memref<!tpu.dma_semaphore, #tpu.memory_space<semaphore_mem>>)
      %dma_wait3A_265 = arith.constant 4 : i32
      %dma_wait3A_266 = arith.constant 4 : i32
      %dma_wait3A_267 = arith.constant 0 : i32
      %dma_wait3A_268 = arith.constant 0 : i32
      %dma_wait3A_269 = tpu.memref_slice %arg8[%dma_wait3A_266, %dma_wait3A_267, %dma_wait3A_268] : memref<10x128x80xbf16, #tpu.memory_space<vmem>> -> memref<1x128x80xbf16, #tpu.memory_space<vmem>>
      %dma_wait3A_270 = tpu.memref_squeeze %dma_wait3A_269 : memref<1x128x80xbf16, #tpu.memory_space<vmem>> -> memref<128x80xbf16, #tpu.memory_space<vmem>>
      %dma_wait3A_271 = arith.constant 0 : i32
      %dma_wait3A_272 = tpu.memref_slice %arg6[%dma_wait3A_265, %dma_wait3A_271] : memref<10x128xi32, #tpu.memory_space<vmem>> -> memref<1x128xi32, #tpu.memory_space<vmem>>
      %dma_wait3A_273 = tpu.memref_squeeze %dma_wait3A_272 : memref<1x128xi32, #tpu.memory_space<vmem>> -> memref<128xi32, #tpu.memory_space<vmem>>
      %dma_wait3A_274 = arith.constant 0 : i32
      %dma_wait3A_275 = arith.constant 0 : i32
      %dma_wait3A_276 = tpu.memref_slice %arg9[%dma_wait3A_274, %dma_wait3A_275] : memref<10000x80xbf16, #tpu.memory_space<vmem_shared>> -> memref<10000x80xbf16, #tpu.memory_space<vmem_shared>>
      tpu.wait_indirect_dma semaphore(%arg11 : memref<!tpu.dma_semaphore, #tpu.memory_space<semaphore_mem>>) src(%dma_wait3A_276 : memref<10000x80xbf16, #tpu.memory_space<vmem_shared>>) dst(%dma_wait3A_270 : memref<128x80xbf16, #tpu.memory_space<vmem>>)
      %dma_start3A_277 = arith.constant 4 : i32
      %dma_start3A_278 = arith.constant 4 : i32
      %dma_start3A_279 = arith.constant 0 : i32
      %dma_start3A_280 = arith.constant 0 : i32
      %dma_start3A_281 = tpu.memref_slice %arg8[%dma_start3A_277, %dma_start3A_279, %dma_start3A_280] : memref<10x128x80xbf16, #tpu.memory_space<vmem>> -> memref<1x128x80xbf16, #tpu.memory_space<vmem>>
      %dma_start3A_282 = tpu.memref_squeeze %dma_start3A_281 : memref<1x128x80xbf16, #tpu.memory_space<vmem>> -> memref<128x80xbf16, #tpu.memory_space<vmem>>
      %dma_start3A_283 = arith.constant 0 : i32
      %dma_start3A_284 = tpu.memref_slice %arg7[%dma_start3A_278, %dma_start3A_283] : memref<10x128xi32, #tpu.memory_space<vmem>> -> memref<1x128xi32, #tpu.memory_space<vmem>>
      %dma_start3A_285 = tpu.memref_squeeze %dma_start3A_284 : memref<1x128xi32, #tpu.memory_space<vmem>> -> memref<128xi32, #tpu.memory_space<vmem>>
      %dma_start3A_286 = arith.constant 0 : i32
      %dma_start3A_287 = arith.constant 0 : i32
      %dma_start3A_288 = tpu.memref_slice %arg10[%dma_start3A_286, %dma_start3A_287] : memref<10240x80xbf16, #tpu.memory_space<vmem_shared>> -> memref<10240x80xbf16, #tpu.memory_space<vmem_shared>>
      tpu.enqueue_indirect_dma source(%dma_start3A_282 : memref<128x80xbf16, #tpu.memory_space<vmem>>) target(%dma_start3A_288 : memref<10240x80xbf16, #tpu.memory_space<vmem_shared>>) offsets(%dma_start3A_285 : memref<128xi32, #tpu.memory_space<vmem>>) semaphore(%arg12 : memref<!tpu.dma_semaphore, #tpu.memory_space<semaphore_mem>>) {add = true}
      %dma_start3A_289 = arith.constant 9 : i32
      %dma_start3A_290 = arith.constant 9 : i32
      %dma_start3A_291 = arith.constant 0 : i32
      %dma_start3A_292 = arith.constant 0 : i32
      %dma_start3A_293 = tpu.memref_slice %arg8[%dma_start3A_290, %dma_start3A_291, %dma_start3A_292] : memref<10x128x80xbf16, #tpu.memory_space<vmem>> -> memref<1x128x80xbf16, #tpu.memory_space<vmem>>
      %dma_start3A_294 = tpu.memref_squeeze %dma_start3A_293 : memref<1x128x80xbf16, #tpu.memory_space<vmem>> -> memref<128x80xbf16, #tpu.memory_space<vmem>>
      %dma_start3A_295 = arith.constant 0 : i32
      %dma_start3A_296 = tpu.memref_slice %arg6[%dma_start3A_289, %dma_start3A_295] : memref<10x128xi32, #tpu.memory_space<vmem>> -> memref<1x128xi32, #tpu.memory_space<vmem>>
      %dma_start3A_297 = tpu.memref_squeeze %dma_start3A_296 : memref<1x128xi32, #tpu.memory_space<vmem>> -> memref<128xi32, #tpu.memory_space<vmem>>
      %dma_start3A_298 = arith.constant 0 : i32
      %dma_start3A_299 = arith.constant 0 : i32
      %dma_start3A_300 = tpu.memref_slice %arg9[%dma_start3A_298, %dma_start3A_299] : memref<10000x80xbf16, #tpu.memory_space<vmem_shared>> -> memref<10000x80xbf16, #tpu.memory_space<vmem_shared>>
      tpu.enqueue_indirect_dma source(%dma_start3A_300 : memref<10000x80xbf16, #tpu.memory_space<vmem_shared>>) target(%dma_start3A_294 : memref<128x80xbf16, #tpu.memory_space<vmem>>) offsets(%dma_start3A_297 : memref<128xi32, #tpu.memory_space<vmem>>) semaphore(%arg11 : memref<!tpu.dma_semaphore, #tpu.memory_space<semaphore_mem>>)
      %dma_wait3A_301 = arith.constant 5 : i32
      %dma_wait3A_302 = arith.constant 5 : i32
      %dma_wait3A_303 = arith.constant 0 : i32
      %dma_wait3A_304 = arith.constant 0 : i32
      %dma_wait3A_305 = tpu.memref_slice %arg8[%dma_wait3A_302, %dma_wait3A_303, %dma_wait3A_304] : memref<10x128x80xbf16, #tpu.memory_space<vmem>> -> memref<1x128x80xbf16, #tpu.memory_space<vmem>>
      %dma_wait3A_306 = tpu.memref_squeeze %dma_wait3A_305 : memref<1x128x80xbf16, #tpu.memory_space<vmem>> -> memref<128x80xbf16, #tpu.memory_space<vmem>>
      %dma_wait3A_307 = arith.constant 0 : i32
      %dma_wait3A_308 = tpu.memref_slice %arg6[%dma_wait3A_301, %dma_wait3A_307] : memref<10x128xi32, #tpu.memory_space<vmem>> -> memref<1x128xi32, #tpu.memory_space<vmem>>
      %dma_wait3A_309 = tpu.memref_squeeze %dma_wait3A_308 : memref<1x128xi32, #tpu.memory_space<vmem>> -> memref<128xi32, #tpu.memory_space<vmem>>
      %dma_wait3A_310 = arith.constant 0 : i32
      %dma_wait3A_311 = arith.constant 0 : i32
      %dma_wait3A_312 = tpu.memref_slice %arg9[%dma_wait3A_310, %dma_wait3A_311] : memref<10000x80xbf16, #tpu.memory_space<vmem_shared>> -> memref<10000x80xbf16, #tpu.memory_space<vmem_shared>>
      tpu.wait_indirect_dma semaphore(%arg11 : memref<!tpu.dma_semaphore, #tpu.memory_space<semaphore_mem>>) src(%dma_wait3A_312 : memref<10000x80xbf16, #tpu.memory_space<vmem_shared>>) dst(%dma_wait3A_306 : memref<128x80xbf16, #tpu.memory_space<vmem>>)
      %dma_start3A_313 = arith.constant 5 : i32
      %dma_start3A_314 = arith.constant 5 : i32
      %dma_start3A_315 = arith.constant 0 : i32
      %dma_start3A_316 = arith.constant 0 : i32
      %dma_start3A_317 = tpu.memref_slice %arg8[%dma_start3A_313, %dma_start3A_315, %dma_start3A_316] : memref<10x128x80xbf16, #tpu.memory_space<vmem>> -> memref<1x128x80xbf16, #tpu.memory_space<vmem>>
      %dma_start3A_318 = tpu.memref_squeeze %dma_start3A_317 : memref<1x128x80xbf16, #tpu.memory_space<vmem>> -> memref<128x80xbf16, #tpu.memory_space<vmem>>
      %dma_start3A_319 = arith.constant 0 : i32
      %dma_start3A_320 = tpu.memref_slice %arg7[%dma_start3A_314, %dma_start3A_319] : memref<10x128xi32, #tpu.memory_space<vmem>> -> memref<1x128xi32, #tpu.memory_space<vmem>>
      %dma_start3A_321 = tpu.memref_squeeze %dma_start3A_320 : memref<1x128xi32, #tpu.memory_space<vmem>> -> memref<128xi32, #tpu.memory_space<vmem>>
      %dma_start3A_322 = arith.constant 0 : i32
      %dma_start3A_323 = arith.constant 0 : i32
      %dma_start3A_324 = tpu.memref_slice %arg10[%dma_start3A_322, %dma_start3A_323] : memref<10240x80xbf16, #tpu.memory_space<vmem_shared>> -> memref<10240x80xbf16, #tpu.memory_space<vmem_shared>>
      tpu.enqueue_indirect_dma source(%dma_start3A_318 : memref<128x80xbf16, #tpu.memory_space<vmem>>) target(%dma_start3A_324 : memref<10240x80xbf16, #tpu.memory_space<vmem_shared>>) offsets(%dma_start3A_321 : memref<128xi32, #tpu.memory_space<vmem>>) semaphore(%arg12 : memref<!tpu.dma_semaphore, #tpu.memory_space<semaphore_mem>>) {add = true}
      %dma_wait3A_325 = arith.constant 6 : i32
      %dma_wait3A_326 = arith.constant 6 : i32
      %dma_wait3A_327 = arith.constant 0 : i32
      %dma_wait3A_328 = arith.constant 0 : i32
      %dma_wait3A_329 = tpu.memref_slice %arg8[%dma_wait3A_326, %dma_wait3A_327, %dma_wait3A_328] : memref<10x128x80xbf16, #tpu.memory_space<vmem>> -> memref<1x128x80xbf16, #tpu.memory_space<vmem>>
      %dma_wait3A_330 = tpu.memref_squeeze %dma_wait3A_329 : memref<1x128x80xbf16, #tpu.memory_space<vmem>> -> memref<128x80xbf16, #tpu.memory_space<vmem>>
      %dma_wait3A_331 = arith.constant 0 : i32
      %dma_wait3A_332 = tpu.memref_slice %arg6[%dma_wait3A_325, %dma_wait3A_331] : memref<10x128xi32, #tpu.memory_space<vmem>> -> memref<1x128xi32, #tpu.memory_space<vmem>>
      %dma_wait3A_333 = tpu.memref_squeeze %dma_wait3A_332 : memref<1x128xi32, #tpu.memory_space<vmem>> -> memref<128xi32, #tpu.memory_space<vmem>>
      %dma_wait3A_334 = arith.constant 0 : i32
      %dma_wait3A_335 = arith.constant 0 : i32
      %dma_wait3A_336 = tpu.memref_slice %arg9[%dma_wait3A_334, %dma_wait3A_335] : memref<10000x80xbf16, #tpu.memory_space<vmem_shared>> -> memref<10000x80xbf16, #tpu.memory_space<vmem_shared>>
      tpu.wait_indirect_dma semaphore(%arg11 : memref<!tpu.dma_semaphore, #tpu.memory_space<semaphore_mem>>) src(%dma_wait3A_336 : memref<10000x80xbf16, #tpu.memory_space<vmem_shared>>) dst(%dma_wait3A_330 : memref<128x80xbf16, #tpu.memory_space<vmem>>)
      %dma_start3A_337 = arith.constant 6 : i32
      %dma_start3A_338 = arith.constant 6 : i32
      %dma_start3A_339 = arith.constant 0 : i32
      %dma_start3A_340 = arith.constant 0 : i32
      %dma_start3A_341 = tpu.memref_slice %arg8[%dma_start3A_337, %dma_start3A_339, %dma_start3A_340] : memref<10x128x80xbf16, #tpu.memory_space<vmem>> -> memref<1x128x80xbf16, #tpu.memory_space<vmem>>
      %dma_start3A_342 = tpu.memref_squeeze %dma_start3A_341 : memref<1x128x80xbf16, #tpu.memory_space<vmem>> -> memref<128x80xbf16, #tpu.memory_space<vmem>>
      %dma_start3A_343 = arith.constant 0 : i32
      %dma_start3A_344 = tpu.memref_slice %arg7[%dma_start3A_338, %dma_start3A_343] : memref<10x128xi32, #tpu.memory_space<vmem>> -> memref<1x128xi32, #tpu.memory_space<vmem>>
      %dma_start3A_345 = tpu.memref_squeeze %dma_start3A_344 : memref<1x128xi32, #tpu.memory_space<vmem>> -> memref<128xi32, #tpu.memory_space<vmem>>
      %dma_start3A_346 = arith.constant 0 : i32
      %dma_start3A_347 = arith.constant 0 : i32
      %dma_start3A_348 = tpu.memref_slice %arg10[%dma_start3A_346, %dma_start3A_347] : memref<10240x80xbf16, #tpu.memory_space<vmem_shared>> -> memref<10240x80xbf16, #tpu.memory_space<vmem_shared>>
      tpu.enqueue_indirect_dma source(%dma_start3A_342 : memref<128x80xbf16, #tpu.memory_space<vmem>>) target(%dma_start3A_348 : memref<10240x80xbf16, #tpu.memory_space<vmem_shared>>) offsets(%dma_start3A_345 : memref<128xi32, #tpu.memory_space<vmem>>) semaphore(%arg12 : memref<!tpu.dma_semaphore, #tpu.memory_space<semaphore_mem>>) {add = true}
      %dma_wait3A_349 = arith.constant 7 : i32
      %dma_wait3A_350 = arith.constant 7 : i32
      %dma_wait3A_351 = arith.constant 0 : i32
      %dma_wait3A_352 = arith.constant 0 : i32
      %dma_wait3A_353 = tpu.memref_slice %arg8[%dma_wait3A_350, %dma_wait3A_351, %dma_wait3A_352] : memref<10x128x80xbf16, #tpu.memory_space<vmem>> -> memref<1x128x80xbf16, #tpu.memory_space<vmem>>
      %dma_wait3A_354 = tpu.memref_squeeze %dma_wait3A_353 : memref<1x128x80xbf16, #tpu.memory_space<vmem>> -> memref<128x80xbf16, #tpu.memory_space<vmem>>
      %dma_wait3A_355 = arith.constant 0 : i32
      %dma_wait3A_356 = tpu.memref_slice %arg6[%dma_wait3A_349, %dma_wait3A_355] : memref<10x128xi32, #tpu.memory_space<vmem>> -> memref<1x128xi32, #tpu.memory_space<vmem>>
      %dma_wait3A_357 = tpu.memref_squeeze %dma_wait3A_356 : memref<1x128xi32, #tpu.memory_space<vmem>> -> memref<128xi32, #tpu.memory_space<vmem>>
      %dma_wait3A_358 = arith.constant 0 : i32
      %dma_wait3A_359 = arith.constant 0 : i32
      %dma_wait3A_360 = tpu.memref_slice %arg9[%dma_wait3A_358, %dma_wait3A_359] : memref<10000x80xbf16, #tpu.memory_space<vmem_shared>> -> memref<10000x80xbf16, #tpu.memory_space<vmem_shared>>
      tpu.wait_indirect_dma semaphore(%arg11 : memref<!tpu.dma_semaphore, #tpu.memory_space<semaphore_mem>>) src(%dma_wait3A_360 : memref<10000x80xbf16, #tpu.memory_space<vmem_shared>>) dst(%dma_wait3A_354 : memref<128x80xbf16, #tpu.memory_space<vmem>>)
      %dma_start3A_361 = arith.constant 7 : i32
      %dma_start3A_362 = arith.constant 7 : i32
      %dma_start3A_363 = arith.constant 0 : i32
      %dma_start3A_364 = arith.constant 0 : i32
      %dma_start3A_365 = tpu.memref_slice %arg8[%dma_start3A_361, %dma_start3A_363, %dma_start3A_364] : memref<10x128x80xbf16, #tpu.memory_space<vmem>> -> memref<1x128x80xbf16, #tpu.memory_space<vmem>>
      %dma_start3A_366 = tpu.memref_squeeze %dma_start3A_365 : memref<1x128x80xbf16, #tpu.memory_space<vmem>> -> memref<128x80xbf16, #tpu.memory_space<vmem>>
      %dma_start3A_367 = arith.constant 0 : i32
      %dma_start3A_368 = tpu.memref_slice %arg7[%dma_start3A_362, %dma_start3A_367] : memref<10x128xi32, #tpu.memory_space<vmem>> -> memref<1x128xi32, #tpu.memory_space<vmem>>
      %dma_start3A_369 = tpu.memref_squeeze %dma_start3A_368 : memref<1x128xi32, #tpu.memory_space<vmem>> -> memref<128xi32, #tpu.memory_space<vmem>>
      %dma_start3A_370 = arith.constant 0 : i32
      %dma_start3A_371 = arith.constant 0 : i32
      %dma_start3A_372 = tpu.memref_slice %arg10[%dma_start3A_370, %dma_start3A_371] : memref<10240x80xbf16, #tpu.memory_space<vmem_shared>> -> memref<10240x80xbf16, #tpu.memory_space<vmem_shared>>
      tpu.enqueue_indirect_dma source(%dma_start3A_366 : memref<128x80xbf16, #tpu.memory_space<vmem>>) target(%dma_start3A_372 : memref<10240x80xbf16, #tpu.memory_space<vmem_shared>>) offsets(%dma_start3A_369 : memref<128xi32, #tpu.memory_space<vmem>>) semaphore(%arg12 : memref<!tpu.dma_semaphore, #tpu.memory_space<semaphore_mem>>) {add = true}
      %dma_wait3A_373 = arith.constant 8 : i32
      %dma_wait3A_374 = arith.constant 8 : i32
      %dma_wait3A_375 = arith.constant 0 : i32
      %dma_wait3A_376 = arith.constant 0 : i32
      %dma_wait3A_377 = tpu.memref_slice %arg8[%dma_wait3A_374, %dma_wait3A_375, %dma_wait3A_376] : memref<10x128x80xbf16, #tpu.memory_space<vmem>> -> memref<1x128x80xbf16, #tpu.memory_space<vmem>>
      %dma_wait3A_378 = tpu.memref_squeeze %dma_wait3A_377 : memref<1x128x80xbf16, #tpu.memory_space<vmem>> -> memref<128x80xbf16, #tpu.memory_space<vmem>>
      %dma_wait3A_379 = arith.constant 0 : i32
      %dma_wait3A_380 = tpu.memref_slice %arg6[%dma_wait3A_373, %dma_wait3A_379] : memref<10x128xi32, #tpu.memory_space<vmem>> -> memref<1x128xi32, #tpu.memory_space<vmem>>
      %dma_wait3A_381 = tpu.memref_squeeze %dma_wait3A_380 : memref<1x128xi32, #tpu.memory_space<vmem>> -> memref<128xi32, #tpu.memory_space<vmem>>
      %dma_wait3A_382 = arith.constant 0 : i32
      %dma_wait3A_383 = arith.constant 0 : i32
      %dma_wait3A_384 = tpu.memref_slice %arg9[%dma_wait3A_382, %dma_wait3A_383] : memref<10000x80xbf16, #tpu.memory_space<vmem_shared>> -> memref<10000x80xbf16, #tpu.memory_space<vmem_shared>>
      tpu.wait_indirect_dma semaphore(%arg11 : memref<!tpu.dma_semaphore, #tpu.memory_space<semaphore_mem>>) src(%dma_wait3A_384 : memref<10000x80xbf16, #tpu.memory_space<vmem_shared>>) dst(%dma_wait3A_378 : memref<128x80xbf16, #tpu.memory_space<vmem>>)
      %dma_start3A_385 = arith.constant 8 : i32
      %dma_start3A_386 = arith.constant 8 : i32
      %dma_start3A_387 = arith.constant 0 : i32
      %dma_start3A_388 = arith.constant 0 : i32
      %dma_start3A_389 = tpu.memref_slice %arg8[%dma_start3A_385, %dma_start3A_387, %dma_start3A_388] : memref<10x128x80xbf16, #tpu.memory_space<vmem>> -> memref<1x128x80xbf16, #tpu.memory_space<vmem>>
      %dma_start3A_390 = tpu.memref_squeeze %dma_start3A_389 : memref<1x128x80xbf16, #tpu.memory_space<vmem>> -> memref<128x80xbf16, #tpu.memory_space<vmem>>
      %dma_start3A_391 = arith.constant 0 : i32
      %dma_start3A_392 = tpu.memref_slice %arg7[%dma_start3A_386, %dma_start3A_391] : memref<10x128xi32, #tpu.memory_space<vmem>> -> memref<1x128xi32, #tpu.memory_space<vmem>>
      %dma_start3A_393 = tpu.memref_squeeze %dma_start3A_392 : memref<1x128xi32, #tpu.memory_space<vmem>> -> memref<128xi32, #tpu.memory_space<vmem>>
      %dma_start3A_394 = arith.constant 0 : i32
      %dma_start3A_395 = arith.constant 0 : i32
      %dma_start3A_396 = tpu.memref_slice %arg10[%dma_start3A_394, %dma_start3A_395] : memref<10240x80xbf16, #tpu.memory_space<vmem_shared>> -> memref<10240x80xbf16, #tpu.memory_space<vmem_shared>>
      tpu.enqueue_indirect_dma source(%dma_start3A_390 : memref<128x80xbf16, #tpu.memory_space<vmem>>) target(%dma_start3A_396 : memref<10240x80xbf16, #tpu.memory_space<vmem_shared>>) offsets(%dma_start3A_393 : memref<128xi32, #tpu.memory_space<vmem>>) semaphore(%arg12 : memref<!tpu.dma_semaphore, #tpu.memory_space<semaphore_mem>>) {add = true}
      %dma_wait3A_397 = arith.constant 9 : i32
      %dma_wait3A_398 = arith.constant 9 : i32
      %dma_wait3A_399 = arith.constant 0 : i32
      %dma_wait3A_400 = arith.constant 0 : i32
      %dma_wait3A_401 = tpu.memref_slice %arg8[%dma_wait3A_398, %dma_wait3A_399, %dma_wait3A_400] : memref<10x128x80xbf16, #tpu.memory_space<vmem>> -> memref<1x128x80xbf16, #tpu.memory_space<vmem>>
      %dma_wait3A_402 = tpu.memref_squeeze %dma_wait3A_401 : memref<1x128x80xbf16, #tpu.memory_space<vmem>> -> memref<128x80xbf16, #tpu.memory_space<vmem>>
      %dma_wait3A_403 = arith.constant 0 : i32
      %dma_wait3A_404 = tpu.memref_slice %arg6[%dma_wait3A_397, %dma_wait3A_403] : memref<10x128xi32, #tpu.memory_space<vmem>> -> memref<1x128xi32, #tpu.memory_space<vmem>>
      %dma_wait3A_405 = tpu.memref_squeeze %dma_wait3A_404 : memref<1x128xi32, #tpu.memory_space<vmem>> -> memref<128xi32, #tpu.memory_space<vmem>>
      %dma_wait3A_406 = arith.constant 0 : i32
      %dma_wait3A_407 = arith.constant 0 : i32
      %dma_wait3A_408 = tpu.memref_slice %arg9[%dma_wait3A_406, %dma_wait3A_407] : memref<10000x80xbf16, #tpu.memory_space<vmem_shared>> -> memref<10000x80xbf16, #tpu.memory_space<vmem_shared>>
      tpu.wait_indirect_dma semaphore(%arg11 : memref<!tpu.dma_semaphore, #tpu.memory_space<semaphore_mem>>) src(%dma_wait3A_408 : memref<10000x80xbf16, #tpu.memory_space<vmem_shared>>) dst(%dma_wait3A_402 : memref<128x80xbf16, #tpu.memory_space<vmem>>)
      %dma_start3A_409 = arith.constant 9 : i32
      %dma_start3A_410 = arith.constant 9 : i32
      %dma_start3A_411 = arith.constant 0 : i32
      %dma_start3A_412 = arith.constant 0 : i32
      %dma_start3A_413 = tpu.memref_slice %arg8[%dma_start3A_409, %dma_start3A_411, %dma_start3A_412] : memref<10x128x80xbf16, #tpu.memory_space<vmem>> -> memref<1x128x80xbf16, #tpu.memory_space<vmem>>
      %dma_start3A_414 = tpu.memref_squeeze %dma_start3A_413 : memref<1x128x80xbf16, #tpu.memory_space<vmem>> -> memref<128x80xbf16, #tpu.memory_space<vmem>>
      %dma_start3A_415 = arith.constant 0 : i32
      %dma_start3A_416 = tpu.memref_slice %arg7[%dma_start3A_410, %dma_start3A_415] : memref<10x128xi32, #tpu.memory_space<vmem>> -> memref<1x128xi32, #tpu.memory_space<vmem>>
      %dma_start3A_417 = tpu.memref_squeeze %dma_start3A_416 : memref<1x128xi32, #tpu.memory_space<vmem>> -> memref<128xi32, #tpu.memory_space<vmem>>
      %dma_start3A_418 = arith.constant 0 : i32
      %dma_start3A_419 = arith.constant 0 : i32
      %dma_start3A_420 = tpu.memref_slice %arg10[%dma_start3A_418, %dma_start3A_419] : memref<10240x80xbf16, #tpu.memory_space<vmem_shared>> -> memref<10240x80xbf16, #tpu.memory_space<vmem_shared>>
      tpu.enqueue_indirect_dma source(%dma_start3A_414 : memref<128x80xbf16, #tpu.memory_space<vmem>>) target(%dma_start3A_420 : memref<10240x80xbf16, #tpu.memory_space<vmem_shared>>) offsets(%dma_start3A_417 : memref<128xi32, #tpu.memory_space<vmem>>) semaphore(%arg12 : memref<!tpu.dma_semaphore, #tpu.memory_space<semaphore_mem>>) {add = true}
      %dma_wait3A_421 = arith.constant 0 : i32
      %dma_wait3A_422 = arith.constant 0 : i32
      %dma_wait3A_423 = arith.constant 0 : i32
      %dma_wait3A_424 = arith.constant 0 : i32
      %dma_wait3A_425 = tpu.memref_slice %arg8[%dma_wait3A_421, %dma_wait3A_423, %dma_wait3A_424] : memref<10x128x80xbf16, #tpu.memory_space<vmem>> -> memref<1x128x80xbf16, #tpu.memory_space<vmem>>
      %dma_wait3A_426 = tpu.memref_squeeze %dma_wait3A_425 : memref<1x128x80xbf16, #tpu.memory_space<vmem>> -> memref<128x80xbf16, #tpu.memory_space<vmem>>
      %dma_wait3A_427 = arith.constant 0 : i32
      %dma_wait3A_428 = tpu.memref_slice %arg7[%dma_wait3A_422, %dma_wait3A_427] : memref<10x128xi32, #tpu.memory_space<vmem>> -> memref<1x128xi32, #tpu.memory_space<vmem>>
      %dma_wait3A_429 = tpu.memref_squeeze %dma_wait3A_428 : memref<1x128xi32, #tpu.memory_space<vmem>> -> memref<128xi32, #tpu.memory_space<vmem>>
      %dma_wait3A_430 = arith.constant 0 : i32
      %dma_wait3A_431 = arith.constant 0 : i32
      %dma_wait3A_432 = tpu.memref_slice %arg10[%dma_wait3A_430, %dma_wait3A_431] : memref<10240x80xbf16, #tpu.memory_space<vmem_shared>> -> memref<10240x80xbf16, #tpu.memory_space<vmem_shared>>
      tpu.wait_indirect_dma semaphore(%arg12 : memref<!tpu.dma_semaphore, #tpu.memory_space<semaphore_mem>>) src(%dma_wait3A_426 : memref<128x80xbf16, #tpu.memory_space<vmem>>) dst(%dma_wait3A_432 : memref<10240x80xbf16, #tpu.memory_space<vmem_shared>>)
      %dma_wait3A_433 = arith.constant 1 : i32
      %dma_wait3A_434 = arith.constant 1 : i32
      %dma_wait3A_435 = arith.constant 0 : i32
      %dma_wait3A_436 = arith.constant 0 : i32
      %dma_wait3A_437 = tpu.memref_slice %arg8[%dma_wait3A_433, %dma_wait3A_435, %dma_wait3A_436] : memref<10x128x80xbf16, #tpu.memory_space<vmem>> -> memref<1x128x80xbf16, #tpu.memory_space<vmem>>
      %dma_wait3A_438 = tpu.memref_squeeze %dma_wait3A_437 : memref<1x128x80xbf16, #tpu.memory_space<vmem>> -> memref<128x80xbf16, #tpu.memory_space<vmem>>
      %dma_wait3A_439 = arith.constant 0 : i32
      %dma_wait3A_440 = tpu.memref_slice %arg7[%dma_wait3A_434, %dma_wait3A_439] : memref<10x128xi32, #tpu.memory_space<vmem>> -> memref<1x128xi32, #tpu.memory_space<vmem>>
      %dma_wait3A_441 = tpu.memref_squeeze %dma_wait3A_440 : memref<1x128xi32, #tpu.memory_space<vmem>> -> memref<128xi32, #tpu.memory_space<vmem>>
      %dma_wait3A_442 = arith.constant 0 : i32
      %dma_wait3A_443 = arith.constant 0 : i32
      %dma_wait3A_444 = tpu.memref_slice %arg10[%dma_wait3A_442, %dma_wait3A_443] : memref<10240x80xbf16, #tpu.memory_space<vmem_shared>> -> memref<10240x80xbf16, #tpu.memory_space<vmem_shared>>
      tpu.wait_indirect_dma semaphore(%arg12 : memref<!tpu.dma_semaphore, #tpu.memory_space<semaphore_mem>>) src(%dma_wait3A_438 : memref<128x80xbf16, #tpu.memory_space<vmem>>) dst(%dma_wait3A_444 : memref<10240x80xbf16, #tpu.memory_space<vmem_shared>>)
      %dma_wait3A_445 = arith.constant 2 : i32
      %dma_wait3A_446 = arith.constant 2 : i32
      %dma_wait3A_447 = arith.constant 0 : i32
      %dma_wait3A_448 = arith.constant 0 : i32
      %dma_wait3A_449 = tpu.memref_slice %arg8[%dma_wait3A_445, %dma_wait3A_447, %dma_wait3A_448] : memref<10x128x80xbf16, #tpu.memory_space<vmem>> -> memref<1x128x80xbf16, #tpu.memory_space<vmem>>
      %dma_wait3A_450 = tpu.memref_squeeze %dma_wait3A_449 : memref<1x128x80xbf16, #tpu.memory_space<vmem>> -> memref<128x80xbf16, #tpu.memory_space<vmem>>
      %dma_wait3A_451 = arith.constant 0 : i32
      %dma_wait3A_452 = tpu.memref_slice %arg7[%dma_wait3A_446, %dma_wait3A_451] : memref<10x128xi32, #tpu.memory_space<vmem>> -> memref<1x128xi32, #tpu.memory_space<vmem>>
      %dma_wait3A_453 = tpu.memref_squeeze %dma_wait3A_452 : memref<1x128xi32, #tpu.memory_space<vmem>> -> memref<128xi32, #tpu.memory_space<vmem>>
      %dma_wait3A_454 = arith.constant 0 : i32
      %dma_wait3A_455 = arith.constant 0 : i32
      %dma_wait3A_456 = tpu.memref_slice %arg10[%dma_wait3A_454, %dma_wait3A_455] : memref<10240x80xbf16, #tpu.memory_space<vmem_shared>> -> memref<10240x80xbf16, #tpu.memory_space<vmem_shared>>
      tpu.wait_indirect_dma semaphore(%arg12 : memref<!tpu.dma_semaphore, #tpu.memory_space<semaphore_mem>>) src(%dma_wait3A_450 : memref<128x80xbf16, #tpu.memory_space<vmem>>) dst(%dma_wait3A_456 : memref<10240x80xbf16, #tpu.memory_space<vmem_shared>>)
      %dma_wait3A_457 = arith.constant 3 : i32
      %dma_wait3A_458 = arith.constant 3 : i32
      %dma_wait3A_459 = arith.constant 0 : i32
      %dma_wait3A_460 = arith.constant 0 : i32
      %dma_wait3A_461 = tpu.memref_slice %arg8[%dma_wait3A_457, %dma_wait3A_459, %dma_wait3A_460] : memref<10x128x80xbf16, #tpu.memory_space<vmem>> -> memref<1x128x80xbf16, #tpu.memory_space<vmem>>
      %dma_wait3A_462 = tpu.memref_squeeze %dma_wait3A_461 : memref<1x128x80xbf16, #tpu.memory_space<vmem>> -> memref<128x80xbf16, #tpu.memory_space<vmem>>
      %dma_wait3A_463 = arith.constant 0 : i32
      %dma_wait3A_464 = tpu.memref_slice %arg7[%dma_wait3A_458, %dma_wait3A_463] : memref<10x128xi32, #tpu.memory_space<vmem>> -> memref<1x128xi32, #tpu.memory_space<vmem>>
      %dma_wait3A_465 = tpu.memref_squeeze %dma_wait3A_464 : memref<1x128xi32, #tpu.memory_space<vmem>> -> memref<128xi32, #tpu.memory_space<vmem>>
      %dma_wait3A_466 = arith.constant 0 : i32
      %dma_wait3A_467 = arith.constant 0 : i32
      %dma_wait3A_468 = tpu.memref_slice %arg10[%dma_wait3A_466, %dma_wait3A_467] : memref<10240x80xbf16, #tpu.memory_space<vmem_shared>> -> memref<10240x80xbf16, #tpu.memory_space<vmem_shared>>
      tpu.wait_indirect_dma semaphore(%arg12 : memref<!tpu.dma_semaphore, #tpu.memory_space<semaphore_mem>>) src(%dma_wait3A_462 : memref<128x80xbf16, #tpu.memory_space<vmem>>) dst(%dma_wait3A_468 : memref<10240x80xbf16, #tpu.memory_space<vmem_shared>>)
      %dma_wait3A_469 = arith.constant 4 : i32
      %dma_wait3A_470 = arith.constant 4 : i32
      %dma_wait3A_471 = arith.constant 0 : i32
      %dma_wait3A_472 = arith.constant 0 : i32
      %dma_wait3A_473 = tpu.memref_slice %arg8[%dma_wait3A_469, %dma_wait3A_471, %dma_wait3A_472] : memref<10x128x80xbf16, #tpu.memory_space<vmem>> -> memref<1x128x80xbf16, #tpu.memory_space<vmem>>
      %dma_wait3A_474 = tpu.memref_squeeze %dma_wait3A_473 : memref<1x128x80xbf16, #tpu.memory_space<vmem>> -> memref<128x80xbf16, #tpu.memory_space<vmem>>
      %dma_wait3A_475 = arith.constant 0 : i32
      %dma_wait3A_476 = tpu.memref_slice %arg7[%dma_wait3A_470, %dma_wait3A_475] : memref<10x128xi32, #tpu.memory_space<vmem>> -> memref<1x128xi32, #tpu.memory_space<vmem>>
      %dma_wait3A_477 = tpu.memref_squeeze %dma_wait3A_476 : memref<1x128xi32, #tpu.memory_space<vmem>> -> memref<128xi32, #tpu.memory_space<vmem>>
      %dma_wait3A_478 = arith.constant 0 : i32
      %dma_wait3A_479 = arith.constant 0 : i32
      %dma_wait3A_480 = tpu.memref_slice %arg10[%dma_wait3A_478, %dma_wait3A_479] : memref<10240x80xbf16, #tpu.memory_space<vmem_shared>> -> memref<10240x80xbf16, #tpu.memory_space<vmem_shared>>
      tpu.wait_indirect_dma semaphore(%arg12 : memref<!tpu.dma_semaphore, #tpu.memory_space<semaphore_mem>>) src(%dma_wait3A_474 : memref<128x80xbf16, #tpu.memory_space<vmem>>) dst(%dma_wait3A_480 : memref<10240x80xbf16, #tpu.memory_space<vmem_shared>>)
      %dma_wait3A_481 = arith.constant 5 : i32
      %dma_wait3A_482 = arith.constant 5 : i32
      %dma_wait3A_483 = arith.constant 0 : i32
      %dma_wait3A_484 = arith.constant 0 : i32
      %dma_wait3A_485 = tpu.memref_slice %arg8[%dma_wait3A_481, %dma_wait3A_483, %dma_wait3A_484] : memref<10x128x80xbf16, #tpu.memory_space<vmem>> -> memref<1x128x80xbf16, #tpu.memory_space<vmem>>
      %dma_wait3A_486 = tpu.memref_squeeze %dma_wait3A_485 : memref<1x128x80xbf16, #tpu.memory_space<vmem>> -> memref<128x80xbf16, #tpu.memory_space<vmem>>
      %dma_wait3A_487 = arith.constant 0 : i32
      %dma_wait3A_488 = tpu.memref_slice %arg7[%dma_wait3A_482, %dma_wait3A_487] : memref<10x128xi32, #tpu.memory_space<vmem>> -> memref<1x128xi32, #tpu.memory_space<vmem>>
      %dma_wait3A_489 = tpu.memref_squeeze %dma_wait3A_488 : memref<1x128xi32, #tpu.memory_space<vmem>> -> memref<128xi32, #tpu.memory_space<vmem>>
      %dma_wait3A_490 = arith.constant 0 : i32
      %dma_wait3A_491 = arith.constant 0 : i32
      %dma_wait3A_492 = tpu.memref_slice %arg10[%dma_wait3A_490, %dma_wait3A_491] : memref<10240x80xbf16, #tpu.memory_space<vmem_shared>> -> memref<10240x80xbf16, #tpu.memory_space<vmem_shared>>
      tpu.wait_indirect_dma semaphore(%arg12 : memref<!tpu.dma_semaphore, #tpu.memory_space<semaphore_mem>>) src(%dma_wait3A_486 : memref<128x80xbf16, #tpu.memory_space<vmem>>) dst(%dma_wait3A_492 : memref<10240x80xbf16, #tpu.memory_space<vmem_shared>>)
      %dma_wait3A_493 = arith.constant 6 : i32
      %dma_wait3A_494 = arith.constant 6 : i32
      %dma_wait3A_495 = arith.constant 0 : i32
      %dma_wait3A_496 = arith.constant 0 : i32
      %dma_wait3A_497 = tpu.memref_slice %arg8[%dma_wait3A_493, %dma_wait3A_495, %dma_wait3A_496] : memref<10x128x80xbf16, #tpu.memory_space<vmem>> -> memref<1x128x80xbf16, #tpu.memory_space<vmem>>
      %dma_wait3A_498 = tpu.memref_squeeze %dma_wait3A_497 : memref<1x128x80xbf16, #tpu.memory_space<vmem>> -> memref<128x80xbf16, #tpu.memory_space<vmem>>
      %dma_wait3A_499 = arith.constant 0 : i32
      %dma_wait3A_500 = tpu.memref_slice %arg7[%dma_wait3A_494, %dma_wait3A_499] : memref<10x128xi32, #tpu.memory_space<vmem>> -> memref<1x128xi32, #tpu.memory_space<vmem>>
      %dma_wait3A_501 = tpu.memref_squeeze %dma_wait3A_500 : memref<1x128xi32, #tpu.memory_space<vmem>> -> memref<128xi32, #tpu.memory_space<vmem>>
      %dma_wait3A_502 = arith.constant 0 : i32
      %dma_wait3A_503 = arith.constant 0 : i32
      %dma_wait3A_504 = tpu.memref_slice %arg10[%dma_wait3A_502, %dma_wait3A_503] : memref<10240x80xbf16, #tpu.memory_space<vmem_shared>> -> memref<10240x80xbf16, #tpu.memory_space<vmem_shared>>
      tpu.wait_indirect_dma semaphore(%arg12 : memref<!tpu.dma_semaphore, #tpu.memory_space<semaphore_mem>>) src(%dma_wait3A_498 : memref<128x80xbf16, #tpu.memory_space<vmem>>) dst(%dma_wait3A_504 : memref<10240x80xbf16, #tpu.memory_space<vmem_shared>>)
      %dma_wait3A_505 = arith.constant 7 : i32
      %dma_wait3A_506 = arith.constant 7 : i32
      %dma_wait3A_507 = arith.constant 0 : i32
      %dma_wait3A_508 = arith.constant 0 : i32
      %dma_wait3A_509 = tpu.memref_slice %arg8[%dma_wait3A_505, %dma_wait3A_507, %dma_wait3A_508] : memref<10x128x80xbf16, #tpu.memory_space<vmem>> -> memref<1x128x80xbf16, #tpu.memory_space<vmem>>
      %dma_wait3A_510 = tpu.memref_squeeze %dma_wait3A_509 : memref<1x128x80xbf16, #tpu.memory_space<vmem>> -> memref<128x80xbf16, #tpu.memory_space<vmem>>
      %dma_wait3A_511 = arith.constant 0 : i32
      %dma_wait3A_512 = tpu.memref_slice %arg7[%dma_wait3A_506, %dma_wait3A_511] : memref<10x128xi32, #tpu.memory_space<vmem>> -> memref<1x128xi32, #tpu.memory_space<vmem>>
      %dma_wait3A_513 = tpu.memref_squeeze %dma_wait3A_512 : memref<1x128xi32, #tpu.memory_space<vmem>> -> memref<128xi32, #tpu.memory_space<vmem>>
      %dma_wait3A_514 = arith.constant 0 : i32
      %dma_wait3A_515 = arith.constant 0 : i32
      %dma_wait3A_516 = tpu.memref_slice %arg10[%dma_wait3A_514, %dma_wait3A_515] : memref<10240x80xbf16, #tpu.memory_space<vmem_shared>> -> memref<10240x80xbf16, #tpu.memory_space<vmem_shared>>
      tpu.wait_indirect_dma semaphore(%arg12 : memref<!tpu.dma_semaphore, #tpu.memory_space<semaphore_mem>>) src(%dma_wait3A_510 : memref<128x80xbf16, #tpu.memory_space<vmem>>) dst(%dma_wait3A_516 : memref<10240x80xbf16, #tpu.memory_space<vmem_shared>>)
      %dma_wait3A_517 = arith.constant 8 : i32
      %dma_wait3A_518 = arith.constant 8 : i32
      %dma_wait3A_519 = arith.constant 0 : i32
      %dma_wait3A_520 = arith.constant 0 : i32
      %dma_wait3A_521 = tpu.memref_slice %arg8[%dma_wait3A_517, %dma_wait3A_519, %dma_wait3A_520] : memref<10x128x80xbf16, #tpu.memory_space<vmem>> -> memref<1x128x80xbf16, #tpu.memory_space<vmem>>
      %dma_wait3A_522 = tpu.memref_squeeze %dma_wait3A_521 : memref<1x128x80xbf16, #tpu.memory_space<vmem>> -> memref<128x80xbf16, #tpu.memory_space<vmem>>
      %dma_wait3A_523 = arith.constant 0 : i32
      %dma_wait3A_524 = tpu.memref_slice %arg7[%dma_wait3A_518, %dma_wait3A_523] : memref<10x128xi32, #tpu.memory_space<vmem>> -> memref<1x128xi32, #tpu.memory_space<vmem>>
      %dma_wait3A_525 = tpu.memref_squeeze %dma_wait3A_524 : memref<1x128xi32, #tpu.memory_space<vmem>> -> memref<128xi32, #tpu.memory_space<vmem>>
      %dma_wait3A_526 = arith.constant 0 : i32
      %dma_wait3A_527 = arith.constant 0 : i32
      %dma_wait3A_528 = tpu.memref_slice %arg10[%dma_wait3A_526, %dma_wait3A_527] : memref<10240x80xbf16, #tpu.memory_space<vmem_shared>> -> memref<10240x80xbf16, #tpu.memory_space<vmem_shared>>
      tpu.wait_indirect_dma semaphore(%arg12 : memref<!tpu.dma_semaphore, #tpu.memory_space<semaphore_mem>>) src(%dma_wait3A_522 : memref<128x80xbf16, #tpu.memory_space<vmem>>) dst(%dma_wait3A_528 : memref<10240x80xbf16, #tpu.memory_space<vmem_shared>>)
      %dma_wait3A_529 = arith.constant 9 : i32
      %dma_wait3A_530 = arith.constant 9 : i32
      %dma_wait3A_531 = arith.constant 0 : i32
      %dma_wait3A_532 = arith.constant 0 : i32
      %dma_wait3A_533 = tpu.memref_slice %arg8[%dma_wait3A_529, %dma_wait3A_531, %dma_wait3A_532] : memref<10x128x80xbf16, #tpu.memory_space<vmem>> -> memref<1x128x80xbf16, #tpu.memory_space<vmem>>
      %dma_wait3A_534 = tpu.memref_squeeze %dma_wait3A_533 : memref<1x128x80xbf16, #tpu.memory_space<vmem>> -> memref<128x80xbf16, #tpu.memory_space<vmem>>
      %dma_wait3A_535 = arith.constant 0 : i32
      %dma_wait3A_536 = tpu.memref_slice %arg7[%dma_wait3A_530, %dma_wait3A_535] : memref<10x128xi32, #tpu.memory_space<vmem>> -> memref<1x128xi32, #tpu.memory_space<vmem>>
      %dma_wait3A_537 = tpu.memref_squeeze %dma_wait3A_536 : memref<1x128xi32, #tpu.memory_space<vmem>> -> memref<128xi32, #tpu.memory_space<vmem>>
      %dma_wait3A_538 = arith.constant 0 : i32
      %dma_wait3A_539 = arith.constant 0 : i32
      %dma_wait3A_540 = tpu.memref_slice %arg10[%dma_wait3A_538, %dma_wait3A_539] : memref<10240x80xbf16, #tpu.memory_space<vmem_shared>> -> memref<10240x80xbf16, #tpu.memory_space<vmem_shared>>
      tpu.wait_indirect_dma semaphore(%arg12 : memref<!tpu.dma_semaphore, #tpu.memory_space<semaphore_mem>>) src(%dma_wait3A_534 : memref<128x80xbf16, #tpu.memory_space<vmem>>) dst(%dma_wait3A_540 : memref<10240x80xbf16, #tpu.memory_space<vmem_shared>>)
    }
    %scan3A_39 = arith.constant 8 : i32
    %barrier3A_40 = arith.constant 0 : index
    tpu.barrier barrier_id(%barrier3A_40)
    "tpu.region"() ({
      %run_scoped3A_41 = tpu.sem_alloc : memref<!tpu.dma_semaphore, #tpu.memory_space<semaphore_mem>>
      %dma_start3A_42 = arith.constant 0 : i32
      %dma_start3A_43 = tpu.memref_slice %arg5[%arg0, %mul3A_2, %dma_start3A_42] : memref<2x10240x80xbf16, #tpu.memory_space<hbm>> -> memref<1x640x80xbf16, #tpu.memory_space<hbm>>
      %dma_start3A_44 = tpu.memref_squeeze %dma_start3A_43 : memref<1x640x80xbf16, #tpu.memory_space<hbm>> -> memref<640x80xbf16, #tpu.memory_space<hbm>>
      %dma_start3A_45 = arith.constant 0 : i32
      %dma_start3A_46 = tpu.memref_slice %arg10[%mul3A_2, %dma_start3A_45] : memref<10240x80xbf16, #tpu.memory_space<vmem_shared>> -> memref<640x80xbf16, #tpu.memory_space<vmem_shared>>
      tpu.enqueue_dma source(%dma_start3A_46 : memref<640x80xbf16, #tpu.memory_space<vmem_shared>>) target(%dma_start3A_44 : memref<640x80xbf16, #tpu.memory_space<hbm>>) target_semaphore(%run_scoped3A_41 : memref<!tpu.dma_semaphore, #tpu.memory_space<semaphore_mem>>)
      %dma_wait3A_47 = arith.constant 0 : i32
      %dma_wait3A_48 = tpu.memref_slice %arg5[%arg0, %mul3A_2, %dma_wait3A_47] : memref<2x10240x80xbf16, #tpu.memory_space<hbm>> -> memref<1x640x80xbf16, #tpu.memory_space<hbm>>
      %dma_wait3A_49 = tpu.memref_squeeze %dma_wait3A_48 : memref<1x640x80xbf16, #tpu.memory_space<hbm>> -> memref<640x80xbf16, #tpu.memory_space<hbm>>
      %dma_wait3A_50 = arith.constant 0 : i32
      %dma_wait3A_51 = tpu.memref_slice %arg10[%mul3A_2, %dma_wait3A_50] : memref<10240x80xbf16, #tpu.memory_space<vmem_shared>> -> memref<640x80xbf16, #tpu.memory_space<vmem_shared>>
      tpu.wait_dma2 semaphore(%run_scoped3A_41 : memref<!tpu.dma_semaphore, #tpu.memory_space<semaphore_mem>>) src(%dma_wait3A_51 : memref<640x80xbf16, #tpu.memory_space<vmem_shared>>) dst(%dma_wait3A_49 : memref<640x80xbf16, #tpu.memory_space<hbm>>)
      tpu.yield
    }) : () -> ()
    return
  }
}

#map = affine_map<(d0, d1) -> (0, 0)>
#map1 = affine_map<(d0, d1) -> (0, 0, 0)>
module attributes {stable_mosaic.version = 14 : i64} {
  func.func @body(%arg0: i32, %arg1: i32, %arg2: memref<10000x64xbf16, #tpu.memory_space<hbm>>, %arg3: memref<2560x128xi32, #tpu.memory_space<hbm>>, %arg4: memref<2560x128xi32, #tpu.memory_space<hbm>>, %arg5: memref<2x10240x64xbf16, #tpu.memory_space<hbm>>, %arg6: memref<10x128xi32, #tpu.memory_space<vmem>>, %arg7: memref<10x128xi32, #tpu.memory_space<vmem>>, %arg8: memref<10x128x64xbf16, #tpu.memory_space<vmem>>, %arg9: memref<10000x64xbf16, #tpu.memory_space<vmem_shared>>, %arg10: memref<10240x64xbf16, #tpu.memory_space<vmem_shared>>, %arg11: memref<!tpu.dma_semaphore, #tpu.memory_space<semaphore_mem>>, %arg12: memref<!tpu.dma_semaphore, #tpu.memory_space<semaphore_mem>>, %arg13: memref<!tpu.dma_semaphore, #tpu.memory_space<semaphore_mem>>) attributes {dimension_semantics = [#tpu.dimension_semantics<core_parallel>, #tpu.dimension_semantics<subcore_parallel>], iteration_bounds = array<i64: 2, 16>, scalar_prefetch = 0 : i64, scratch_operands = 8 : i64, tpu.core_type = #tpu.core_type<sc_vector_subcore>, window_params = [{transform_indices = #map}, {transform_indices = #map}, {transform_indices = #map}, {transform_indices = #map1}]} {
    %mul3A = arith.constant 16 : i32
    %mul3A_0 = arith.muli %arg0, %mul3A : i32
    %add3A = arith.addi %mul3A_0, %arg1 : i32
    %mul3A_1 = arith.constant 640 : i32
    %mul3A_2 = arith.muli %arg1, %mul3A_1 : i32
    %mul3A_3 = arith.constant 80 : i32
    %mul3A_4 = arith.muli %add3A, %mul3A_3 : i32
    %mul3A_5 = arith.constant 625 : i32
    %mul3A_6 = arith.muli %arg1, %mul3A_5 : i32
    %mul3A_7 = arith.constant 625 : i32
    %mul3A_8 = arith.muli %arg1, %mul3A_7 : i32
    %dma_start3A = arith.constant 0 : i32
    %dma_start3A_9 = tpu.memref_slice %arg9[%mul3A_8, %dma_start3A] : memref<10000x64xbf16, #tpu.memory_space<vmem_shared>> -> memref<625x64xbf16, #tpu.memory_space<vmem_shared>>
    %dma_start3A_10 = arith.constant 0 : i32
    %dma_start3A_11 = tpu.memref_slice %arg2[%mul3A_6, %dma_start3A_10] : memref<10000x64xbf16, #tpu.memory_space<hbm>> -> memref<625x64xbf16, #tpu.memory_space<hbm>>
    tpu.enqueue_dma source(%dma_start3A_11 : memref<625x64xbf16, #tpu.memory_space<hbm>>) target(%dma_start3A_9 : memref<625x64xbf16, #tpu.memory_space<vmem_shared>>) target_semaphore(%arg13 : memref<!tpu.dma_semaphore, #tpu.memory_space<semaphore_mem>>)
    %scan3A = arith.constant 0 : i32
    %scan3A_12 = arith.constant 0 : i32
    %scan3A_13 = arith.constant 64 : i32
    %scan3A_14 = arith.addi %scan3A_12, %scan3A_13 : i32
    %scan3A_15 = arith.constant 1 : i32
    scf.for %scan3A_41 = %scan3A_12 to %scan3A_14 step %scan3A_15  : i32 {
      %broadcast_in_dim3A = arith.constant 0.000000e+00 : bf16
      %broadcast_in_dim3A_42 = vector.broadcast %broadcast_in_dim3A : bf16 to vector<2x16xbf16>
      %mul3A_43 = arith.constant 2 : i32
      %mul3A_44 = arith.muli %scan3A_41, %mul3A_43 : i32
      %swap3A = arith.constant 0 : i32
      %swap3A_45 = arith.index_cast %swap3A : i32 to index
      %swap3A_46 = arith.index_cast %mul3A_44 : i32 to index
      %swap3A_47 = arith.constant 0 : index
      %swap3A_48 = tpu.vector_load %arg8[%swap3A_45, %swap3A_46, %swap3A_47] {strides = array<i32>} : memref<10x128x64xbf16, #tpu.memory_space<vmem>>, vector<1x2x16xbf16>,
      %swap3A_49 = vector.shape_cast %swap3A_48 : vector<1x2x16xbf16> to vector<2x16xbf16>
      %swap3A_50 = vector.shape_cast %broadcast_in_dim3A_42 : vector<2x16xbf16> to vector<1x2x16xbf16>
      tpu.vector_store %arg8[%swap3A_45, %swap3A_46, %swap3A_47], %swap3A_50 {strides = array<i32>} : memref<10x128x64xbf16, #tpu.memory_space<vmem>>, vector<1x2x16xbf16>,
      %broadcast_in_dim3A_51 = arith.constant 0.000000e+00 : bf16
      %broadcast_in_dim3A_52 = vector.broadcast %broadcast_in_dim3A_51 : bf16 to vector<2x16xbf16>
      %mul3A_53 = arith.constant 2 : i32
      %mul3A_54 = arith.muli %scan3A_41, %mul3A_53 : i32
      %swap3A_55 = arith.constant 0 : i32
      %swap3A_56 = arith.index_cast %swap3A_55 : i32 to index
      %swap3A_57 = arith.index_cast %mul3A_54 : i32 to index
      %swap3A_58 = arith.constant 16 : index
      %swap3A_59 = tpu.vector_load %arg8[%swap3A_56, %swap3A_57, %swap3A_58] {strides = array<i32>} : memref<10x128x64xbf16, #tpu.memory_space<vmem>>, vector<1x2x16xbf16>,
      %swap3A_60 = vector.shape_cast %swap3A_59 : vector<1x2x16xbf16> to vector<2x16xbf16>
      %swap3A_61 = vector.shape_cast %broadcast_in_dim3A_52 : vector<2x16xbf16> to vector<1x2x16xbf16>
      tpu.vector_store %arg8[%swap3A_56, %swap3A_57, %swap3A_58], %swap3A_61 {strides = array<i32>} : memref<10x128x64xbf16, #tpu.memory_space<vmem>>, vector<1x2x16xbf16>,
      %broadcast_in_dim3A_62 = arith.constant 0.000000e+00 : bf16
      %broadcast_in_dim3A_63 = vector.broadcast %broadcast_in_dim3A_62 : bf16 to vector<2x16xbf16>
      %mul3A_64 = arith.constant 2 : i32
      %mul3A_65 = arith.muli %scan3A_41, %mul3A_64 : i32
      %swap3A_66 = arith.constant 0 : i32
      %swap3A_67 = arith.index_cast %swap3A_66 : i32 to index
      %swap3A_68 = arith.index_cast %mul3A_65 : i32 to index
      %swap3A_69 = arith.constant 32 : index
      %swap3A_70 = tpu.vector_load %arg8[%swap3A_67, %swap3A_68, %swap3A_69] {strides = array<i32>} : memref<10x128x64xbf16, #tpu.memory_space<vmem>>, vector<1x2x16xbf16>,
      %swap3A_71 = vector.shape_cast %swap3A_70 : vector<1x2x16xbf16> to vector<2x16xbf16>
      %swap3A_72 = vector.shape_cast %broadcast_in_dim3A_63 : vector<2x16xbf16> to vector<1x2x16xbf16>
      tpu.vector_store %arg8[%swap3A_67, %swap3A_68, %swap3A_69], %swap3A_72 {strides = array<i32>} : memref<10x128x64xbf16, #tpu.memory_space<vmem>>, vector<1x2x16xbf16>,
      %broadcast_in_dim3A_73 = arith.constant 0.000000e+00 : bf16
      %broadcast_in_dim3A_74 = vector.broadcast %broadcast_in_dim3A_73 : bf16 to vector<2x16xbf16>
      %mul3A_75 = arith.constant 2 : i32
      %mul3A_76 = arith.muli %scan3A_41, %mul3A_75 : i32
      %swap3A_77 = arith.constant 0 : i32
      %swap3A_78 = arith.index_cast %swap3A_77 : i32 to index
      %swap3A_79 = arith.index_cast %mul3A_76 : i32 to index
      %swap3A_80 = arith.constant 48 : index
      %swap3A_81 = tpu.vector_load %arg8[%swap3A_78, %swap3A_79, %swap3A_80] {strides = array<i32>} : memref<10x128x64xbf16, #tpu.memory_space<vmem>>, vector<1x2x16xbf16>,
      %swap3A_82 = vector.shape_cast %swap3A_81 : vector<1x2x16xbf16> to vector<2x16xbf16>
      %swap3A_83 = vector.shape_cast %broadcast_in_dim3A_74 : vector<2x16xbf16> to vector<1x2x16xbf16>
      tpu.vector_store %arg8[%swap3A_78, %swap3A_79, %swap3A_80], %swap3A_83 {strides = array<i32>} : memref<10x128x64xbf16, #tpu.memory_space<vmem>>, vector<1x2x16xbf16>,
    }
    %scan3A_16 = arith.constant 64 : i32
    %add3A_17 = arith.constant 0 : i32
    %add3A_18 = arith.addi %mul3A_2, %add3A_17 : i32
    %run_scoped3A = arith.constant 0 : i32
    "tpu.region"() ({
      %run_scoped3A_41 = tpu.sem_alloc : memref<!tpu.dma_semaphore, #tpu.memory_space<semaphore_mem>>
      %dma_start3A_42 = arith.constant 0 : i32
      %dma_start3A_43 = arith.constant 0 : i32
      %dma_start3A_44 = tpu.memref_slice %arg8[%run_scoped3A, %dma_start3A_42, %dma_start3A_43] : memref<10x128x64xbf16, #tpu.memory_space<vmem>> -> memref<1x128x64xbf16, #tpu.memory_space<vmem>>
      %dma_start3A_45 = tpu.memref_squeeze %dma_start3A_44 : memref<1x128x64xbf16, #tpu.memory_space<vmem>> -> memref<128x64xbf16, #tpu.memory_space<vmem>>
      %dma_start3A_46 = arith.constant 0 : i32
      %dma_start3A_47 = tpu.memref_slice %arg10[%add3A_18, %dma_start3A_46] : memref<10240x64xbf16, #tpu.memory_space<vmem_shared>> -> memref<128x64xbf16, #tpu.memory_space<vmem_shared>>
      %dma_start3A_48 = arith.constant 0 : i32
      %dma_start3A_49 = tpu.memref_slice %arg10[%add3A_18, %dma_start3A_48] : memref<10240x64xbf16, #tpu.memory_space<vmem_shared>> -> memref<128x64xbf16, #tpu.memory_space<vmem_shared>>
      %dma_start3A_50 = arith.constant 0 : i32
      %dma_start3A_51 = arith.constant 0 : i32
      %dma_start3A_52 = tpu.memref_slice %arg8[%run_scoped3A, %dma_start3A_50, %dma_start3A_51] : memref<10x128x64xbf16, #tpu.memory_space<vmem>> -> memref<1x128x64xbf16, #tpu.memory_space<vmem>>
      %dma_start3A_53 = tpu.memref_squeeze %dma_start3A_52 : memref<1x128x64xbf16, #tpu.memory_space<vmem>> -> memref<128x64xbf16, #tpu.memory_space<vmem>>
      tpu.enqueue_dma source(%dma_start3A_53 : memref<128x64xbf16, #tpu.memory_space<vmem>>) target(%dma_start3A_49 : memref<128x64xbf16, #tpu.memory_space<vmem_shared>>) target_semaphore(%run_scoped3A_41 : memref<!tpu.dma_semaphore, #tpu.memory_space<semaphore_mem>>)
      %dma_wait3A_54 = arith.constant 0 : i32
      %dma_wait3A_55 = arith.constant 0 : i32
      %dma_wait3A_56 = tpu.memref_slice %arg8[%run_scoped3A, %dma_wait3A_54, %dma_wait3A_55] : memref<10x128x64xbf16, #tpu.memory_space<vmem>> -> memref<1x128x64xbf16, #tpu.memory_space<vmem>>
      %dma_wait3A_57 = tpu.memref_squeeze %dma_wait3A_56 : memref<1x128x64xbf16, #tpu.memory_space<vmem>> -> memref<128x64xbf16, #tpu.memory_space<vmem>>
      %dma_wait3A_58 = arith.constant 0 : i32
      %dma_wait3A_59 = tpu.memref_slice %arg10[%add3A_18, %dma_wait3A_58] : memref<10240x64xbf16, #tpu.memory_space<vmem_shared>> -> memref<128x64xbf16, #tpu.memory_space<vmem_shared>>
      %dma_wait3A_60 = arith.constant 0 : i32
      %dma_wait3A_61 = tpu.memref_slice %arg10[%add3A_18, %dma_wait3A_60] : memref<10240x64xbf16, #tpu.memory_space<vmem_shared>> -> memref<128x64xbf16, #tpu.memory_space<vmem_shared>>
      %dma_wait3A_62 = arith.constant 0 : i32
      %dma_wait3A_63 = arith.constant 0 : i32
      %dma_wait3A_64 = tpu.memref_slice %arg8[%run_scoped3A, %dma_wait3A_62, %dma_wait3A_63] : memref<10x128x64xbf16, #tpu.memory_space<vmem>> -> memref<1x128x64xbf16, #tpu.memory_space<vmem>>
      %dma_wait3A_65 = tpu.memref_squeeze %dma_wait3A_64 : memref<1x128x64xbf16, #tpu.memory_space<vmem>> -> memref<128x64xbf16, #tpu.memory_space<vmem>>
      tpu.wait_dma2 semaphore(%run_scoped3A_41 : memref<!tpu.dma_semaphore, #tpu.memory_space<semaphore_mem>>) src(%dma_wait3A_65 : memref<128x64xbf16, #tpu.memory_space<vmem>>) dst(%dma_wait3A_61 : memref<128x64xbf16, #tpu.memory_space<vmem_shared>>)
      tpu.yield
    }) : () -> ()
    %add3A_19 = arith.constant 128 : i32
    %add3A_20 = arith.addi %mul3A_2, %add3A_19 : i32
    %run_scoped3A_21 = arith.constant 0 : i32
    "tpu.region"() ({
      %run_scoped3A_41 = tpu.sem_alloc : memref<!tpu.dma_semaphore, #tpu.memory_space<semaphore_mem>>
      %dma_start3A_42 = arith.constant 0 : i32
      %dma_start3A_43 = arith.constant 0 : i32
      %dma_start3A_44 = tpu.memref_slice %arg8[%run_scoped3A_21, %dma_start3A_42, %dma_start3A_43] : memref<10x128x64xbf16, #tpu.memory_space<vmem>> -> memref<1x128x64xbf16, #tpu.memory_space<vmem>>
      %dma_start3A_45 = tpu.memref_squeeze %dma_start3A_44 : memref<1x128x64xbf16, #tpu.memory_space<vmem>> -> memref<128x64xbf16, #tpu.memory_space<vmem>>
      %dma_start3A_46 = arith.constant 0 : i32
      %dma_start3A_47 = tpu.memref_slice %arg10[%add3A_20, %dma_start3A_46] : memref<10240x64xbf16, #tpu.memory_space<vmem_shared>> -> memref<128x64xbf16, #tpu.memory_space<vmem_shared>>
      %dma_start3A_48 = arith.constant 0 : i32
      %dma_start3A_49 = tpu.memref_slice %arg10[%add3A_20, %dma_start3A_48] : memref<10240x64xbf16, #tpu.memory_space<vmem_shared>> -> memref<128x64xbf16, #tpu.memory_space<vmem_shared>>
      %dma_start3A_50 = arith.constant 0 : i32
      %dma_start3A_51 = arith.constant 0 : i32
      %dma_start3A_52 = tpu.memref_slice %arg8[%run_scoped3A_21, %dma_start3A_50, %dma_start3A_51] : memref<10x128x64xbf16, #tpu.memory_space<vmem>> -> memref<1x128x64xbf16, #tpu.memory_space<vmem>>
      %dma_start3A_53 = tpu.memref_squeeze %dma_start3A_52 : memref<1x128x64xbf16, #tpu.memory_space<vmem>> -> memref<128x64xbf16, #tpu.memory_space<vmem>>
      tpu.enqueue_dma source(%dma_start3A_53 : memref<128x64xbf16, #tpu.memory_space<vmem>>) target(%dma_start3A_49 : memref<128x64xbf16, #tpu.memory_space<vmem_shared>>) target_semaphore(%run_scoped3A_41 : memref<!tpu.dma_semaphore, #tpu.memory_space<semaphore_mem>>)
      %dma_wait3A_54 = arith.constant 0 : i32
      %dma_wait3A_55 = arith.constant 0 : i32
      %dma_wait3A_56 = tpu.memref_slice %arg8[%run_scoped3A_21, %dma_wait3A_54, %dma_wait3A_55] : memref<10x128x64xbf16, #tpu.memory_space<vmem>> -> memref<1x128x64xbf16, #tpu.memory_space<vmem>>
      %dma_wait3A_57 = tpu.memref_squeeze %dma_wait3A_56 : memref<1x128x64xbf16, #tpu.memory_space<vmem>> -> memref<128x64xbf16, #tpu.memory_space<vmem>>
      %dma_wait3A_58 = arith.constant 0 : i32
      %dma_wait3A_59 = tpu.memref_slice %arg10[%add3A_20, %dma_wait3A_58] : memref<10240x64xbf16, #tpu.memory_space<vmem_shared>> -> memref<128x64xbf16, #tpu.memory_space<vmem_shared>>
      %dma_wait3A_60 = arith.constant 0 : i32
      %dma_wait3A_61 = tpu.memref_slice %arg10[%add3A_20, %dma_wait3A_60] : memref<10240x64xbf16, #tpu.memory_space<vmem_shared>> -> memref<128x64xbf16, #tpu.memory_space<vmem_shared>>
      %dma_wait3A_62 = arith.constant 0 : i32
      %dma_wait3A_63 = arith.constant 0 : i32
      %dma_wait3A_64 = tpu.memref_slice %arg8[%run_scoped3A_21, %dma_wait3A_62, %dma_wait3A_63] : memref<10x128x64xbf16, #tpu.memory_space<vmem>> -> memref<1x128x64xbf16, #tpu.memory_space<vmem>>
      %dma_wait3A_65 = tpu.memref_squeeze %dma_wait3A_64 : memref<1x128x64xbf16, #tpu.memory_space<vmem>> -> memref<128x64xbf16, #tpu.memory_space<vmem>>
      tpu.wait_dma2 semaphore(%run_scoped3A_41 : memref<!tpu.dma_semaphore, #tpu.memory_space<semaphore_mem>>) src(%dma_wait3A_65 : memref<128x64xbf16, #tpu.memory_space<vmem>>) dst(%dma_wait3A_61 : memref<128x64xbf16, #tpu.memory_space<vmem_shared>>)
      tpu.yield
    }) : () -> ()
    %add3A_22 = arith.constant 256 : i32
    %add3A_23 = arith.addi %mul3A_2, %add3A_22 : i32
    %run_scoped3A_24 = arith.constant 0 : i32
    "tpu.region"() ({
      %run_scoped3A_41 = tpu.sem_alloc : memref<!tpu.dma_semaphore, #tpu.memory_space<semaphore_mem>>
      %dma_start3A_42 = arith.constant 0 : i32
      %dma_start3A_43 = arith.constant 0 : i32
      %dma_start3A_44 = tpu.memref_slice %arg8[%run_scoped3A_24, %dma_start3A_42, %dma_start3A_43] : memref<10x128x64xbf16, #tpu.memory_space<vmem>> -> memref<1x128x64xbf16, #tpu.memory_space<vmem>>
      %dma_start3A_45 = tpu.memref_squeeze %dma_start3A_44 : memref<1x128x64xbf16, #tpu.memory_space<vmem>> -> memref<128x64xbf16, #tpu.memory_space<vmem>>
      %dma_start3A_46 = arith.constant 0 : i32
      %dma_start3A_47 = tpu.memref_slice %arg10[%add3A_23, %dma_start3A_46] : memref<10240x64xbf16, #tpu.memory_space<vmem_shared>> -> memref<128x64xbf16, #tpu.memory_space<vmem_shared>>
      %dma_start3A_48 = arith.constant 0 : i32
      %dma_start3A_49 = tpu.memref_slice %arg10[%add3A_23, %dma_start3A_48] : memref<10240x64xbf16, #tpu.memory_space<vmem_shared>> -> memref<128x64xbf16, #tpu.memory_space<vmem_shared>>
      %dma_start3A_50 = arith.constant 0 : i32
      %dma_start3A_51 = arith.constant 0 : i32
      %dma_start3A_52 = tpu.memref_slice %arg8[%run_scoped3A_24, %dma_start3A_50, %dma_start3A_51] : memref<10x128x64xbf16, #tpu.memory_space<vmem>> -> memref<1x128x64xbf16, #tpu.memory_space<vmem>>
      %dma_start3A_53 = tpu.memref_squeeze %dma_start3A_52 : memref<1x128x64xbf16, #tpu.memory_space<vmem>> -> memref<128x64xbf16, #tpu.memory_space<vmem>>
      tpu.enqueue_dma source(%dma_start3A_53 : memref<128x64xbf16, #tpu.memory_space<vmem>>) target(%dma_start3A_49 : memref<128x64xbf16, #tpu.memory_space<vmem_shared>>) target_semaphore(%run_scoped3A_41 : memref<!tpu.dma_semaphore, #tpu.memory_space<semaphore_mem>>)
      %dma_wait3A_54 = arith.constant 0 : i32
      %dma_wait3A_55 = arith.constant 0 : i32
      %dma_wait3A_56 = tpu.memref_slice %arg8[%run_scoped3A_24, %dma_wait3A_54, %dma_wait3A_55] : memref<10x128x64xbf16, #tpu.memory_space<vmem>> -> memref<1x128x64xbf16, #tpu.memory_space<vmem>>
      %dma_wait3A_57 = tpu.memref_squeeze %dma_wait3A_56 : memref<1x128x64xbf16, #tpu.memory_space<vmem>> -> memref<128x64xbf16, #tpu.memory_space<vmem>>
      %dma_wait3A_58 = arith.constant 0 : i32
      %dma_wait3A_59 = tpu.memref_slice %arg10[%add3A_23, %dma_wait3A_58] : memref<10240x64xbf16, #tpu.memory_space<vmem_shared>> -> memref<128x64xbf16, #tpu.memory_space<vmem_shared>>
      %dma_wait3A_60 = arith.constant 0 : i32
      %dma_wait3A_61 = tpu.memref_slice %arg10[%add3A_23, %dma_wait3A_60] : memref<10240x64xbf16, #tpu.memory_space<vmem_shared>> -> memref<128x64xbf16, #tpu.memory_space<vmem_shared>>
      %dma_wait3A_62 = arith.constant 0 : i32
      %dma_wait3A_63 = arith.constant 0 : i32
      %dma_wait3A_64 = tpu.memref_slice %arg8[%run_scoped3A_24, %dma_wait3A_62, %dma_wait3A_63] : memref<10x128x64xbf16, #tpu.memory_space<vmem>> -> memref<1x128x64xbf16, #tpu.memory_space<vmem>>
      %dma_wait3A_65 = tpu.memref_squeeze %dma_wait3A_64 : memref<1x128x64xbf16, #tpu.memory_space<vmem>> -> memref<128x64xbf16, #tpu.memory_space<vmem>>
      tpu.wait_dma2 semaphore(%run_scoped3A_41 : memref<!tpu.dma_semaphore, #tpu.memory_space<semaphore_mem>>) src(%dma_wait3A_65 : memref<128x64xbf16, #tpu.memory_space<vmem>>) dst(%dma_wait3A_61 : memref<128x64xbf16, #tpu.memory_space<vmem_shared>>)
      tpu.yield
    }) : () -> ()
    %add3A_25 = arith.constant 384 : i32
    %add3A_26 = arith.addi %mul3A_2, %add3A_25 : i32
    %run_scoped3A_27 = arith.constant 0 : i32
    "tpu.region"() ({
      %run_scoped3A_41 = tpu.sem_alloc : memref<!tpu.dma_semaphore, #tpu.memory_space<semaphore_mem>>
      %dma_start3A_42 = arith.constant 0 : i32
      %dma_start3A_43 = arith.constant 0 : i32
      %dma_start3A_44 = tpu.memref_slice %arg8[%run_scoped3A_27, %dma_start3A_42, %dma_start3A_43] : memref<10x128x64xbf16, #tpu.memory_space<vmem>> -> memref<1x128x64xbf16, #tpu.memory_space<vmem>>
      %dma_start3A_45 = tpu.memref_squeeze %dma_start3A_44 : memref<1x128x64xbf16, #tpu.memory_space<vmem>> -> memref<128x64xbf16, #tpu.memory_space<vmem>>
      %dma_start3A_46 = arith.constant 0 : i32
      %dma_start3A_47 = tpu.memref_slice %arg10[%add3A_26, %dma_start3A_46] : memref<10240x64xbf16, #tpu.memory_space<vmem_shared>> -> memref<128x64xbf16, #tpu.memory_space<vmem_shared>>
      %dma_start3A_48 = arith.constant 0 : i32
      %dma_start3A_49 = tpu.memref_slice %arg10[%add3A_26, %dma_start3A_48] : memref<10240x64xbf16, #tpu.memory_space<vmem_shared>> -> memref<128x64xbf16, #tpu.memory_space<vmem_shared>>
      %dma_start3A_50 = arith.constant 0 : i32
      %dma_start3A_51 = arith.constant 0 : i32
      %dma_start3A_52 = tpu.memref_slice %arg8[%run_scoped3A_27, %dma_start3A_50, %dma_start3A_51] : memref<10x128x64xbf16, #tpu.memory_space<vmem>> -> memref<1x128x64xbf16, #tpu.memory_space<vmem>>
      %dma_start3A_53 = tpu.memref_squeeze %dma_start3A_52 : memref<1x128x64xbf16, #tpu.memory_space<vmem>> -> memref<128x64xbf16, #tpu.memory_space<vmem>>
      tpu.enqueue_dma source(%dma_start3A_53 : memref<128x64xbf16, #tpu.memory_space<vmem>>) target(%dma_start3A_49 : memref<128x64xbf16, #tpu.memory_space<vmem_shared>>) target_semaphore(%run_scoped3A_41 : memref<!tpu.dma_semaphore, #tpu.memory_space<semaphore_mem>>)
      %dma_wait3A_54 = arith.constant 0 : i32
      %dma_wait3A_55 = arith.constant 0 : i32
      %dma_wait3A_56 = tpu.memref_slice %arg8[%run_scoped3A_27, %dma_wait3A_54, %dma_wait3A_55] : memref<10x128x64xbf16, #tpu.memory_space<vmem>> -> memref<1x128x64xbf16, #tpu.memory_space<vmem>>
      %dma_wait3A_57 = tpu.memref_squeeze %dma_wait3A_56 : memref<1x128x64xbf16, #tpu.memory_space<vmem>> -> memref<128x64xbf16, #tpu.memory_space<vmem>>
      %dma_wait3A_58 = arith.constant 0 : i32
      %dma_wait3A_59 = tpu.memref_slice %arg10[%add3A_26, %dma_wait3A_58] : memref<10240x64xbf16, #tpu.memory_space<vmem_shared>> -> memref<128x64xbf16, #tpu.memory_space<vmem_shared>>
      %dma_wait3A_60 = arith.constant 0 : i32
      %dma_wait3A_61 = tpu.memref_slice %arg10[%add3A_26, %dma_wait3A_60] : memref<10240x64xbf16, #tpu.memory_space<vmem_shared>> -> memref<128x64xbf16, #tpu.memory_space<vmem_shared>>
      %dma_wait3A_62 = arith.constant 0 : i32
      %dma_wait3A_63 = arith.constant 0 : i32
      %dma_wait3A_64 = tpu.memref_slice %arg8[%run_scoped3A_27, %dma_wait3A_62, %dma_wait3A_63] : memref<10x128x64xbf16, #tpu.memory_space<vmem>> -> memref<1x128x64xbf16, #tpu.memory_space<vmem>>
      %dma_wait3A_65 = tpu.memref_squeeze %dma_wait3A_64 : memref<1x128x64xbf16, #tpu.memory_space<vmem>> -> memref<128x64xbf16, #tpu.memory_space<vmem>>
      tpu.wait_dma2 semaphore(%run_scoped3A_41 : memref<!tpu.dma_semaphore, #tpu.memory_space<semaphore_mem>>) src(%dma_wait3A_65 : memref<128x64xbf16, #tpu.memory_space<vmem>>) dst(%dma_wait3A_61 : memref<128x64xbf16, #tpu.memory_space<vmem_shared>>)
      tpu.yield
    }) : () -> ()
    %add3A_28 = arith.constant 512 : i32
    %add3A_29 = arith.addi %mul3A_2, %add3A_28 : i32
    %run_scoped3A_30 = arith.constant 0 : i32
    "tpu.region"() ({
      %run_scoped3A_41 = tpu.sem_alloc : memref<!tpu.dma_semaphore, #tpu.memory_space<semaphore_mem>>
      %dma_start3A_42 = arith.constant 0 : i32
      %dma_start3A_43 = arith.constant 0 : i32
      %dma_start3A_44 = tpu.memref_slice %arg8[%run_scoped3A_30, %dma_start3A_42, %dma_start3A_43] : memref<10x128x64xbf16, #tpu.memory_space<vmem>> -> memref<1x128x64xbf16, #tpu.memory_space<vmem>>
      %dma_start3A_45 = tpu.memref_squeeze %dma_start3A_44 : memref<1x128x64xbf16, #tpu.memory_space<vmem>> -> memref<128x64xbf16, #tpu.memory_space<vmem>>
      %dma_start3A_46 = arith.constant 0 : i32
      %dma_start3A_47 = tpu.memref_slice %arg10[%add3A_29, %dma_start3A_46] : memref<10240x64xbf16, #tpu.memory_space<vmem_shared>> -> memref<128x64xbf16, #tpu.memory_space<vmem_shared>>
      %dma_start3A_48 = arith.constant 0 : i32
      %dma_start3A_49 = tpu.memref_slice %arg10[%add3A_29, %dma_start3A_48] : memref<10240x64xbf16, #tpu.memory_space<vmem_shared>> -> memref<128x64xbf16, #tpu.memory_space<vmem_shared>>
      %dma_start3A_50 = arith.constant 0 : i32
      %dma_start3A_51 = arith.constant 0 : i32
      %dma_start3A_52 = tpu.memref_slice %arg8[%run_scoped3A_30, %dma_start3A_50, %dma_start3A_51] : memref<10x128x64xbf16, #tpu.memory_space<vmem>> -> memref<1x128x64xbf16, #tpu.memory_space<vmem>>
      %dma_start3A_53 = tpu.memref_squeeze %dma_start3A_52 : memref<1x128x64xbf16, #tpu.memory_space<vmem>> -> memref<128x64xbf16, #tpu.memory_space<vmem>>
      tpu.enqueue_dma source(%dma_start3A_53 : memref<128x64xbf16, #tpu.memory_space<vmem>>) target(%dma_start3A_49 : memref<128x64xbf16, #tpu.memory_space<vmem_shared>>) target_semaphore(%run_scoped3A_41 : memref<!tpu.dma_semaphore, #tpu.memory_space<semaphore_mem>>)
      %dma_wait3A_54 = arith.constant 0 : i32
      %dma_wait3A_55 = arith.constant 0 : i32
      %dma_wait3A_56 = tpu.memref_slice %arg8[%run_scoped3A_30, %dma_wait3A_54, %dma_wait3A_55] : memref<10x128x64xbf16, #tpu.memory_space<vmem>> -> memref<1x128x64xbf16, #tpu.memory_space<vmem>>
      %dma_wait3A_57 = tpu.memref_squeeze %dma_wait3A_56 : memref<1x128x64xbf16, #tpu.memory_space<vmem>> -> memref<128x64xbf16, #tpu.memory_space<vmem>>
      %dma_wait3A_58 = arith.constant 0 : i32
      %dma_wait3A_59 = tpu.memref_slice %arg10[%add3A_29, %dma_wait3A_58] : memref<10240x64xbf16, #tpu.memory_space<vmem_shared>> -> memref<128x64xbf16, #tpu.memory_space<vmem_shared>>
      %dma_wait3A_60 = arith.constant 0 : i32
      %dma_wait3A_61 = tpu.memref_slice %arg10[%add3A_29, %dma_wait3A_60] : memref<10240x64xbf16, #tpu.memory_space<vmem_shared>> -> memref<128x64xbf16, #tpu.memory_space<vmem_shared>>
      %dma_wait3A_62 = arith.constant 0 : i32
      %dma_wait3A_63 = arith.constant 0 : i32
      %dma_wait3A_64 = tpu.memref_slice %arg8[%run_scoped3A_30, %dma_wait3A_62, %dma_wait3A_63] : memref<10x128x64xbf16, #tpu.memory_space<vmem>> -> memref<1x128x64xbf16, #tpu.memory_space<vmem>>
      %dma_wait3A_65 = tpu.memref_squeeze %dma_wait3A_64 : memref<1x128x64xbf16, #tpu.memory_space<vmem>> -> memref<128x64xbf16, #tpu.memory_space<vmem>>
      tpu.wait_dma2 semaphore(%run_scoped3A_41 : memref<!tpu.dma_semaphore, #tpu.memory_space<semaphore_mem>>) src(%dma_wait3A_65 : memref<128x64xbf16, #tpu.memory_space<vmem>>) dst(%dma_wait3A_61 : memref<128x64xbf16, #tpu.memory_space<vmem_shared>>)
      tpu.yield
    }) : () -> ()
    %dma_wait3A = arith.constant 0 : i32
    %dma_wait3A_31 = tpu.memref_slice %arg9[%mul3A_8, %dma_wait3A] : memref<10000x64xbf16, #tpu.memory_space<vmem_shared>> -> memref<625x64xbf16, #tpu.memory_space<vmem_shared>>
    %dma_wait3A_32 = arith.constant 0 : i32
    %dma_wait3A_33 = tpu.memref_slice %arg2[%mul3A_6, %dma_wait3A_32] : memref<10000x64xbf16, #tpu.memory_space<hbm>> -> memref<625x64xbf16, #tpu.memory_space<hbm>>
    tpu.wait_dma2 semaphore(%arg13 : memref<!tpu.dma_semaphore, #tpu.memory_space<semaphore_mem>>) src(%dma_wait3A_33 : memref<625x64xbf16, #tpu.memory_space<hbm>>) dst(%dma_wait3A_31 : memref<625x64xbf16, #tpu.memory_space<vmem_shared>>)
    %barrier3A = arith.constant 0 : index
    tpu.barrier barrier_id(%barrier3A)
    %scan3A_34 = arith.constant 0 : i32
    %scan3A_35 = arith.constant 0 : i32
    %scan3A_36 = arith.constant 8 : i32
    %scan3A_37 = arith.addi %scan3A_35, %scan3A_36 : i32
    %scan3A_38 = arith.constant 1 : i32
    scf.for %scan3A_41 = %scan3A_35 to %scan3A_37 step %scan3A_38  : i32 {
      %mul3A_42 = arith.constant 10 : i32
      %mul3A_43 = arith.muli %scan3A_41, %mul3A_42 : i32
      %add3A_44 = arith.addi %mul3A_4, %mul3A_43 : i32
      %dma_start3A_45 = arith.constant 0 : i32
      %dma_start3A_46 = tpu.memref_slice %arg3[%add3A_44, %dma_start3A_45] : memref<2560x128xi32, #tpu.memory_space<hbm>> -> memref<10x128xi32, #tpu.memory_space<hbm>>
      %dma_start3A_47 = arith.constant 0 : i32
      %dma_start3A_48 = tpu.memref_slice %arg3[%add3A_44, %dma_start3A_47] : memref<2560x128xi32, #tpu.memory_space<hbm>> -> memref<10x128xi32, #tpu.memory_space<hbm>>
      tpu.enqueue_dma source(%dma_start3A_48 : memref<10x128xi32, #tpu.memory_space<hbm>>) target(%arg6 : memref<10x128xi32, #tpu.memory_space<vmem>>) target_semaphore(%arg13 : memref<!tpu.dma_semaphore, #tpu.memory_space<semaphore_mem>>)
      %dma_start3A_49 = arith.constant 0 : i32
      %dma_start3A_50 = tpu.memref_slice %arg4[%add3A_44, %dma_start3A_49] : memref<2560x128xi32, #tpu.memory_space<hbm>> -> memref<10x128xi32, #tpu.memory_space<hbm>>
      %dma_start3A_51 = arith.constant 0 : i32
      %dma_start3A_52 = tpu.memref_slice %arg4[%add3A_44, %dma_start3A_51] : memref<2560x128xi32, #tpu.memory_space<hbm>> -> memref<10x128xi32, #tpu.memory_space<hbm>>
      tpu.enqueue_dma source(%dma_start3A_52 : memref<10x128xi32, #tpu.memory_space<hbm>>) target(%arg7 : memref<10x128xi32, #tpu.memory_space<vmem>>) target_semaphore(%arg13 : memref<!tpu.dma_semaphore, #tpu.memory_space<semaphore_mem>>)
      %dma_wait3A_53 = arith.constant 0 : i32
      %dma_wait3A_54 = tpu.memref_slice %arg3[%add3A_44, %dma_wait3A_53] : memref<2560x128xi32, #tpu.memory_space<hbm>> -> memref<10x128xi32, #tpu.memory_space<hbm>>
      %dma_wait3A_55 = arith.constant 0 : i32
      %dma_wait3A_56 = tpu.memref_slice %arg3[%add3A_44, %dma_wait3A_55] : memref<2560x128xi32, #tpu.memory_space<hbm>> -> memref<10x128xi32, #tpu.memory_space<hbm>>
      tpu.wait_dma2 semaphore(%arg13 : memref<!tpu.dma_semaphore, #tpu.memory_space<semaphore_mem>>) src(%dma_wait3A_56 : memref<10x128xi32, #tpu.memory_space<hbm>>) dst(%arg6 : memref<10x128xi32, #tpu.memory_space<vmem>>)
      %dma_wait3A_57 = arith.constant 0 : i32
      %dma_wait3A_58 = tpu.memref_slice %arg4[%add3A_44, %dma_wait3A_57] : memref<2560x128xi32, #tpu.memory_space<hbm>> -> memref<10x128xi32, #tpu.memory_space<hbm>>
      %dma_wait3A_59 = arith.constant 0 : i32
      %dma_wait3A_60 = tpu.memref_slice %arg4[%add3A_44, %dma_wait3A_59] : memref<2560x128xi32, #tpu.memory_space<hbm>> -> memref<10x128xi32, #tpu.memory_space<hbm>>
      tpu.wait_dma2 semaphore(%arg13 : memref<!tpu.dma_semaphore, #tpu.memory_space<semaphore_mem>>) src(%dma_wait3A_60 : memref<10x128xi32, #tpu.memory_space<hbm>>) dst(%arg7 : memref<10x128xi32, #tpu.memory_space<vmem>>)
      %dma_start3A_61 = arith.constant 0 : i32
      %dma_start3A_62 = arith.constant 0 : i32
      %dma_start3A_63 = arith.constant 0 : i32
      %dma_start3A_64 = arith.constant 0 : i32
      %dma_start3A_65 = tpu.memref_slice %arg8[%dma_start3A_62, %dma_start3A_63, %dma_start3A_64] : memref<10x128x64xbf16, #tpu.memory_space<vmem>> -> memref<1x128x64xbf16, #tpu.memory_space<vmem>>
      %dma_start3A_66 = tpu.memref_squeeze %dma_start3A_65 : memref<1x128x64xbf16, #tpu.memory_space<vmem>> -> memref<128x64xbf16, #tpu.memory_space<vmem>>
      %dma_start3A_67 = arith.constant 0 : i32
      %dma_start3A_68 = tpu.memref_slice %arg6[%dma_start3A_61, %dma_start3A_67] : memref<10x128xi32, #tpu.memory_space<vmem>> -> memref<1x128xi32, #tpu.memory_space<vmem>>
      %dma_start3A_69 = tpu.memref_squeeze %dma_start3A_68 : memref<1x128xi32, #tpu.memory_space<vmem>> -> memref<128xi32, #tpu.memory_space<vmem>>
      %dma_start3A_70 = arith.constant 0 : i32
      %dma_start3A_71 = arith.constant 0 : i32
      %dma_start3A_72 = tpu.memref_slice %arg9[%dma_start3A_70, %dma_start3A_71] : memref<10000x64xbf16, #tpu.memory_space<vmem_shared>> -> memref<10000x64xbf16, #tpu.memory_space<vmem_shared>>
      tpu.enqueue_indirect_dma source(%dma_start3A_72 : memref<10000x64xbf16, #tpu.memory_space<vmem_shared>>) target(%dma_start3A_66 : memref<128x64xbf16, #tpu.memory_space<vmem>>) offsets(%dma_start3A_69 : memref<128xi32, #tpu.memory_space<vmem>>) semaphore(%arg11 : memref<!tpu.dma_semaphore, #tpu.memory_space<semaphore_mem>>)
      %dma_start3A_73 = arith.constant 1 : i32
      %dma_start3A_74 = arith.constant 1 : i32
      %dma_start3A_75 = arith.constant 0 : i32
      %dma_start3A_76 = arith.constant 0 : i32
      %dma_start3A_77 = tpu.memref_slice %arg8[%dma_start3A_74, %dma_start3A_75, %dma_start3A_76] : memref<10x128x64xbf16, #tpu.memory_space<vmem>> -> memref<1x128x64xbf16, #tpu.memory_space<vmem>>
      %dma_start3A_78 = tpu.memref_squeeze %dma_start3A_77 : memref<1x128x64xbf16, #tpu.memory_space<vmem>> -> memref<128x64xbf16, #tpu.memory_space<vmem>>
      %dma_start3A_79 = arith.constant 0 : i32
      %dma_start3A_80 = tpu.memref_slice %arg6[%dma_start3A_73, %dma_start3A_79] : memref<10x128xi32, #tpu.memory_space<vmem>> -> memref<1x128xi32, #tpu.memory_space<vmem>>
      %dma_start3A_81 = tpu.memref_squeeze %dma_start3A_80 : memref<1x128xi32, #tpu.memory_space<vmem>> -> memref<128xi32, #tpu.memory_space<vmem>>
      %dma_start3A_82 = arith.constant 0 : i32
      %dma_start3A_83 = arith.constant 0 : i32
      %dma_start3A_84 = tpu.memref_slice %arg9[%dma_start3A_82, %dma_start3A_83] : memref<10000x64xbf16, #tpu.memory_space<vmem_shared>> -> memref<10000x64xbf16, #tpu.memory_space<vmem_shared>>
      tpu.enqueue_indirect_dma source(%dma_start3A_84 : memref<10000x64xbf16, #tpu.memory_space<vmem_shared>>) target(%dma_start3A_78 : memref<128x64xbf16, #tpu.memory_space<vmem>>) offsets(%dma_start3A_81 : memref<128xi32, #tpu.memory_space<vmem>>) semaphore(%arg11 : memref<!tpu.dma_semaphore, #tpu.memory_space<semaphore_mem>>)
      %dma_start3A_85 = arith.constant 2 : i32
      %dma_start3A_86 = arith.constant 2 : i32
      %dma_start3A_87 = arith.constant 0 : i32
      %dma_start3A_88 = arith.constant 0 : i32
      %dma_start3A_89 = tpu.memref_slice %arg8[%dma_start3A_86, %dma_start3A_87, %dma_start3A_88] : memref<10x128x64xbf16, #tpu.memory_space<vmem>> -> memref<1x128x64xbf16, #tpu.memory_space<vmem>>
      %dma_start3A_90 = tpu.memref_squeeze %dma_start3A_89 : memref<1x128x64xbf16, #tpu.memory_space<vmem>> -> memref<128x64xbf16, #tpu.memory_space<vmem>>
      %dma_start3A_91 = arith.constant 0 : i32
      %dma_start3A_92 = tpu.memref_slice %arg6[%dma_start3A_85, %dma_start3A_91] : memref<10x128xi32, #tpu.memory_space<vmem>> -> memref<1x128xi32, #tpu.memory_space<vmem>>
      %dma_start3A_93 = tpu.memref_squeeze %dma_start3A_92 : memref<1x128xi32, #tpu.memory_space<vmem>> -> memref<128xi32, #tpu.memory_space<vmem>>
      %dma_start3A_94 = arith.constant 0 : i32
      %dma_start3A_95 = arith.constant 0 : i32
      %dma_start3A_96 = tpu.memref_slice %arg9[%dma_start3A_94, %dma_start3A_95] : memref<10000x64xbf16, #tpu.memory_space<vmem_shared>> -> memref<10000x64xbf16, #tpu.memory_space<vmem_shared>>
      tpu.enqueue_indirect_dma source(%dma_start3A_96 : memref<10000x64xbf16, #tpu.memory_space<vmem_shared>>) target(%dma_start3A_90 : memref<128x64xbf16, #tpu.memory_space<vmem>>) offsets(%dma_start3A_93 : memref<128xi32, #tpu.memory_space<vmem>>) semaphore(%arg11 : memref<!tpu.dma_semaphore, #tpu.memory_space<semaphore_mem>>)
      %dma_start3A_97 = arith.constant 3 : i32
      %dma_start3A_98 = arith.constant 3 : i32
      %dma_start3A_99 = arith.constant 0 : i32
      %dma_start3A_100 = arith.constant 0 : i32
      %dma_start3A_101 = tpu.memref_slice %arg8[%dma_start3A_98, %dma_start3A_99, %dma_start3A_100] : memref<10x128x64xbf16, #tpu.memory_space<vmem>> -> memref<1x128x64xbf16, #tpu.memory_space<vmem>>
      %dma_start3A_102 = tpu.memref_squeeze %dma_start3A_101 : memref<1x128x64xbf16, #tpu.memory_space<vmem>> -> memref<128x64xbf16, #tpu.memory_space<vmem>>
      %dma_start3A_103 = arith.constant 0 : i32
      %dma_start3A_104 = tpu.memref_slice %arg6[%dma_start3A_97, %dma_start3A_103] : memref<10x128xi32, #tpu.memory_space<vmem>> -> memref<1x128xi32, #tpu.memory_space<vmem>>
      %dma_start3A_105 = tpu.memref_squeeze %dma_start3A_104 : memref<1x128xi32, #tpu.memory_space<vmem>> -> memref<128xi32, #tpu.memory_space<vmem>>
      %dma_start3A_106 = arith.constant 0 : i32
      %dma_start3A_107 = arith.constant 0 : i32
      %dma_start3A_108 = tpu.memref_slice %arg9[%dma_start3A_106, %dma_start3A_107] : memref<10000x64xbf16, #tpu.memory_space<vmem_shared>> -> memref<10000x64xbf16, #tpu.memory_space<vmem_shared>>
      tpu.enqueue_indirect_dma source(%dma_start3A_108 : memref<10000x64xbf16, #tpu.memory_space<vmem_shared>>) target(%dma_start3A_102 : memref<128x64xbf16, #tpu.memory_space<vmem>>) offsets(%dma_start3A_105 : memref<128xi32, #tpu.memory_space<vmem>>) semaphore(%arg11 : memref<!tpu.dma_semaphore, #tpu.memory_space<semaphore_mem>>)
      %dma_start3A_109 = arith.constant 4 : i32
      %dma_start3A_110 = arith.constant 4 : i32
      %dma_start3A_111 = arith.constant 0 : i32
      %dma_start3A_112 = arith.constant 0 : i32
      %dma_start3A_113 = tpu.memref_slice %arg8[%dma_start3A_110, %dma_start3A_111, %dma_start3A_112] : memref<10x128x64xbf16, #tpu.memory_space<vmem>> -> memref<1x128x64xbf16, #tpu.memory_space<vmem>>
      %dma_start3A_114 = tpu.memref_squeeze %dma_start3A_113 : memref<1x128x64xbf16, #tpu.memory_space<vmem>> -> memref<128x64xbf16, #tpu.memory_space<vmem>>
      %dma_start3A_115 = arith.constant 0 : i32
      %dma_start3A_116 = tpu.memref_slice %arg6[%dma_start3A_109, %dma_start3A_115] : memref<10x128xi32, #tpu.memory_space<vmem>> -> memref<1x128xi32, #tpu.memory_space<vmem>>
      %dma_start3A_117 = tpu.memref_squeeze %dma_start3A_116 : memref<1x128xi32, #tpu.memory_space<vmem>> -> memref<128xi32, #tpu.memory_space<vmem>>
      %dma_start3A_118 = arith.constant 0 : i32
      %dma_start3A_119 = arith.constant 0 : i32
      %dma_start3A_120 = tpu.memref_slice %arg9[%dma_start3A_118, %dma_start3A_119] : memref<10000x64xbf16, #tpu.memory_space<vmem_shared>> -> memref<10000x64xbf16, #tpu.memory_space<vmem_shared>>
      tpu.enqueue_indirect_dma source(%dma_start3A_120 : memref<10000x64xbf16, #tpu.memory_space<vmem_shared>>) target(%dma_start3A_114 : memref<128x64xbf16, #tpu.memory_space<vmem>>) offsets(%dma_start3A_117 : memref<128xi32, #tpu.memory_space<vmem>>) semaphore(%arg11 : memref<!tpu.dma_semaphore, #tpu.memory_space<semaphore_mem>>)
      %dma_wait3A_121 = arith.constant 0 : i32
      %dma_wait3A_122 = arith.constant 0 : i32
      %dma_wait3A_123 = arith.constant 0 : i32
      %dma_wait3A_124 = arith.constant 0 : i32
      %dma_wait3A_125 = tpu.memref_slice %arg8[%dma_wait3A_122, %dma_wait3A_123, %dma_wait3A_124] : memref<10x128x64xbf16, #tpu.memory_space<vmem>> -> memref<1x128x64xbf16, #tpu.memory_space<vmem>>
      %dma_wait3A_126 = tpu.memref_squeeze %dma_wait3A_125 : memref<1x128x64xbf16, #tpu.memory_space<vmem>> -> memref<128x64xbf16, #tpu.memory_space<vmem>>
      %dma_wait3A_127 = arith.constant 0 : i32
      %dma_wait3A_128 = tpu.memref_slice %arg6[%dma_wait3A_121, %dma_wait3A_127] : memref<10x128xi32, #tpu.memory_space<vmem>> -> memref<1x128xi32, #tpu.memory_space<vmem>>
      %dma_wait3A_129 = tpu.memref_squeeze %dma_wait3A_128 : memref<1x128xi32, #tpu.memory_space<vmem>> -> memref<128xi32, #tpu.memory_space<vmem>>
      %dma_wait3A_130 = arith.constant 0 : i32
      %dma_wait3A_131 = arith.constant 0 : i32
      %dma_wait3A_132 = tpu.memref_slice %arg9[%dma_wait3A_130, %dma_wait3A_131] : memref<10000x64xbf16, #tpu.memory_space<vmem_shared>> -> memref<10000x64xbf16, #tpu.memory_space<vmem_shared>>
      tpu.wait_indirect_dma semaphore(%arg11 : memref<!tpu.dma_semaphore, #tpu.memory_space<semaphore_mem>>) src(%dma_wait3A_132 : memref<10000x64xbf16, #tpu.memory_space<vmem_shared>>) dst(%dma_wait3A_126 : memref<128x64xbf16, #tpu.memory_space<vmem>>)
      %dma_start3A_133 = arith.constant 0 : i32
      %dma_start3A_134 = arith.constant 0 : i32
      %dma_start3A_135 = arith.constant 0 : i32
      %dma_start3A_136 = arith.constant 0 : i32
      %dma_start3A_137 = tpu.memref_slice %arg8[%dma_start3A_133, %dma_start3A_135, %dma_start3A_136] : memref<10x128x64xbf16, #tpu.memory_space<vmem>> -> memref<1x128x64xbf16, #tpu.memory_space<vmem>>
      %dma_start3A_138 = tpu.memref_squeeze %dma_start3A_137 : memref<1x128x64xbf16, #tpu.memory_space<vmem>> -> memref<128x64xbf16, #tpu.memory_space<vmem>>
      %dma_start3A_139 = arith.constant 0 : i32
      %dma_start3A_140 = tpu.memref_slice %arg7[%dma_start3A_134, %dma_start3A_139] : memref<10x128xi32, #tpu.memory_space<vmem>> -> memref<1x128xi32, #tpu.memory_space<vmem>>
      %dma_start3A_141 = tpu.memref_squeeze %dma_start3A_140 : memref<1x128xi32, #tpu.memory_space<vmem>> -> memref<128xi32, #tpu.memory_space<vmem>>
      %dma_start3A_142 = arith.constant 0 : i32
      %dma_start3A_143 = arith.constant 0 : i32
      %dma_start3A_144 = tpu.memref_slice %arg10[%dma_start3A_142, %dma_start3A_143] : memref<10240x64xbf16, #tpu.memory_space<vmem_shared>> -> memref<10240x64xbf16, #tpu.memory_space<vmem_shared>>
      tpu.enqueue_indirect_dma source(%dma_start3A_138 : memref<128x64xbf16, #tpu.memory_space<vmem>>) target(%dma_start3A_144 : memref<10240x64xbf16, #tpu.memory_space<vmem_shared>>) offsets(%dma_start3A_141 : memref<128xi32, #tpu.memory_space<vmem>>) semaphore(%arg12 : memref<!tpu.dma_semaphore, #tpu.memory_space<semaphore_mem>>) {add = true}
      %dma_start3A_145 = arith.constant 5 : i32
      %dma_start3A_146 = arith.constant 5 : i32
      %dma_start3A_147 = arith.constant 0 : i32
      %dma_start3A_148 = arith.constant 0 : i32
      %dma_start3A_149 = tpu.memref_slice %arg8[%dma_start3A_146, %dma_start3A_147, %dma_start3A_148] : memref<10x128x64xbf16, #tpu.memory_space<vmem>> -> memref<1x128x64xbf16, #tpu.memory_space<vmem>>
      %dma_start3A_150 = tpu.memref_squeeze %dma_start3A_149 : memref<1x128x64xbf16, #tpu.memory_space<vmem>> -> memref<128x64xbf16, #tpu.memory_space<vmem>>
      %dma_start3A_151 = arith.constant 0 : i32
      %dma_start3A_152 = tpu.memref_slice %arg6[%dma_start3A_145, %dma_start3A_151] : memref<10x128xi32, #tpu.memory_space<vmem>> -> memref<1x128xi32, #tpu.memory_space<vmem>>
      %dma_start3A_153 = tpu.memref_squeeze %dma_start3A_152 : memref<1x128xi32, #tpu.memory_space<vmem>> -> memref<128xi32, #tpu.memory_space<vmem>>
      %dma_start3A_154 = arith.constant 0 : i32
      %dma_start3A_155 = arith.constant 0 : i32
      %dma_start3A_156 = tpu.memref_slice %arg9[%dma_start3A_154, %dma_start3A_155] : memref<10000x64xbf16, #tpu.memory_space<vmem_shared>> -> memref<10000x64xbf16, #tpu.memory_space<vmem_shared>>
      tpu.enqueue_indirect_dma source(%dma_start3A_156 : memref<10000x64xbf16, #tpu.memory_space<vmem_shared>>) target(%dma_start3A_150 : memref<128x64xbf16, #tpu.memory_space<vmem>>) offsets(%dma_start3A_153 : memref<128xi32, #tpu.memory_space<vmem>>) semaphore(%arg11 : memref<!tpu.dma_semaphore, #tpu.memory_space<semaphore_mem>>)
      %dma_wait3A_157 = arith.constant 1 : i32
      %dma_wait3A_158 = arith.constant 1 : i32
      %dma_wait3A_159 = arith.constant 0 : i32
      %dma_wait3A_160 = arith.constant 0 : i32
      %dma_wait3A_161 = tpu.memref_slice %arg8[%dma_wait3A_158, %dma_wait3A_159, %dma_wait3A_160] : memref<10x128x64xbf16, #tpu.memory_space<vmem>> -> memref<1x128x64xbf16, #tpu.memory_space<vmem>>
      %dma_wait3A_162 = tpu.memref_squeeze %dma_wait3A_161 : memref<1x128x64xbf16, #tpu.memory_space<vmem>> -> memref<128x64xbf16, #tpu.memory_space<vmem>>
      %dma_wait3A_163 = arith.constant 0 : i32
      %dma_wait3A_164 = tpu.memref_slice %arg6[%dma_wait3A_157, %dma_wait3A_163] : memref<10x128xi32, #tpu.memory_space<vmem>> -> memref<1x128xi32, #tpu.memory_space<vmem>>
      %dma_wait3A_165 = tpu.memref_squeeze %dma_wait3A_164 : memref<1x128xi32, #tpu.memory_space<vmem>> -> memref<128xi32, #tpu.memory_space<vmem>>
      %dma_wait3A_166 = arith.constant 0 : i32
      %dma_wait3A_167 = arith.constant 0 : i32
      %dma_wait3A_168 = tpu.memref_slice %arg9[%dma_wait3A_166, %dma_wait3A_167] : memref<10000x64xbf16, #tpu.memory_space<vmem_shared>> -> memref<10000x64xbf16, #tpu.memory_space<vmem_shared>>
      tpu.wait_indirect_dma semaphore(%arg11 : memref<!tpu.dma_semaphore, #tpu.memory_space<semaphore_mem>>) src(%dma_wait3A_168 : memref<10000x64xbf16, #tpu.memory_space<vmem_shared>>) dst(%dma_wait3A_162 : memref<128x64xbf16, #tpu.memory_space<vmem>>)
      %dma_start3A_169 = arith.constant 1 : i32
      %dma_start3A_170 = arith.constant 1 : i32
      %dma_start3A_171 = arith.constant 0 : i32
      %dma_start3A_172 = arith.constant 0 : i32
      %dma_start3A_173 = tpu.memref_slice %arg8[%dma_start3A_169, %dma_start3A_171, %dma_start3A_172] : memref<10x128x64xbf16, #tpu.memory_space<vmem>> -> memref<1x128x64xbf16, #tpu.memory_space<vmem>>
      %dma_start3A_174 = tpu.memref_squeeze %dma_start3A_173 : memref<1x128x64xbf16, #tpu.memory_space<vmem>> -> memref<128x64xbf16, #tpu.memory_space<vmem>>
      %dma_start3A_175 = arith.constant 0 : i32
      %dma_start3A_176 = tpu.memref_slice %arg7[%dma_start3A_170, %dma_start3A_175] : memref<10x128xi32, #tpu.memory_space<vmem>> -> memref<1x128xi32, #tpu.memory_space<vmem>>
      %dma_start3A_177 = tpu.memref_squeeze %dma_start3A_176 : memref<1x128xi32, #tpu.memory_space<vmem>> -> memref<128xi32, #tpu.memory_space<vmem>>
      %dma_start3A_178 = arith.constant 0 : i32
      %dma_start3A_179 = arith.constant 0 : i32
      %dma_start3A_180 = tpu.memref_slice %arg10[%dma_start3A_178, %dma_start3A_179] : memref<10240x64xbf16, #tpu.memory_space<vmem_shared>> -> memref<10240x64xbf16, #tpu.memory_space<vmem_shared>>
      tpu.enqueue_indirect_dma source(%dma_start3A_174 : memref<128x64xbf16, #tpu.memory_space<vmem>>) target(%dma_start3A_180 : memref<10240x64xbf16, #tpu.memory_space<vmem_shared>>) offsets(%dma_start3A_177 : memref<128xi32, #tpu.memory_space<vmem>>) semaphore(%arg12 : memref<!tpu.dma_semaphore, #tpu.memory_space<semaphore_mem>>) {add = true}
      %dma_start3A_181 = arith.constant 6 : i32
      %dma_start3A_182 = arith.constant 6 : i32
      %dma_start3A_183 = arith.constant 0 : i32
      %dma_start3A_184 = arith.constant 0 : i32
      %dma_start3A_185 = tpu.memref_slice %arg8[%dma_start3A_182, %dma_start3A_183, %dma_start3A_184] : memref<10x128x64xbf16, #tpu.memory_space<vmem>> -> memref<1x128x64xbf16, #tpu.memory_space<vmem>>
      %dma_start3A_186 = tpu.memref_squeeze %dma_start3A_185 : memref<1x128x64xbf16, #tpu.memory_space<vmem>> -> memref<128x64xbf16, #tpu.memory_space<vmem>>
      %dma_start3A_187 = arith.constant 0 : i32
      %dma_start3A_188 = tpu.memref_slice %arg6[%dma_start3A_181, %dma_start3A_187] : memref<10x128xi32, #tpu.memory_space<vmem>> -> memref<1x128xi32, #tpu.memory_space<vmem>>
      %dma_start3A_189 = tpu.memref_squeeze %dma_start3A_188 : memref<1x128xi32, #tpu.memory_space<vmem>> -> memref<128xi32, #tpu.memory_space<vmem>>
      %dma_start3A_190 = arith.constant 0 : i32
      %dma_start3A_191 = arith.constant 0 : i32
      %dma_start3A_192 = tpu.memref_slice %arg9[%dma_start3A_190, %dma_start3A_191] : memref<10000x64xbf16, #tpu.memory_space<vmem_shared>> -> memref<10000x64xbf16, #tpu.memory_space<vmem_shared>>
      tpu.enqueue_indirect_dma source(%dma_start3A_192 : memref<10000x64xbf16, #tpu.memory_space<vmem_shared>>) target(%dma_start3A_186 : memref<128x64xbf16, #tpu.memory_space<vmem>>) offsets(%dma_start3A_189 : memref<128xi32, #tpu.memory_space<vmem>>) semaphore(%arg11 : memref<!tpu.dma_semaphore, #tpu.memory_space<semaphore_mem>>)
      %dma_wait3A_193 = arith.constant 2 : i32
      %dma_wait3A_194 = arith.constant 2 : i32
      %dma_wait3A_195 = arith.constant 0 : i32
      %dma_wait3A_196 = arith.constant 0 : i32
      %dma_wait3A_197 = tpu.memref_slice %arg8[%dma_wait3A_194, %dma_wait3A_195, %dma_wait3A_196] : memref<10x128x64xbf16, #tpu.memory_space<vmem>> -> memref<1x128x64xbf16, #tpu.memory_space<vmem>>
      %dma_wait3A_198 = tpu.memref_squeeze %dma_wait3A_197 : memref<1x128x64xbf16, #tpu.memory_space<vmem>> -> memref<128x64xbf16, #tpu.memory_space<vmem>>
      %dma_wait3A_199 = arith.constant 0 : i32
      %dma_wait3A_200 = tpu.memref_slice %arg6[%dma_wait3A_193, %dma_wait3A_199] : memref<10x128xi32, #tpu.memory_space<vmem>> -> memref<1x128xi32, #tpu.memory_space<vmem>>
      %dma_wait3A_201 = tpu.memref_squeeze %dma_wait3A_200 : memref<1x128xi32, #tpu.memory_space<vmem>> -> memref<128xi32, #tpu.memory_space<vmem>>
      %dma_wait3A_202 = arith.constant 0 : i32
      %dma_wait3A_203 = arith.constant 0 : i32
      %dma_wait3A_204 = tpu.memref_slice %arg9[%dma_wait3A_202, %dma_wait3A_203] : memref<10000x64xbf16, #tpu.memory_space<vmem_shared>> -> memref<10000x64xbf16, #tpu.memory_space<vmem_shared>>
      tpu.wait_indirect_dma semaphore(%arg11 : memref<!tpu.dma_semaphore, #tpu.memory_space<semaphore_mem>>) src(%dma_wait3A_204 : memref<10000x64xbf16, #tpu.memory_space<vmem_shared>>) dst(%dma_wait3A_198 : memref<128x64xbf16, #tpu.memory_space<vmem>>)
      %dma_start3A_205 = arith.constant 2 : i32
      %dma_start3A_206 = arith.constant 2 : i32
      %dma_start3A_207 = arith.constant 0 : i32
      %dma_start3A_208 = arith.constant 0 : i32
      %dma_start3A_209 = tpu.memref_slice %arg8[%dma_start3A_205, %dma_start3A_207, %dma_start3A_208] : memref<10x128x64xbf16, #tpu.memory_space<vmem>> -> memref<1x128x64xbf16, #tpu.memory_space<vmem>>
      %dma_start3A_210 = tpu.memref_squeeze %dma_start3A_209 : memref<1x128x64xbf16, #tpu.memory_space<vmem>> -> memref<128x64xbf16, #tpu.memory_space<vmem>>
      %dma_start3A_211 = arith.constant 0 : i32
      %dma_start3A_212 = tpu.memref_slice %arg7[%dma_start3A_206, %dma_start3A_211] : memref<10x128xi32, #tpu.memory_space<vmem>> -> memref<1x128xi32, #tpu.memory_space<vmem>>
      %dma_start3A_213 = tpu.memref_squeeze %dma_start3A_212 : memref<1x128xi32, #tpu.memory_space<vmem>> -> memref<128xi32, #tpu.memory_space<vmem>>
      %dma_start3A_214 = arith.constant 0 : i32
      %dma_start3A_215 = arith.constant 0 : i32
      %dma_start3A_216 = tpu.memref_slice %arg10[%dma_start3A_214, %dma_start3A_215] : memref<10240x64xbf16, #tpu.memory_space<vmem_shared>> -> memref<10240x64xbf16, #tpu.memory_space<vmem_shared>>
      tpu.enqueue_indirect_dma source(%dma_start3A_210 : memref<128x64xbf16, #tpu.memory_space<vmem>>) target(%dma_start3A_216 : memref<10240x64xbf16, #tpu.memory_space<vmem_shared>>) offsets(%dma_start3A_213 : memref<128xi32, #tpu.memory_space<vmem>>) semaphore(%arg12 : memref<!tpu.dma_semaphore, #tpu.memory_space<semaphore_mem>>) {add = true}
      %dma_start3A_217 = arith.constant 7 : i32
      %dma_start3A_218 = arith.constant 7 : i32
      %dma_start3A_219 = arith.constant 0 : i32
      %dma_start3A_220 = arith.constant 0 : i32
      %dma_start3A_221 = tpu.memref_slice %arg8[%dma_start3A_218, %dma_start3A_219, %dma_start3A_220] : memref<10x128x64xbf16, #tpu.memory_space<vmem>> -> memref<1x128x64xbf16, #tpu.memory_space<vmem>>
      %dma_start3A_222 = tpu.memref_squeeze %dma_start3A_221 : memref<1x128x64xbf16, #tpu.memory_space<vmem>> -> memref<128x64xbf16, #tpu.memory_space<vmem>>
      %dma_start3A_223 = arith.constant 0 : i32
      %dma_start3A_224 = tpu.memref_slice %arg6[%dma_start3A_217, %dma_start3A_223] : memref<10x128xi32, #tpu.memory_space<vmem>> -> memref<1x128xi32, #tpu.memory_space<vmem>>
      %dma_start3A_225 = tpu.memref_squeeze %dma_start3A_224 : memref<1x128xi32, #tpu.memory_space<vmem>> -> memref<128xi32, #tpu.memory_space<vmem>>
      %dma_start3A_226 = arith.constant 0 : i32
      %dma_start3A_227 = arith.constant 0 : i32
      %dma_start3A_228 = tpu.memref_slice %arg9[%dma_start3A_226, %dma_start3A_227] : memref<10000x64xbf16, #tpu.memory_space<vmem_shared>> -> memref<10000x64xbf16, #tpu.memory_space<vmem_shared>>
      tpu.enqueue_indirect_dma source(%dma_start3A_228 : memref<10000x64xbf16, #tpu.memory_space<vmem_shared>>) target(%dma_start3A_222 : memref<128x64xbf16, #tpu.memory_space<vmem>>) offsets(%dma_start3A_225 : memref<128xi32, #tpu.memory_space<vmem>>) semaphore(%arg11 : memref<!tpu.dma_semaphore, #tpu.memory_space<semaphore_mem>>)
      %dma_wait3A_229 = arith.constant 3 : i32
      %dma_wait3A_230 = arith.constant 3 : i32
      %dma_wait3A_231 = arith.constant 0 : i32
      %dma_wait3A_232 = arith.constant 0 : i32
      %dma_wait3A_233 = tpu.memref_slice %arg8[%dma_wait3A_230, %dma_wait3A_231, %dma_wait3A_232] : memref<10x128x64xbf16, #tpu.memory_space<vmem>> -> memref<1x128x64xbf16, #tpu.memory_space<vmem>>
      %dma_wait3A_234 = tpu.memref_squeeze %dma_wait3A_233 : memref<1x128x64xbf16, #tpu.memory_space<vmem>> -> memref<128x64xbf16, #tpu.memory_space<vmem>>
      %dma_wait3A_235 = arith.constant 0 : i32
      %dma_wait3A_236 = tpu.memref_slice %arg6[%dma_wait3A_229, %dma_wait3A_235] : memref<10x128xi32, #tpu.memory_space<vmem>> -> memref<1x128xi32, #tpu.memory_space<vmem>>
      %dma_wait3A_237 = tpu.memref_squeeze %dma_wait3A_236 : memref<1x128xi32, #tpu.memory_space<vmem>> -> memref<128xi32, #tpu.memory_space<vmem>>
      %dma_wait3A_238 = arith.constant 0 : i32
      %dma_wait3A_239 = arith.constant 0 : i32
      %dma_wait3A_240 = tpu.memref_slice %arg9[%dma_wait3A_238, %dma_wait3A_239] : memref<10000x64xbf16, #tpu.memory_space<vmem_shared>> -> memref<10000x64xbf16, #tpu.memory_space<vmem_shared>>
      tpu.wait_indirect_dma semaphore(%arg11 : memref<!tpu.dma_semaphore, #tpu.memory_space<semaphore_mem>>) src(%dma_wait3A_240 : memref<10000x64xbf16, #tpu.memory_space<vmem_shared>>) dst(%dma_wait3A_234 : memref<128x64xbf16, #tpu.memory_space<vmem>>)
      %dma_start3A_241 = arith.constant 3 : i32
      %dma_start3A_242 = arith.constant 3 : i32
      %dma_start3A_243 = arith.constant 0 : i32
      %dma_start3A_244 = arith.constant 0 : i32
      %dma_start3A_245 = tpu.memref_slice %arg8[%dma_start3A_241, %dma_start3A_243, %dma_start3A_244] : memref<10x128x64xbf16, #tpu.memory_space<vmem>> -> memref<1x128x64xbf16, #tpu.memory_space<vmem>>
      %dma_start3A_246 = tpu.memref_squeeze %dma_start3A_245 : memref<1x128x64xbf16, #tpu.memory_space<vmem>> -> memref<128x64xbf16, #tpu.memory_space<vmem>>
      %dma_start3A_247 = arith.constant 0 : i32
      %dma_start3A_248 = tpu.memref_slice %arg7[%dma_start3A_242, %dma_start3A_247] : memref<10x128xi32, #tpu.memory_space<vmem>> -> memref<1x128xi32, #tpu.memory_space<vmem>>
      %dma_start3A_249 = tpu.memref_squeeze %dma_start3A_248 : memref<1x128xi32, #tpu.memory_space<vmem>> -> memref<128xi32, #tpu.memory_space<vmem>>
      %dma_start3A_250 = arith.constant 0 : i32
      %dma_start3A_251 = arith.constant 0 : i32
      %dma_start3A_252 = tpu.memref_slice %arg10[%dma_start3A_250, %dma_start3A_251] : memref<10240x64xbf16, #tpu.memory_space<vmem_shared>> -> memref<10240x64xbf16, #tpu.memory_space<vmem_shared>>
      tpu.enqueue_indirect_dma source(%dma_start3A_246 : memref<128x64xbf16, #tpu.memory_space<vmem>>) target(%dma_start3A_252 : memref<10240x64xbf16, #tpu.memory_space<vmem_shared>>) offsets(%dma_start3A_249 : memref<128xi32, #tpu.memory_space<vmem>>) semaphore(%arg12 : memref<!tpu.dma_semaphore, #tpu.memory_space<semaphore_mem>>) {add = true}
      %dma_start3A_253 = arith.constant 8 : i32
      %dma_start3A_254 = arith.constant 8 : i32
      %dma_start3A_255 = arith.constant 0 : i32
      %dma_start3A_256 = arith.constant 0 : i32
      %dma_start3A_257 = tpu.memref_slice %arg8[%dma_start3A_254, %dma_start3A_255, %dma_start3A_256] : memref<10x128x64xbf16, #tpu.memory_space<vmem>> -> memref<1x128x64xbf16, #tpu.memory_space<vmem>>
      %dma_start3A_258 = tpu.memref_squeeze %dma_start3A_257 : memref<1x128x64xbf16, #tpu.memory_space<vmem>> -> memref<128x64xbf16, #tpu.memory_space<vmem>>
      %dma_start3A_259 = arith.constant 0 : i32
      %dma_start3A_260 = tpu.memref_slice %arg6[%dma_start3A_253, %dma_start3A_259] : memref<10x128xi32, #tpu.memory_space<vmem>> -> memref<1x128xi32, #tpu.memory_space<vmem>>
      %dma_start3A_261 = tpu.memref_squeeze %dma_start3A_260 : memref<1x128xi32, #tpu.memory_space<vmem>> -> memref<128xi32, #tpu.memory_space<vmem>>
      %dma_start3A_262 = arith.constant 0 : i32
      %dma_start3A_263 = arith.constant 0 : i32
      %dma_start3A_264 = tpu.memref_slice %arg9[%dma_start3A_262, %dma_start3A_263] : memref<10000x64xbf16, #tpu.memory_space<vmem_shared>> -> memref<10000x64xbf16, #tpu.memory_space<vmem_shared>>
      tpu.enqueue_indirect_dma source(%dma_start3A_264 : memref<10000x64xbf16, #tpu.memory_space<vmem_shared>>) target(%dma_start3A_258 : memref<128x64xbf16, #tpu.memory_space<vmem>>) offsets(%dma_start3A_261 : memref<128xi32, #tpu.memory_space<vmem>>) semaphore(%arg11 : memref<!tpu.dma_semaphore, #tpu.memory_space<semaphore_mem>>)
      %dma_wait3A_265 = arith.constant 4 : i32
      %dma_wait3A_266 = arith.constant 4 : i32
      %dma_wait3A_267 = arith.constant 0 : i32
      %dma_wait3A_268 = arith.constant 0 : i32
      %dma_wait3A_269 = tpu.memref_slice %arg8[%dma_wait3A_266, %dma_wait3A_267, %dma_wait3A_268] : memref<10x128x64xbf16, #tpu.memory_space<vmem>> -> memref<1x128x64xbf16, #tpu.memory_space<vmem>>
      %dma_wait3A_270 = tpu.memref_squeeze %dma_wait3A_269 : memref<1x128x64xbf16, #tpu.memory_space<vmem>> -> memref<128x64xbf16, #tpu.memory_space<vmem>>
      %dma_wait3A_271 = arith.constant 0 : i32
      %dma_wait3A_272 = tpu.memref_slice %arg6[%dma_wait3A_265, %dma_wait3A_271] : memref<10x128xi32, #tpu.memory_space<vmem>> -> memref<1x128xi32, #tpu.memory_space<vmem>>
      %dma_wait3A_273 = tpu.memref_squeeze %dma_wait3A_272 : memref<1x128xi32, #tpu.memory_space<vmem>> -> memref<128xi32, #tpu.memory_space<vmem>>
      %dma_wait3A_274 = arith.constant 0 : i32
      %dma_wait3A_275 = arith.constant 0 : i32
      %dma_wait3A_276 = tpu.memref_slice %arg9[%dma_wait3A_274, %dma_wait3A_275] : memref<10000x64xbf16, #tpu.memory_space<vmem_shared>> -> memref<10000x64xbf16, #tpu.memory_space<vmem_shared>>
      tpu.wait_indirect_dma semaphore(%arg11 : memref<!tpu.dma_semaphore, #tpu.memory_space<semaphore_mem>>) src(%dma_wait3A_276 : memref<10000x64xbf16, #tpu.memory_space<vmem_shared>>) dst(%dma_wait3A_270 : memref<128x64xbf16, #tpu.memory_space<vmem>>)
      %dma_start3A_277 = arith.constant 4 : i32
      %dma_start3A_278 = arith.constant 4 : i32
      %dma_start3A_279 = arith.constant 0 : i32
      %dma_start3A_280 = arith.constant 0 : i32
      %dma_start3A_281 = tpu.memref_slice %arg8[%dma_start3A_277, %dma_start3A_279, %dma_start3A_280] : memref<10x128x64xbf16, #tpu.memory_space<vmem>> -> memref<1x128x64xbf16, #tpu.memory_space<vmem>>
      %dma_start3A_282 = tpu.memref_squeeze %dma_start3A_281 : memref<1x128x64xbf16, #tpu.memory_space<vmem>> -> memref<128x64xbf16, #tpu.memory_space<vmem>>
      %dma_start3A_283 = arith.constant 0 : i32
      %dma_start3A_284 = tpu.memref_slice %arg7[%dma_start3A_278, %dma_start3A_283] : memref<10x128xi32, #tpu.memory_space<vmem>> -> memref<1x128xi32, #tpu.memory_space<vmem>>
      %dma_start3A_285 = tpu.memref_squeeze %dma_start3A_284 : memref<1x128xi32, #tpu.memory_space<vmem>> -> memref<128xi32, #tpu.memory_space<vmem>>
      %dma_start3A_286 = arith.constant 0 : i32
      %dma_start3A_287 = arith.constant 0 : i32
      %dma_start3A_288 = tpu.memref_slice %arg10[%dma_start3A_286, %dma_start3A_287] : memref<10240x64xbf16, #tpu.memory_space<vmem_shared>> -> memref<10240x64xbf16, #tpu.memory_space<vmem_shared>>
      tpu.enqueue_indirect_dma source(%dma_start3A_282 : memref<128x64xbf16, #tpu.memory_space<vmem>>) target(%dma_start3A_288 : memref<10240x64xbf16, #tpu.memory_space<vmem_shared>>) offsets(%dma_start3A_285 : memref<128xi32, #tpu.memory_space<vmem>>) semaphore(%arg12 : memref<!tpu.dma_semaphore, #tpu.memory_space<semaphore_mem>>) {add = true}
      %dma_start3A_289 = arith.constant 9 : i32
      %dma_start3A_290 = arith.constant 9 : i32
      %dma_start3A_291 = arith.constant 0 : i32
      %dma_start3A_292 = arith.constant 0 : i32
      %dma_start3A_293 = tpu.memref_slice %arg8[%dma_start3A_290, %dma_start3A_291, %dma_start3A_292] : memref<10x128x64xbf16, #tpu.memory_space<vmem>> -> memref<1x128x64xbf16, #tpu.memory_space<vmem>>
      %dma_start3A_294 = tpu.memref_squeeze %dma_start3A_293 : memref<1x128x64xbf16, #tpu.memory_space<vmem>> -> memref<128x64xbf16, #tpu.memory_space<vmem>>
      %dma_start3A_295 = arith.constant 0 : i32
      %dma_start3A_296 = tpu.memref_slice %arg6[%dma_start3A_289, %dma_start3A_295] : memref<10x128xi32, #tpu.memory_space<vmem>> -> memref<1x128xi32, #tpu.memory_space<vmem>>
      %dma_start3A_297 = tpu.memref_squeeze %dma_start3A_296 : memref<1x128xi32, #tpu.memory_space<vmem>> -> memref<128xi32, #tpu.memory_space<vmem>>
      %dma_start3A_298 = arith.constant 0 : i32
      %dma_start3A_299 = arith.constant 0 : i32
      %dma_start3A_300 = tpu.memref_slice %arg9[%dma_start3A_298, %dma_start3A_299] : memref<10000x64xbf16, #tpu.memory_space<vmem_shared>> -> memref<10000x64xbf16, #tpu.memory_space<vmem_shared>>
      tpu.enqueue_indirect_dma source(%dma_start3A_300 : memref<10000x64xbf16, #tpu.memory_space<vmem_shared>>) target(%dma_start3A_294 : memref<128x64xbf16, #tpu.memory_space<vmem>>) offsets(%dma_start3A_297 : memref<128xi32, #tpu.memory_space<vmem>>) semaphore(%arg11 : memref<!tpu.dma_semaphore, #tpu.memory_space<semaphore_mem>>)
      %dma_wait3A_301 = arith.constant 5 : i32
      %dma_wait3A_302 = arith.constant 5 : i32
      %dma_wait3A_303 = arith.constant 0 : i32
      %dma_wait3A_304 = arith.constant 0 : i32
      %dma_wait3A_305 = tpu.memref_slice %arg8[%dma_wait3A_302, %dma_wait3A_303, %dma_wait3A_304] : memref<10x128x64xbf16, #tpu.memory_space<vmem>> -> memref<1x128x64xbf16, #tpu.memory_space<vmem>>
      %dma_wait3A_306 = tpu.memref_squeeze %dma_wait3A_305 : memref<1x128x64xbf16, #tpu.memory_space<vmem>> -> memref<128x64xbf16, #tpu.memory_space<vmem>>
      %dma_wait3A_307 = arith.constant 0 : i32
      %dma_wait3A_308 = tpu.memref_slice %arg6[%dma_wait3A_301, %dma_wait3A_307] : memref<10x128xi32, #tpu.memory_space<vmem>> -> memref<1x128xi32, #tpu.memory_space<vmem>>
      %dma_wait3A_309 = tpu.memref_squeeze %dma_wait3A_308 : memref<1x128xi32, #tpu.memory_space<vmem>> -> memref<128xi32, #tpu.memory_space<vmem>>
      %dma_wait3A_310 = arith.constant 0 : i32
      %dma_wait3A_311 = arith.constant 0 : i32
      %dma_wait3A_312 = tpu.memref_slice %arg9[%dma_wait3A_310, %dma_wait3A_311] : memref<10000x64xbf16, #tpu.memory_space<vmem_shared>> -> memref<10000x64xbf16, #tpu.memory_space<vmem_shared>>
      tpu.wait_indirect_dma semaphore(%arg11 : memref<!tpu.dma_semaphore, #tpu.memory_space<semaphore_mem>>) src(%dma_wait3A_312 : memref<10000x64xbf16, #tpu.memory_space<vmem_shared>>) dst(%dma_wait3A_306 : memref<128x64xbf16, #tpu.memory_space<vmem>>)
      %dma_start3A_313 = arith.constant 5 : i32
      %dma_start3A_314 = arith.constant 5 : i32
      %dma_start3A_315 = arith.constant 0 : i32
      %dma_start3A_316 = arith.constant 0 : i32
      %dma_start3A_317 = tpu.memref_slice %arg8[%dma_start3A_313, %dma_start3A_315, %dma_start3A_316] : memref<10x128x64xbf16, #tpu.memory_space<vmem>> -> memref<1x128x64xbf16, #tpu.memory_space<vmem>>
      %dma_start3A_318 = tpu.memref_squeeze %dma_start3A_317 : memref<1x128x64xbf16, #tpu.memory_space<vmem>> -> memref<128x64xbf16, #tpu.memory_space<vmem>>
      %dma_start3A_319 = arith.constant 0 : i32
      %dma_start3A_320 = tpu.memref_slice %arg7[%dma_start3A_314, %dma_start3A_319] : memref<10x128xi32, #tpu.memory_space<vmem>> -> memref<1x128xi32, #tpu.memory_space<vmem>>
      %dma_start3A_321 = tpu.memref_squeeze %dma_start3A_320 : memref<1x128xi32, #tpu.memory_space<vmem>> -> memref<128xi32, #tpu.memory_space<vmem>>
      %dma_start3A_322 = arith.constant 0 : i32
      %dma_start3A_323 = arith.constant 0 : i32
      %dma_start3A_324 = tpu.memref_slice %arg10[%dma_start3A_322, %dma_start3A_323] : memref<10240x64xbf16, #tpu.memory_space<vmem_shared>> -> memref<10240x64xbf16, #tpu.memory_space<vmem_shared>>
      tpu.enqueue_indirect_dma source(%dma_start3A_318 : memref<128x64xbf16, #tpu.memory_space<vmem>>) target(%dma_start3A_324 : memref<10240x64xbf16, #tpu.memory_space<vmem_shared>>) offsets(%dma_start3A_321 : memref<128xi32, #tpu.memory_space<vmem>>) semaphore(%arg12 : memref<!tpu.dma_semaphore, #tpu.memory_space<semaphore_mem>>) {add = true}
      %dma_wait3A_325 = arith.constant 6 : i32
      %dma_wait3A_326 = arith.constant 6 : i32
      %dma_wait3A_327 = arith.constant 0 : i32
      %dma_wait3A_328 = arith.constant 0 : i32
      %dma_wait3A_329 = tpu.memref_slice %arg8[%dma_wait3A_326, %dma_wait3A_327, %dma_wait3A_328] : memref<10x128x64xbf16, #tpu.memory_space<vmem>> -> memref<1x128x64xbf16, #tpu.memory_space<vmem>>
      %dma_wait3A_330 = tpu.memref_squeeze %dma_wait3A_329 : memref<1x128x64xbf16, #tpu.memory_space<vmem>> -> memref<128x64xbf16, #tpu.memory_space<vmem>>
      %dma_wait3A_331 = arith.constant 0 : i32
      %dma_wait3A_332 = tpu.memref_slice %arg6[%dma_wait3A_325, %dma_wait3A_331] : memref<10x128xi32, #tpu.memory_space<vmem>> -> memref<1x128xi32, #tpu.memory_space<vmem>>
      %dma_wait3A_333 = tpu.memref_squeeze %dma_wait3A_332 : memref<1x128xi32, #tpu.memory_space<vmem>> -> memref<128xi32, #tpu.memory_space<vmem>>
      %dma_wait3A_334 = arith.constant 0 : i32
      %dma_wait3A_335 = arith.constant 0 : i32
      %dma_wait3A_336 = tpu.memref_slice %arg9[%dma_wait3A_334, %dma_wait3A_335] : memref<10000x64xbf16, #tpu.memory_space<vmem_shared>> -> memref<10000x64xbf16, #tpu.memory_space<vmem_shared>>
      tpu.wait_indirect_dma semaphore(%arg11 : memref<!tpu.dma_semaphore, #tpu.memory_space<semaphore_mem>>) src(%dma_wait3A_336 : memref<10000x64xbf16, #tpu.memory_space<vmem_shared>>) dst(%dma_wait3A_330 : memref<128x64xbf16, #tpu.memory_space<vmem>>)
      %dma_start3A_337 = arith.constant 6 : i32
      %dma_start3A_338 = arith.constant 6 : i32
      %dma_start3A_339 = arith.constant 0 : i32
      %dma_start3A_340 = arith.constant 0 : i32
      %dma_start3A_341 = tpu.memref_slice %arg8[%dma_start3A_337, %dma_start3A_339, %dma_start3A_340] : memref<10x128x64xbf16, #tpu.memory_space<vmem>> -> memref<1x128x64xbf16, #tpu.memory_space<vmem>>
      %dma_start3A_342 = tpu.memref_squeeze %dma_start3A_341 : memref<1x128x64xbf16, #tpu.memory_space<vmem>> -> memref<128x64xbf16, #tpu.memory_space<vmem>>
      %dma_start3A_343 = arith.constant 0 : i32
      %dma_start3A_344 = tpu.memref_slice %arg7[%dma_start3A_338, %dma_start3A_343] : memref<10x128xi32, #tpu.memory_space<vmem>> -> memref<1x128xi32, #tpu.memory_space<vmem>>
      %dma_start3A_345 = tpu.memref_squeeze %dma_start3A_344 : memref<1x128xi32, #tpu.memory_space<vmem>> -> memref<128xi32, #tpu.memory_space<vmem>>
      %dma_start3A_346 = arith.constant 0 : i32
      %dma_start3A_347 = arith.constant 0 : i32
      %dma_start3A_348 = tpu.memref_slice %arg10[%dma_start3A_346, %dma_start3A_347] : memref<10240x64xbf16, #tpu.memory_space<vmem_shared>> -> memref<10240x64xbf16, #tpu.memory_space<vmem_shared>>
      tpu.enqueue_indirect_dma source(%dma_start3A_342 : memref<128x64xbf16, #tpu.memory_space<vmem>>) target(%dma_start3A_348 : memref<10240x64xbf16, #tpu.memory_space<vmem_shared>>) offsets(%dma_start3A_345 : memref<128xi32, #tpu.memory_space<vmem>>) semaphore(%arg12 : memref<!tpu.dma_semaphore, #tpu.memory_space<semaphore_mem>>) {add = true}
      %dma_wait3A_349 = arith.constant 7 : i32
      %dma_wait3A_350 = arith.constant 7 : i32
      %dma_wait3A_351 = arith.constant 0 : i32
      %dma_wait3A_352 = arith.constant 0 : i32
      %dma_wait3A_353 = tpu.memref_slice %arg8[%dma_wait3A_350, %dma_wait3A_351, %dma_wait3A_352] : memref<10x128x64xbf16, #tpu.memory_space<vmem>> -> memref<1x128x64xbf16, #tpu.memory_space<vmem>>
      %dma_wait3A_354 = tpu.memref_squeeze %dma_wait3A_353 : memref<1x128x64xbf16, #tpu.memory_space<vmem>> -> memref<128x64xbf16, #tpu.memory_space<vmem>>
      %dma_wait3A_355 = arith.constant 0 : i32
      %dma_wait3A_356 = tpu.memref_slice %arg6[%dma_wait3A_349, %dma_wait3A_355] : memref<10x128xi32, #tpu.memory_space<vmem>> -> memref<1x128xi32, #tpu.memory_space<vmem>>
      %dma_wait3A_357 = tpu.memref_squeeze %dma_wait3A_356 : memref<1x128xi32, #tpu.memory_space<vmem>> -> memref<128xi32, #tpu.memory_space<vmem>>
      %dma_wait3A_358 = arith.constant 0 : i32
      %dma_wait3A_359 = arith.constant 0 : i32
      %dma_wait3A_360 = tpu.memref_slice %arg9[%dma_wait3A_358, %dma_wait3A_359] : memref<10000x64xbf16, #tpu.memory_space<vmem_shared>> -> memref<10000x64xbf16, #tpu.memory_space<vmem_shared>>
      tpu.wait_indirect_dma semaphore(%arg11 : memref<!tpu.dma_semaphore, #tpu.memory_space<semaphore_mem>>) src(%dma_wait3A_360 : memref<10000x64xbf16, #tpu.memory_space<vmem_shared>>) dst(%dma_wait3A_354 : memref<128x64xbf16, #tpu.memory_space<vmem>>)
      %dma_start3A_361 = arith.constant 7 : i32
      %dma_start3A_362 = arith.constant 7 : i32
      %dma_start3A_363 = arith.constant 0 : i32
      %dma_start3A_364 = arith.constant 0 : i32
      %dma_start3A_365 = tpu.memref_slice %arg8[%dma_start3A_361, %dma_start3A_363, %dma_start3A_364] : memref<10x128x64xbf16, #tpu.memory_space<vmem>> -> memref<1x128x64xbf16, #tpu.memory_space<vmem>>
      %dma_start3A_366 = tpu.memref_squeeze %dma_start3A_365 : memref<1x128x64xbf16, #tpu.memory_space<vmem>> -> memref<128x64xbf16, #tpu.memory_space<vmem>>
      %dma_start3A_367 = arith.constant 0 : i32
      %dma_start3A_368 = tpu.memref_slice %arg7[%dma_start3A_362, %dma_start3A_367] : memref<10x128xi32, #tpu.memory_space<vmem>> -> memref<1x128xi32, #tpu.memory_space<vmem>>
      %dma_start3A_369 = tpu.memref_squeeze %dma_start3A_368 : memref<1x128xi32, #tpu.memory_space<vmem>> -> memref<128xi32, #tpu.memory_space<vmem>>
      %dma_start3A_370 = arith.constant 0 : i32
      %dma_start3A_371 = arith.constant 0 : i32
      %dma_start3A_372 = tpu.memref_slice %arg10[%dma_start3A_370, %dma_start3A_371] : memref<10240x64xbf16, #tpu.memory_space<vmem_shared>> -> memref<10240x64xbf16, #tpu.memory_space<vmem_shared>>
      tpu.enqueue_indirect_dma source(%dma_start3A_366 : memref<128x64xbf16, #tpu.memory_space<vmem>>) target(%dma_start3A_372 : memref<10240x64xbf16, #tpu.memory_space<vmem_shared>>) offsets(%dma_start3A_369 : memref<128xi32, #tpu.memory_space<vmem>>) semaphore(%arg12 : memref<!tpu.dma_semaphore, #tpu.memory_space<semaphore_mem>>) {add = true}
      %dma_wait3A_373 = arith.constant 8 : i32
      %dma_wait3A_374 = arith.constant 8 : i32
      %dma_wait3A_375 = arith.constant 0 : i32
      %dma_wait3A_376 = arith.constant 0 : i32
      %dma_wait3A_377 = tpu.memref_slice %arg8[%dma_wait3A_374, %dma_wait3A_375, %dma_wait3A_376] : memref<10x128x64xbf16, #tpu.memory_space<vmem>> -> memref<1x128x64xbf16, #tpu.memory_space<vmem>>
      %dma_wait3A_378 = tpu.memref_squeeze %dma_wait3A_377 : memref<1x128x64xbf16, #tpu.memory_space<vmem>> -> memref<128x64xbf16, #tpu.memory_space<vmem>>
      %dma_wait3A_379 = arith.constant 0 : i32
      %dma_wait3A_380 = tpu.memref_slice %arg6[%dma_wait3A_373, %dma_wait3A_379] : memref<10x128xi32, #tpu.memory_space<vmem>> -> memref<1x128xi32, #tpu.memory_space<vmem>>
      %dma_wait3A_381 = tpu.memref_squeeze %dma_wait3A_380 : memref<1x128xi32, #tpu.memory_space<vmem>> -> memref<128xi32, #tpu.memory_space<vmem>>
      %dma_wait3A_382 = arith.constant 0 : i32
      %dma_wait3A_383 = arith.constant 0 : i32
      %dma_wait3A_384 = tpu.memref_slice %arg9[%dma_wait3A_382, %dma_wait3A_383] : memref<10000x64xbf16, #tpu.memory_space<vmem_shared>> -> memref<10000x64xbf16, #tpu.memory_space<vmem_shared>>
      tpu.wait_indirect_dma semaphore(%arg11 : memref<!tpu.dma_semaphore, #tpu.memory_space<semaphore_mem>>) src(%dma_wait3A_384 : memref<10000x64xbf16, #tpu.memory_space<vmem_shared>>) dst(%dma_wait3A_378 : memref<128x64xbf16, #tpu.memory_space<vmem>>)
      %dma_start3A_385 = arith.constant 8 : i32
      %dma_start3A_386 = arith.constant 8 : i32
      %dma_start3A_387 = arith.constant 0 : i32
      %dma_start3A_388 = arith.constant 0 : i32
      %dma_start3A_389 = tpu.memref_slice %arg8[%dma_start3A_385, %dma_start3A_387, %dma_start3A_388] : memref<10x128x64xbf16, #tpu.memory_space<vmem>> -> memref<1x128x64xbf16, #tpu.memory_space<vmem>>
      %dma_start3A_390 = tpu.memref_squeeze %dma_start3A_389 : memref<1x128x64xbf16, #tpu.memory_space<vmem>> -> memref<128x64xbf16, #tpu.memory_space<vmem>>
      %dma_start3A_391 = arith.constant 0 : i32
      %dma_start3A_392 = tpu.memref_slice %arg7[%dma_start3A_386, %dma_start3A_391] : memref<10x128xi32, #tpu.memory_space<vmem>> -> memref<1x128xi32, #tpu.memory_space<vmem>>
      %dma_start3A_393 = tpu.memref_squeeze %dma_start3A_392 : memref<1x128xi32, #tpu.memory_space<vmem>> -> memref<128xi32, #tpu.memory_space<vmem>>
      %dma_start3A_394 = arith.constant 0 : i32
      %dma_start3A_395 = arith.constant 0 : i32
      %dma_start3A_396 = tpu.memref_slice %arg10[%dma_start3A_394, %dma_start3A_395] : memref<10240x64xbf16, #tpu.memory_space<vmem_shared>> -> memref<10240x64xbf16, #tpu.memory_space<vmem_shared>>
      tpu.enqueue_indirect_dma source(%dma_start3A_390 : memref<128x64xbf16, #tpu.memory_space<vmem>>) target(%dma_start3A_396 : memref<10240x64xbf16, #tpu.memory_space<vmem_shared>>) offsets(%dma_start3A_393 : memref<128xi32, #tpu.memory_space<vmem>>) semaphore(%arg12 : memref<!tpu.dma_semaphore, #tpu.memory_space<semaphore_mem>>) {add = true}
      %dma_wait3A_397 = arith.constant 9 : i32
      %dma_wait3A_398 = arith.constant 9 : i32
      %dma_wait3A_399 = arith.constant 0 : i32
      %dma_wait3A_400 = arith.constant 0 : i32
      %dma_wait3A_401 = tpu.memref_slice %arg8[%dma_wait3A_398, %dma_wait3A_399, %dma_wait3A_400] : memref<10x128x64xbf16, #tpu.memory_space<vmem>> -> memref<1x128x64xbf16, #tpu.memory_space<vmem>>
      %dma_wait3A_402 = tpu.memref_squeeze %dma_wait3A_401 : memref<1x128x64xbf16, #tpu.memory_space<vmem>> -> memref<128x64xbf16, #tpu.memory_space<vmem>>
      %dma_wait3A_403 = arith.constant 0 : i32
      %dma_wait3A_404 = tpu.memref_slice %arg6[%dma_wait3A_397, %dma_wait3A_403] : memref<10x128xi32, #tpu.memory_space<vmem>> -> memref<1x128xi32, #tpu.memory_space<vmem>>
      %dma_wait3A_405 = tpu.memref_squeeze %dma_wait3A_404 : memref<1x128xi32, #tpu.memory_space<vmem>> -> memref<128xi32, #tpu.memory_space<vmem>>
      %dma_wait3A_406 = arith.constant 0 : i32
      %dma_wait3A_407 = arith.constant 0 : i32
      %dma_wait3A_408 = tpu.memref_slice %arg9[%dma_wait3A_406, %dma_wait3A_407] : memref<10000x64xbf16, #tpu.memory_space<vmem_shared>> -> memref<10000x64xbf16, #tpu.memory_space<vmem_shared>>
      tpu.wait_indirect_dma semaphore(%arg11 : memref<!tpu.dma_semaphore, #tpu.memory_space<semaphore_mem>>) src(%dma_wait3A_408 : memref<10000x64xbf16, #tpu.memory_space<vmem_shared>>) dst(%dma_wait3A_402 : memref<128x64xbf16, #tpu.memory_space<vmem>>)
      %dma_start3A_409 = arith.constant 9 : i32
      %dma_start3A_410 = arith.constant 9 : i32
      %dma_start3A_411 = arith.constant 0 : i32
      %dma_start3A_412 = arith.constant 0 : i32
      %dma_start3A_413 = tpu.memref_slice %arg8[%dma_start3A_409, %dma_start3A_411, %dma_start3A_412] : memref<10x128x64xbf16, #tpu.memory_space<vmem>> -> memref<1x128x64xbf16, #tpu.memory_space<vmem>>
      %dma_start3A_414 = tpu.memref_squeeze %dma_start3A_413 : memref<1x128x64xbf16, #tpu.memory_space<vmem>> -> memref<128x64xbf16, #tpu.memory_space<vmem>>
      %dma_start3A_415 = arith.constant 0 : i32
      %dma_start3A_416 = tpu.memref_slice %arg7[%dma_start3A_410, %dma_start3A_415] : memref<10x128xi32, #tpu.memory_space<vmem>> -> memref<1x128xi32, #tpu.memory_space<vmem>>
      %dma_start3A_417 = tpu.memref_squeeze %dma_start3A_416 : memref<1x128xi32, #tpu.memory_space<vmem>> -> memref<128xi32, #tpu.memory_space<vmem>>
      %dma_start3A_418 = arith.constant 0 : i32
      %dma_start3A_419 = arith.constant 0 : i32
      %dma_start3A_420 = tpu.memref_slice %arg10[%dma_start3A_418, %dma_start3A_419] : memref<10240x64xbf16, #tpu.memory_space<vmem_shared>> -> memref<10240x64xbf16, #tpu.memory_space<vmem_shared>>
      tpu.enqueue_indirect_dma source(%dma_start3A_414 : memref<128x64xbf16, #tpu.memory_space<vmem>>) target(%dma_start3A_420 : memref<10240x64xbf16, #tpu.memory_space<vmem_shared>>) offsets(%dma_start3A_417 : memref<128xi32, #tpu.memory_space<vmem>>) semaphore(%arg12 : memref<!tpu.dma_semaphore, #tpu.memory_space<semaphore_mem>>) {add = true}
      %dma_wait3A_421 = arith.constant 0 : i32
      %dma_wait3A_422 = arith.constant 0 : i32
      %dma_wait3A_423 = arith.constant 0 : i32
      %dma_wait3A_424 = arith.constant 0 : i32
      %dma_wait3A_425 = tpu.memref_slice %arg8[%dma_wait3A_421, %dma_wait3A_423, %dma_wait3A_424] : memref<10x128x64xbf16, #tpu.memory_space<vmem>> -> memref<1x128x64xbf16, #tpu.memory_space<vmem>>
      %dma_wait3A_426 = tpu.memref_squeeze %dma_wait3A_425 : memref<1x128x64xbf16, #tpu.memory_space<vmem>> -> memref<128x64xbf16, #tpu.memory_space<vmem>>
      %dma_wait3A_427 = arith.constant 0 : i32
      %dma_wait3A_428 = tpu.memref_slice %arg7[%dma_wait3A_422, %dma_wait3A_427] : memref<10x128xi32, #tpu.memory_space<vmem>> -> memref<1x128xi32, #tpu.memory_space<vmem>>
      %dma_wait3A_429 = tpu.memref_squeeze %dma_wait3A_428 : memref<1x128xi32, #tpu.memory_space<vmem>> -> memref<128xi32, #tpu.memory_space<vmem>>
      %dma_wait3A_430 = arith.constant 0 : i32
      %dma_wait3A_431 = arith.constant 0 : i32
      %dma_wait3A_432 = tpu.memref_slice %arg10[%dma_wait3A_430, %dma_wait3A_431] : memref<10240x64xbf16, #tpu.memory_space<vmem_shared>> -> memref<10240x64xbf16, #tpu.memory_space<vmem_shared>>
      tpu.wait_indirect_dma semaphore(%arg12 : memref<!tpu.dma_semaphore, #tpu.memory_space<semaphore_mem>>) src(%dma_wait3A_426 : memref<128x64xbf16, #tpu.memory_space<vmem>>) dst(%dma_wait3A_432 : memref<10240x64xbf16, #tpu.memory_space<vmem_shared>>)
      %dma_wait3A_433 = arith.constant 1 : i32
      %dma_wait3A_434 = arith.constant 1 : i32
      %dma_wait3A_435 = arith.constant 0 : i32
      %dma_wait3A_436 = arith.constant 0 : i32
      %dma_wait3A_437 = tpu.memref_slice %arg8[%dma_wait3A_433, %dma_wait3A_435, %dma_wait3A_436] : memref<10x128x64xbf16, #tpu.memory_space<vmem>> -> memref<1x128x64xbf16, #tpu.memory_space<vmem>>
      %dma_wait3A_438 = tpu.memref_squeeze %dma_wait3A_437 : memref<1x128x64xbf16, #tpu.memory_space<vmem>> -> memref<128x64xbf16, #tpu.memory_space<vmem>>
      %dma_wait3A_439 = arith.constant 0 : i32
      %dma_wait3A_440 = tpu.memref_slice %arg7[%dma_wait3A_434, %dma_wait3A_439] : memref<10x128xi32, #tpu.memory_space<vmem>> -> memref<1x128xi32, #tpu.memory_space<vmem>>
      %dma_wait3A_441 = tpu.memref_squeeze %dma_wait3A_440 : memref<1x128xi32, #tpu.memory_space<vmem>> -> memref<128xi32, #tpu.memory_space<vmem>>
      %dma_wait3A_442 = arith.constant 0 : i32
      %dma_wait3A_443 = arith.constant 0 : i32
      %dma_wait3A_444 = tpu.memref_slice %arg10[%dma_wait3A_442, %dma_wait3A_443] : memref<10240x64xbf16, #tpu.memory_space<vmem_shared>> -> memref<10240x64xbf16, #tpu.memory_space<vmem_shared>>
      tpu.wait_indirect_dma semaphore(%arg12 : memref<!tpu.dma_semaphore, #tpu.memory_space<semaphore_mem>>) src(%dma_wait3A_438 : memref<128x64xbf16, #tpu.memory_space<vmem>>) dst(%dma_wait3A_444 : memref<10240x64xbf16, #tpu.memory_space<vmem_shared>>)
      %dma_wait3A_445 = arith.constant 2 : i32
      %dma_wait3A_446 = arith.constant 2 : i32
      %dma_wait3A_447 = arith.constant 0 : i32
      %dma_wait3A_448 = arith.constant 0 : i32
      %dma_wait3A_449 = tpu.memref_slice %arg8[%dma_wait3A_445, %dma_wait3A_447, %dma_wait3A_448] : memref<10x128x64xbf16, #tpu.memory_space<vmem>> -> memref<1x128x64xbf16, #tpu.memory_space<vmem>>
      %dma_wait3A_450 = tpu.memref_squeeze %dma_wait3A_449 : memref<1x128x64xbf16, #tpu.memory_space<vmem>> -> memref<128x64xbf16, #tpu.memory_space<vmem>>
      %dma_wait3A_451 = arith.constant 0 : i32
      %dma_wait3A_452 = tpu.memref_slice %arg7[%dma_wait3A_446, %dma_wait3A_451] : memref<10x128xi32, #tpu.memory_space<vmem>> -> memref<1x128xi32, #tpu.memory_space<vmem>>
      %dma_wait3A_453 = tpu.memref_squeeze %dma_wait3A_452 : memref<1x128xi32, #tpu.memory_space<vmem>> -> memref<128xi32, #tpu.memory_space<vmem>>
      %dma_wait3A_454 = arith.constant 0 : i32
      %dma_wait3A_455 = arith.constant 0 : i32
      %dma_wait3A_456 = tpu.memref_slice %arg10[%dma_wait3A_454, %dma_wait3A_455] : memref<10240x64xbf16, #tpu.memory_space<vmem_shared>> -> memref<10240x64xbf16, #tpu.memory_space<vmem_shared>>
      tpu.wait_indirect_dma semaphore(%arg12 : memref<!tpu.dma_semaphore, #tpu.memory_space<semaphore_mem>>) src(%dma_wait3A_450 : memref<128x64xbf16, #tpu.memory_space<vmem>>) dst(%dma_wait3A_456 : memref<10240x64xbf16, #tpu.memory_space<vmem_shared>>)
      %dma_wait3A_457 = arith.constant 3 : i32
      %dma_wait3A_458 = arith.constant 3 : i32
      %dma_wait3A_459 = arith.constant 0 : i32
      %dma_wait3A_460 = arith.constant 0 : i32
      %dma_wait3A_461 = tpu.memref_slice %arg8[%dma_wait3A_457, %dma_wait3A_459, %dma_wait3A_460] : memref<10x128x64xbf16, #tpu.memory_space<vmem>> -> memref<1x128x64xbf16, #tpu.memory_space<vmem>>
      %dma_wait3A_462 = tpu.memref_squeeze %dma_wait3A_461 : memref<1x128x64xbf16, #tpu.memory_space<vmem>> -> memref<128x64xbf16, #tpu.memory_space<vmem>>
      %dma_wait3A_463 = arith.constant 0 : i32
      %dma_wait3A_464 = tpu.memref_slice %arg7[%dma_wait3A_458, %dma_wait3A_463] : memref<10x128xi32, #tpu.memory_space<vmem>> -> memref<1x128xi32, #tpu.memory_space<vmem>>
      %dma_wait3A_465 = tpu.memref_squeeze %dma_wait3A_464 : memref<1x128xi32, #tpu.memory_space<vmem>> -> memref<128xi32, #tpu.memory_space<vmem>>
      %dma_wait3A_466 = arith.constant 0 : i32
      %dma_wait3A_467 = arith.constant 0 : i32
      %dma_wait3A_468 = tpu.memref_slice %arg10[%dma_wait3A_466, %dma_wait3A_467] : memref<10240x64xbf16, #tpu.memory_space<vmem_shared>> -> memref<10240x64xbf16, #tpu.memory_space<vmem_shared>>
      tpu.wait_indirect_dma semaphore(%arg12 : memref<!tpu.dma_semaphore, #tpu.memory_space<semaphore_mem>>) src(%dma_wait3A_462 : memref<128x64xbf16, #tpu.memory_space<vmem>>) dst(%dma_wait3A_468 : memref<10240x64xbf16, #tpu.memory_space<vmem_shared>>)
      %dma_wait3A_469 = arith.constant 4 : i32
      %dma_wait3A_470 = arith.constant 4 : i32
      %dma_wait3A_471 = arith.constant 0 : i32
      %dma_wait3A_472 = arith.constant 0 : i32
      %dma_wait3A_473 = tpu.memref_slice %arg8[%dma_wait3A_469, %dma_wait3A_471, %dma_wait3A_472] : memref<10x128x64xbf16, #tpu.memory_space<vmem>> -> memref<1x128x64xbf16, #tpu.memory_space<vmem>>
      %dma_wait3A_474 = tpu.memref_squeeze %dma_wait3A_473 : memref<1x128x64xbf16, #tpu.memory_space<vmem>> -> memref<128x64xbf16, #tpu.memory_space<vmem>>
      %dma_wait3A_475 = arith.constant 0 : i32
      %dma_wait3A_476 = tpu.memref_slice %arg7[%dma_wait3A_470, %dma_wait3A_475] : memref<10x128xi32, #tpu.memory_space<vmem>> -> memref<1x128xi32, #tpu.memory_space<vmem>>
      %dma_wait3A_477 = tpu.memref_squeeze %dma_wait3A_476 : memref<1x128xi32, #tpu.memory_space<vmem>> -> memref<128xi32, #tpu.memory_space<vmem>>
      %dma_wait3A_478 = arith.constant 0 : i32
      %dma_wait3A_479 = arith.constant 0 : i32
      %dma_wait3A_480 = tpu.memref_slice %arg10[%dma_wait3A_478, %dma_wait3A_479] : memref<10240x64xbf16, #tpu.memory_space<vmem_shared>> -> memref<10240x64xbf16, #tpu.memory_space<vmem_shared>>
      tpu.wait_indirect_dma semaphore(%arg12 : memref<!tpu.dma_semaphore, #tpu.memory_space<semaphore_mem>>) src(%dma_wait3A_474 : memref<128x64xbf16, #tpu.memory_space<vmem>>) dst(%dma_wait3A_480 : memref<10240x64xbf16, #tpu.memory_space<vmem_shared>>)
      %dma_wait3A_481 = arith.constant 5 : i32
      %dma_wait3A_482 = arith.constant 5 : i32
      %dma_wait3A_483 = arith.constant 0 : i32
      %dma_wait3A_484 = arith.constant 0 : i32
      %dma_wait3A_485 = tpu.memref_slice %arg8[%dma_wait3A_481, %dma_wait3A_483, %dma_wait3A_484] : memref<10x128x64xbf16, #tpu.memory_space<vmem>> -> memref<1x128x64xbf16, #tpu.memory_space<vmem>>
      %dma_wait3A_486 = tpu.memref_squeeze %dma_wait3A_485 : memref<1x128x64xbf16, #tpu.memory_space<vmem>> -> memref<128x64xbf16, #tpu.memory_space<vmem>>
      %dma_wait3A_487 = arith.constant 0 : i32
      %dma_wait3A_488 = tpu.memref_slice %arg7[%dma_wait3A_482, %dma_wait3A_487] : memref<10x128xi32, #tpu.memory_space<vmem>> -> memref<1x128xi32, #tpu.memory_space<vmem>>
      %dma_wait3A_489 = tpu.memref_squeeze %dma_wait3A_488 : memref<1x128xi32, #tpu.memory_space<vmem>> -> memref<128xi32, #tpu.memory_space<vmem>>
      %dma_wait3A_490 = arith.constant 0 : i32
      %dma_wait3A_491 = arith.constant 0 : i32
      %dma_wait3A_492 = tpu.memref_slice %arg10[%dma_wait3A_490, %dma_wait3A_491] : memref<10240x64xbf16, #tpu.memory_space<vmem_shared>> -> memref<10240x64xbf16, #tpu.memory_space<vmem_shared>>
      tpu.wait_indirect_dma semaphore(%arg12 : memref<!tpu.dma_semaphore, #tpu.memory_space<semaphore_mem>>) src(%dma_wait3A_486 : memref<128x64xbf16, #tpu.memory_space<vmem>>) dst(%dma_wait3A_492 : memref<10240x64xbf16, #tpu.memory_space<vmem_shared>>)
      %dma_wait3A_493 = arith.constant 6 : i32
      %dma_wait3A_494 = arith.constant 6 : i32
      %dma_wait3A_495 = arith.constant 0 : i32
      %dma_wait3A_496 = arith.constant 0 : i32
      %dma_wait3A_497 = tpu.memref_slice %arg8[%dma_wait3A_493, %dma_wait3A_495, %dma_wait3A_496] : memref<10x128x64xbf16, #tpu.memory_space<vmem>> -> memref<1x128x64xbf16, #tpu.memory_space<vmem>>
      %dma_wait3A_498 = tpu.memref_squeeze %dma_wait3A_497 : memref<1x128x64xbf16, #tpu.memory_space<vmem>> -> memref<128x64xbf16, #tpu.memory_space<vmem>>
      %dma_wait3A_499 = arith.constant 0 : i32
      %dma_wait3A_500 = tpu.memref_slice %arg7[%dma_wait3A_494, %dma_wait3A_499] : memref<10x128xi32, #tpu.memory_space<vmem>> -> memref<1x128xi32, #tpu.memory_space<vmem>>
      %dma_wait3A_501 = tpu.memref_squeeze %dma_wait3A_500 : memref<1x128xi32, #tpu.memory_space<vmem>> -> memref<128xi32, #tpu.memory_space<vmem>>
      %dma_wait3A_502 = arith.constant 0 : i32
      %dma_wait3A_503 = arith.constant 0 : i32
      %dma_wait3A_504 = tpu.memref_slice %arg10[%dma_wait3A_502, %dma_wait3A_503] : memref<10240x64xbf16, #tpu.memory_space<vmem_shared>> -> memref<10240x64xbf16, #tpu.memory_space<vmem_shared>>
      tpu.wait_indirect_dma semaphore(%arg12 : memref<!tpu.dma_semaphore, #tpu.memory_space<semaphore_mem>>) src(%dma_wait3A_498 : memref<128x64xbf16, #tpu.memory_space<vmem>>) dst(%dma_wait3A_504 : memref<10240x64xbf16, #tpu.memory_space<vmem_shared>>)
      %dma_wait3A_505 = arith.constant 7 : i32
      %dma_wait3A_506 = arith.constant 7 : i32
      %dma_wait3A_507 = arith.constant 0 : i32
      %dma_wait3A_508 = arith.constant 0 : i32
      %dma_wait3A_509 = tpu.memref_slice %arg8[%dma_wait3A_505, %dma_wait3A_507, %dma_wait3A_508] : memref<10x128x64xbf16, #tpu.memory_space<vmem>> -> memref<1x128x64xbf16, #tpu.memory_space<vmem>>
      %dma_wait3A_510 = tpu.memref_squeeze %dma_wait3A_509 : memref<1x128x64xbf16, #tpu.memory_space<vmem>> -> memref<128x64xbf16, #tpu.memory_space<vmem>>
      %dma_wait3A_511 = arith.constant 0 : i32
      %dma_wait3A_512 = tpu.memref_slice %arg7[%dma_wait3A_506, %dma_wait3A_511] : memref<10x128xi32, #tpu.memory_space<vmem>> -> memref<1x128xi32, #tpu.memory_space<vmem>>
      %dma_wait3A_513 = tpu.memref_squeeze %dma_wait3A_512 : memref<1x128xi32, #tpu.memory_space<vmem>> -> memref<128xi32, #tpu.memory_space<vmem>>
      %dma_wait3A_514 = arith.constant 0 : i32
      %dma_wait3A_515 = arith.constant 0 : i32
      %dma_wait3A_516 = tpu.memref_slice %arg10[%dma_wait3A_514, %dma_wait3A_515] : memref<10240x64xbf16, #tpu.memory_space<vmem_shared>> -> memref<10240x64xbf16, #tpu.memory_space<vmem_shared>>
      tpu.wait_indirect_dma semaphore(%arg12 : memref<!tpu.dma_semaphore, #tpu.memory_space<semaphore_mem>>) src(%dma_wait3A_510 : memref<128x64xbf16, #tpu.memory_space<vmem>>) dst(%dma_wait3A_516 : memref<10240x64xbf16, #tpu.memory_space<vmem_shared>>)
      %dma_wait3A_517 = arith.constant 8 : i32
      %dma_wait3A_518 = arith.constant 8 : i32
      %dma_wait3A_519 = arith.constant 0 : i32
      %dma_wait3A_520 = arith.constant 0 : i32
      %dma_wait3A_521 = tpu.memref_slice %arg8[%dma_wait3A_517, %dma_wait3A_519, %dma_wait3A_520] : memref<10x128x64xbf16, #tpu.memory_space<vmem>> -> memref<1x128x64xbf16, #tpu.memory_space<vmem>>
      %dma_wait3A_522 = tpu.memref_squeeze %dma_wait3A_521 : memref<1x128x64xbf16, #tpu.memory_space<vmem>> -> memref<128x64xbf16, #tpu.memory_space<vmem>>
      %dma_wait3A_523 = arith.constant 0 : i32
      %dma_wait3A_524 = tpu.memref_slice %arg7[%dma_wait3A_518, %dma_wait3A_523] : memref<10x128xi32, #tpu.memory_space<vmem>> -> memref<1x128xi32, #tpu.memory_space<vmem>>
      %dma_wait3A_525 = tpu.memref_squeeze %dma_wait3A_524 : memref<1x128xi32, #tpu.memory_space<vmem>> -> memref<128xi32, #tpu.memory_space<vmem>>
      %dma_wait3A_526 = arith.constant 0 : i32
      %dma_wait3A_527 = arith.constant 0 : i32
      %dma_wait3A_528 = tpu.memref_slice %arg10[%dma_wait3A_526, %dma_wait3A_527] : memref<10240x64xbf16, #tpu.memory_space<vmem_shared>> -> memref<10240x64xbf16, #tpu.memory_space<vmem_shared>>
      tpu.wait_indirect_dma semaphore(%arg12 : memref<!tpu.dma_semaphore, #tpu.memory_space<semaphore_mem>>) src(%dma_wait3A_522 : memref<128x64xbf16, #tpu.memory_space<vmem>>) dst(%dma_wait3A_528 : memref<10240x64xbf16, #tpu.memory_space<vmem_shared>>)
      %dma_wait3A_529 = arith.constant 9 : i32
      %dma_wait3A_530 = arith.constant 9 : i32
      %dma_wait3A_531 = arith.constant 0 : i32
      %dma_wait3A_532 = arith.constant 0 : i32
      %dma_wait3A_533 = tpu.memref_slice %arg8[%dma_wait3A_529, %dma_wait3A_531, %dma_wait3A_532] : memref<10x128x64xbf16, #tpu.memory_space<vmem>> -> memref<1x128x64xbf16, #tpu.memory_space<vmem>>
      %dma_wait3A_534 = tpu.memref_squeeze %dma_wait3A_533 : memref<1x128x64xbf16, #tpu.memory_space<vmem>> -> memref<128x64xbf16, #tpu.memory_space<vmem>>
      %dma_wait3A_535 = arith.constant 0 : i32
      %dma_wait3A_536 = tpu.memref_slice %arg7[%dma_wait3A_530, %dma_wait3A_535] : memref<10x128xi32, #tpu.memory_space<vmem>> -> memref<1x128xi32, #tpu.memory_space<vmem>>
      %dma_wait3A_537 = tpu.memref_squeeze %dma_wait3A_536 : memref<1x128xi32, #tpu.memory_space<vmem>> -> memref<128xi32, #tpu.memory_space<vmem>>
      %dma_wait3A_538 = arith.constant 0 : i32
      %dma_wait3A_539 = arith.constant 0 : i32
      %dma_wait3A_540 = tpu.memref_slice %arg10[%dma_wait3A_538, %dma_wait3A_539] : memref<10240x64xbf16, #tpu.memory_space<vmem_shared>> -> memref<10240x64xbf16, #tpu.memory_space<vmem_shared>>
      tpu.wait_indirect_dma semaphore(%arg12 : memref<!tpu.dma_semaphore, #tpu.memory_space<semaphore_mem>>) src(%dma_wait3A_534 : memref<128x64xbf16, #tpu.memory_space<vmem>>) dst(%dma_wait3A_540 : memref<10240x64xbf16, #tpu.memory_space<vmem_shared>>)
    }
    %scan3A_39 = arith.constant 8 : i32
    %barrier3A_40 = arith.constant 0 : index
    tpu.barrier barrier_id(%barrier3A_40)
    "tpu.region"() ({
      %run_scoped3A_41 = tpu.sem_alloc : memref<!tpu.dma_semaphore, #tpu.memory_space<semaphore_mem>>
      %dma_start3A_42 = arith.constant 0 : i32
      %dma_start3A_43 = tpu.memref_slice %arg5[%arg0, %mul3A_2, %dma_start3A_42] : memref<2x10240x64xbf16, #tpu.memory_space<hbm>> -> memref<1x640x64xbf16, #tpu.memory_space<hbm>>
      %dma_start3A_44 = tpu.memref_squeeze %dma_start3A_43 : memref<1x640x64xbf16, #tpu.memory_space<hbm>> -> memref<640x64xbf16, #tpu.memory_space<hbm>>
      %dma_start3A_45 = arith.constant 0 : i32
      %dma_start3A_46 = tpu.memref_slice %arg10[%mul3A_2, %dma_start3A_45] : memref<10240x64xbf16, #tpu.memory_space<vmem_shared>> -> memref<640x64xbf16, #tpu.memory_space<vmem_shared>>
      tpu.enqueue_dma source(%dma_start3A_46 : memref<640x64xbf16, #tpu.memory_space<vmem_shared>>) target(%dma_start3A_44 : memref<640x64xbf16, #tpu.memory_space<hbm>>) target_semaphore(%run_scoped3A_41 : memref<!tpu.dma_semaphore, #tpu.memory_space<semaphore_mem>>)
      %dma_wait3A_47 = arith.constant 0 : i32
      %dma_wait3A_48 = tpu.memref_slice %arg5[%arg0, %mul3A_2, %dma_wait3A_47] : memref<2x10240x64xbf16, #tpu.memory_space<hbm>> -> memref<1x640x64xbf16, #tpu.memory_space<hbm>>
      %dma_wait3A_49 = tpu.memref_squeeze %dma_wait3A_48 : memref<1x640x64xbf16, #tpu.memory_space<hbm>> -> memref<640x64xbf16, #tpu.memory_space<hbm>>
      %dma_wait3A_50 = arith.constant 0 : i32
      %dma_wait3A_51 = tpu.memref_slice %arg10[%mul3A_2, %dma_wait3A_50] : memref<10240x64xbf16, #tpu.memory_space<vmem_shared>> -> memref<640x64xbf16, #tpu.memory_space<vmem_shared>>
      tpu.wait_dma2 semaphore(%run_scoped3A_41 : memref<!tpu.dma_semaphore, #tpu.memory_space<semaphore_mem>>) src(%dma_wait3A_51 : memref<640x64xbf16, #tpu.memory_space<vmem_shared>>) dst(%dma_wait3A_49 : memref<640x64xbf16, #tpu.memory_space<hbm>>)
      tpu.yield
    }) : () -> ()
    return
  }
}

module attributes {stable_mosaic.version = 14 : i64} {
  func.func @_proj1_body(%arg0: i32, %arg1: memref<1000x128xf32, #tpu.memory_space<vmem>>, %arg2: memref<128x64xf32, #tpu.memory_space<vmem>>, %arg3: memref<128x64xf32, #tpu.memory_space<vmem>>, %arg4: memref<1000x64xf32, #tpu.memory_space<vmem>>, %arg5: memref<1000x80xbf16, #tpu.memory_space<vmem>>) attributes {dimension_semantics = [#tpu.dimension_semantics<arbitrary>], iteration_bounds = array<i64: 10>, scalar_prefetch = 0 : i64, scratch_operands = 0 : i64, tpu.core_type = #tpu.core_type<tc>, window_params = [{transform_indices = @transform_0, window_bounds = array<i64: 1000, 128>}, {pipeline_mode = #tpu.pipeline_mode<synchronous>, transform_indices = @transform_1, window_bounds = array<i64: 128, 64>}, {pipeline_mode = #tpu.pipeline_mode<synchronous>, transform_indices = @transform_2, window_bounds = array<i64: 128, 64>}, {transform_indices = @transform_3, window_bounds = array<i64: 1000, 64>}, {transform_indices = @transform_4, window_bounds = array<i64: 1000, 80>}]} {
    %get3A = arith.constant 0 : index
    %get3A_0 = arith.constant 0 : index
    %get3A_1 = vector.load %arg1[%get3A, %get3A_0] : memref<1000x128xf32, #tpu.memory_space<vmem>>, vector<1000x128xf32>
    %get3A_2 = arith.constant 0 : index
    %get3A_3 = arith.constant 0 : index
    %get3A_4 = vector.load %arg2[%get3A_2, %get3A_3] : memref<128x64xf32, #tpu.memory_space<vmem>>, vector<128x64xf32>
    %dot_general3A = arith.constant dense<0.000000e+00> : vector<1000x64xf32>
    %dot_general3A_5 = tpu.matmul %get3A_1, %get3A_4, %dot_general3A {dimension_numbers = #tpu.dot_dimension_numbers<[1], [0], [0], [1], [0, 0, 1, 1], [], []>, transpose_lhs_hint = false} : vector<1000x128xf32>, vector<128x64xf32>, vector<1000x64xf32> -> vector<1000x64xf32>
    %swap3A = arith.constant 0 : index
    %swap3A_6 = arith.constant 0 : index
    %swap3A_7 = vector.load %arg4[%swap3A, %swap3A_6] : memref<1000x64xf32, #tpu.memory_space<vmem>>, vector<1000x64xf32>
    tpu.vector_store %arg4[%swap3A, %swap3A_6], %dot_general3A_5 {strides = array<i32>} : memref<1000x64xf32, #tpu.memory_space<vmem>>, vector<1000x64xf32>,
    %get3A_8 = arith.constant 0 : index
    %get3A_9 = arith.constant 0 : index
    %get3A_10 = vector.load %arg3[%get3A_8, %get3A_9] : memref<128x64xf32, #tpu.memory_space<vmem>>, vector<128x64xf32>
    %dot_general3A_11 = arith.constant dense<0.000000e+00> : vector<1000x64xf32>
    %dot_general3A_12 = tpu.matmul %get3A_1, %get3A_10, %dot_general3A_11 {dimension_numbers = #tpu.dot_dimension_numbers<[1], [0], [0], [1], [0, 0, 1, 1], [], []>, transpose_lhs_hint = false} : vector<1000x128xf32>, vector<128x64xf32>, vector<1000x64xf32> -> vector<1000x64xf32>
    %broadcast_in_dim3A = arith.constant 1.000000e+00 : f32
    %broadcast_in_dim3A_13 = vector.broadcast %broadcast_in_dim3A : f32 to vector<1000x16xf32>
    %concatenate3A = tpu.concatenate %dot_general3A_12, %broadcast_in_dim3A_13 in 1 : vector<1000x64xf32>, vector<1000x16xf32> -> vector<1000x80xf32>
    %convert_element_type3A = arith.truncf %concatenate3A : vector<1000x80xf32> to vector<1000x80xbf16>
    %swap3A_14 = arith.constant 0 : index
    %swap3A_15 = arith.constant 0 : index
    %swap3A_16 = vector.load %arg5[%swap3A_14, %swap3A_15] : memref<1000x80xbf16, #tpu.memory_space<vmem>>, vector<1000x80xbf16>
    tpu.vector_store %arg5[%swap3A_14, %swap3A_15], %convert_element_type3A {strides = array<i32>} : memref<1000x80xbf16, #tpu.memory_space<vmem>>, vector<1000x80xbf16>,
    return
  }
  func.func @transform_0(%arg0: i32) -> (i32, i32) {
    %c0_i32 = arith.constant 0 : i32
    %c0_i32_0 = arith.constant 0 : i32
    return %arg0, %c0_i32 : i32, i32
  }
  func.func @transform_1(%arg0: i32) -> (i32, i32) {
    %c0_i32 = arith.constant 0 : i32
    %c0_i32_0 = arith.constant 0 : i32
    %c0_i32_1 = arith.constant 0 : i32
    return %c0_i32, %c0_i32_0 : i32, i32
  }
  func.func @transform_2(%arg0: i32) -> (i32, i32) {
    %c0_i32 = arith.constant 0 : i32
    %c0_i32_0 = arith.constant 0 : i32
    %c0_i32_1 = arith.constant 0 : i32
    return %c0_i32, %c0_i32_0 : i32, i32
  }
  func.func @transform_3(%arg0: i32) -> (i32, i32) {
    %c0_i32 = arith.constant 0 : i32
    %c0_i32_0 = arith.constant 0 : i32
    return %arg0, %c0_i32 : i32, i32
  }
  func.func @transform_4(%arg0: i32) -> (i32, i32) {
    %c0_i32 = arith.constant 0 : i32
    %c0_i32_0 = arith.constant 0 : i32
    return %arg0, %c0_i32 : i32, i32
  }
}

module attributes {stable_mosaic.version = 14 : i64} {
  func.func @_layer2_body(%arg0: i32, %arg1: memref<1000x64xf32, #tpu.memory_space<vmem>>, %arg2: memref<2x1000x80xbf16, #tpu.memory_space<vmem>>, %arg3: memref<1x64xf32, #tpu.memory_space<vmem>>, %arg4: memref<64x64xf32, #tpu.memory_space<vmem>>, %arg5: memref<64x64xf32, #tpu.memory_space<vmem>>, %arg6: memref<1000x64xf32, #tpu.memory_space<vmem>>, %arg7: memref<1000x64xbf16, #tpu.memory_space<vmem>>, %arg8: memref<1000x16xf32, #tpu.memory_space<vmem>>) attributes {dimension_semantics = [#tpu.dimension_semantics<arbitrary>], iteration_bounds = array<i64: 10>, scalar_prefetch = 0 : i64, scratch_operands = 0 : i64, tpu.core_type = #tpu.core_type<tc>, window_params = [{transform_indices = @transform_0, window_bounds = array<i64: 1000, 64>}, {transform_indices = @transform_1, window_bounds = array<i64: 2, 1000, 80>}, {pipeline_mode = #tpu.pipeline_mode<synchronous>, transform_indices = @transform_2, window_bounds = array<i64: 1, 64>}, {pipeline_mode = #tpu.pipeline_mode<synchronous>, transform_indices = @transform_3, window_bounds = array<i64: 64, 64>}, {pipeline_mode = #tpu.pipeline_mode<synchronous>, transform_indices = @transform_4, window_bounds = array<i64: 64, 64>}, {transform_indices = @transform_5, window_bounds = array<i64: 1000, 64>}, {transform_indices = @transform_6, window_bounds = array<i64: 1000, 64>}, {transform_indices = @transform_7, window_bounds = array<i64: 1000, 16>}]} {
    %get3A = arith.constant 0 : index
    %get3A_0 = arith.constant 0 : index
    %get3A_1 = arith.constant 0 : index
    %get3A_2 = vector.load %arg2[%get3A, %get3A_0, %get3A_1] : memref<2x1000x80xbf16, #tpu.memory_space<vmem>>, vector<1x1000x80xbf16>
    %get3A_3 = vector.shape_cast %get3A_2 : vector<1x1000x80xbf16> to vector<1000x80xbf16>
    %convert_element_type3A = arith.extf %get3A_3 : vector<1000x80xbf16> to vector<1000x80xf32>
    %get3A_4 = arith.constant 1 : index
    %get3A_5 = arith.constant 0 : index
    %get3A_6 = arith.constant 0 : index
    %get3A_7 = vector.load %arg2[%get3A_4, %get3A_5, %get3A_6] : memref<2x1000x80xbf16, #tpu.memory_space<vmem>>, vector<1x1000x80xbf16>
    %get3A_8 = vector.shape_cast %get3A_7 : vector<1x1000x80xbf16> to vector<1000x80xbf16>
    %convert_element_type3A_9 = arith.extf %get3A_8 : vector<1000x80xbf16> to vector<1000x80xf32>
    %add3A = arith.addf %convert_element_type3A, %convert_element_type3A_9 : vector<1000x80xf32>
    %slice3A = vector.extract_strided_slice %add3A {offsets = [0, 64], sizes = [1000, 1], strides = [1, 1]} : vector<1000x80xf32> to vector<1000x1xf32>
    %get3A_10 = arith.constant 0 : index
    %get3A_11 = arith.constant 0 : index
    %get3A_12 = vector.load %arg1[%get3A_10, %get3A_11] : memref<1000x64xf32, #tpu.memory_space<vmem>>, vector<1000x64xf32>
    %slice3A_13 = vector.extract_strided_slice %add3A {offsets = [0, 0], sizes = [1000, 64], strides = [1, 1]} : vector<1000x80xf32> to vector<1000x64xf32>
    %max3A = arith.constant 1.000000e+00 : f32
    %max3A_14 = vector.broadcast %max3A : f32 to vector<1000x1xf32>
    %max3A_15 = arith.maximumf %slice3A, %max3A_14 : vector<1000x1xf32>
    %div3A = vector.broadcast %max3A_15 : vector<1000x1xf32> to vector<1000x64xf32>
    %div3A_16 = arith.divf %slice3A_13, %div3A : vector<1000x64xf32>
    %add3A_17 = arith.addf %get3A_12, %div3A_16 : vector<1000x64xf32>
    %get3A_18 = arith.constant 0 : index
    %get3A_19 = arith.constant 0 : index
    %get3A_20 = vector.load %arg3[%get3A_18, %get3A_19] : memref<1x64xf32, #tpu.memory_space<vmem>>, vector<1x64xf32>
    %add3A_21 = vector.broadcast %get3A_20 : vector<1x64xf32> to vector<1000x64xf32>
    %add3A_22 = arith.addf %add3A_17, %add3A_21 : vector<1000x64xf32>
    %max3A_23 = arith.constant 0.000000e+00 : f32
    %max3A_24 = vector.broadcast %max3A_23 : f32 to vector<1000x64xf32>
    %max3A_25 = arith.maximumf %add3A_22, %max3A_24 : vector<1000x64xf32>
    %get3A_26 = arith.constant 0 : index
    %get3A_27 = arith.constant 0 : index
    %get3A_28 = vector.load %arg4[%get3A_26, %get3A_27] : memref<64x64xf32, #tpu.memory_space<vmem>>, vector<64x64xf32>
    %dot_general3A = arith.constant dense<0.000000e+00> : vector<1000x64xf32>
    %dot_general3A_29 = tpu.matmul %max3A_25, %get3A_28, %dot_general3A {dimension_numbers = #tpu.dot_dimension_numbers<[1], [0], [0], [1], [0, 0, 1, 1], [], []>, transpose_lhs_hint = false} : vector<1000x64xf32>, vector<64x64xf32>, vector<1000x64xf32> -> vector<1000x64xf32>
    %swap3A = arith.constant 0 : index
    %swap3A_30 = arith.constant 0 : index
    %swap3A_31 = vector.load %arg6[%swap3A, %swap3A_30] : memref<1000x64xf32, #tpu.memory_space<vmem>>, vector<1000x64xf32>
    tpu.vector_store %arg6[%swap3A, %swap3A_30], %dot_general3A_29 {strides = array<i32>} : memref<1000x64xf32, #tpu.memory_space<vmem>>, vector<1000x64xf32>,
    %get3A_32 = arith.constant 0 : index
    %get3A_33 = arith.constant 0 : index
    %get3A_34 = vector.load %arg5[%get3A_32, %get3A_33] : memref<64x64xf32, #tpu.memory_space<vmem>>, vector<64x64xf32>
    %dot_general3A_35 = arith.constant dense<0.000000e+00> : vector<1000x64xf32>
    %dot_general3A_36 = tpu.matmul %max3A_25, %get3A_34, %dot_general3A_35 {dimension_numbers = #tpu.dot_dimension_numbers<[1], [0], [0], [1], [0, 0, 1, 1], [], []>, transpose_lhs_hint = false} : vector<1000x64xf32>, vector<64x64xf32>, vector<1000x64xf32> -> vector<1000x64xf32>
    %convert_element_type3A_37 = arith.truncf %dot_general3A_36 : vector<1000x64xf32> to vector<1000x64xbf16>
    %swap3A_38 = arith.constant 0 : index
    %swap3A_39 = arith.constant 0 : index
    %swap3A_40 = vector.load %arg7[%swap3A_38, %swap3A_39] : memref<1000x64xbf16, #tpu.memory_space<vmem>>, vector<1000x64xbf16>
    tpu.vector_store %arg7[%swap3A_38, %swap3A_39], %convert_element_type3A_37 {strides = array<i32>} : memref<1000x64xbf16, #tpu.memory_space<vmem>>, vector<1000x64xbf16>,
    %slice3A_41 = vector.extract_strided_slice %add3A {offsets = [0, 64], sizes = [1000, 16], strides = [1, 1]} : vector<1000x80xf32> to vector<1000x16xf32>
    %swap3A_42 = arith.constant 0 : index
    %swap3A_43 = arith.constant 0 : index
    %swap3A_44 = vector.load %arg8[%swap3A_42, %swap3A_43] : memref<1000x16xf32, #tpu.memory_space<vmem>>, vector<1000x16xf32>
    tpu.vector_store %arg8[%swap3A_42, %swap3A_43], %slice3A_41 {strides = array<i32>} : memref<1000x16xf32, #tpu.memory_space<vmem>>, vector<1000x16xf32>,
    return
  }
  func.func @transform_0(%arg0: i32) -> (i32, i32) {
    %c0_i32 = arith.constant 0 : i32
    %c0_i32_0 = arith.constant 0 : i32
    return %arg0, %c0_i32 : i32, i32
  }
  func.func @transform_1(%arg0: i32) -> (i32, i32, i32) {
    %c0_i32 = arith.constant 0 : i32
    %c0_i32_0 = arith.constant 0 : i32
    %c0_i32_1 = arith.constant 0 : i32
    return %c0_i32, %arg0, %c0_i32_0 : i32, i32, i32
  }
  func.func @transform_2(%arg0: i32) -> (i32, i32) {
    %c0_i32 = arith.constant 0 : i32
    %c0_i32_0 = arith.constant 0 : i32
    %c0_i32_1 = arith.constant 0 : i32
    return %c0_i32, %c0_i32_0 : i32, i32
  }
  func.func @transform_3(%arg0: i32) -> (i32, i32) {
    %c0_i32 = arith.constant 0 : i32
    %c0_i32_0 = arith.constant 0 : i32
    %c0_i32_1 = arith.constant 0 : i32
    return %c0_i32, %c0_i32_0 : i32, i32
  }
  func.func @transform_4(%arg0: i32) -> (i32, i32) {
    %c0_i32 = arith.constant 0 : i32
    %c0_i32_0 = arith.constant 0 : i32
    %c0_i32_1 = arith.constant 0 : i32
    return %c0_i32, %c0_i32_0 : i32, i32
  }
  func.func @transform_5(%arg0: i32) -> (i32, i32) {
    %c0_i32 = arith.constant 0 : i32
    %c0_i32_0 = arith.constant 0 : i32
    return %arg0, %c0_i32 : i32, i32
  }
  func.func @transform_6(%arg0: i32) -> (i32, i32) {
    %c0_i32 = arith.constant 0 : i32
    %c0_i32_0 = arith.constant 0 : i32
    return %arg0, %c0_i32 : i32, i32
  }
  func.func @transform_7(%arg0: i32) -> (i32, i32) {
    %c0_i32 = arith.constant 0 : i32
    %c0_i32_0 = arith.constant 0 : i32
    return %arg0, %c0_i32 : i32, i32
  }
}

module attributes {stable_mosaic.version = 14 : i64} {
  func.func @_head_body(%arg0: i32, %arg1: memref<1000x64xf32, #tpu.memory_space<vmem>>, %arg2: memref<2x1000x64xbf16, #tpu.memory_space<vmem>>, %arg3: memref<1000x16xf32, #tpu.memory_space<vmem>>, %arg4: memref<1x64xf32, #tpu.memory_space<vmem>>, %arg5: memref<64x2xf32, #tpu.memory_space<vmem>>, %arg6: memref<1x2xf32, #tpu.memory_space<vmem>>, %arg7: memref<1000x2xf32, #tpu.memory_space<vmem>>) attributes {dimension_semantics = [#tpu.dimension_semantics<arbitrary>], iteration_bounds = array<i64: 10>, scalar_prefetch = 0 : i64, scratch_operands = 0 : i64, tpu.core_type = #tpu.core_type<tc>, window_params = [{transform_indices = @transform_0, window_bounds = array<i64: 1000, 64>}, {transform_indices = @transform_1, window_bounds = array<i64: 2, 1000, 64>}, {transform_indices = @transform_2, window_bounds = array<i64: 1000, 16>}, {pipeline_mode = #tpu.pipeline_mode<synchronous>, transform_indices = @transform_3, window_bounds = array<i64: 1, 64>}, {pipeline_mode = #tpu.pipeline_mode<synchronous>, transform_indices = @transform_4, window_bounds = array<i64: 64, 2>}, {pipeline_mode = #tpu.pipeline_mode<synchronous>, transform_indices = @transform_5, window_bounds = array<i64: 1, 2>}, {transform_indices = @transform_6, window_bounds = array<i64: 1000, 2>}]} {
    %get3A = arith.constant 0 : index
    %get3A_0 = arith.constant 0 : index
    %get3A_1 = arith.constant 0 : index
    %get3A_2 = vector.load %arg2[%get3A, %get3A_0, %get3A_1] : memref<2x1000x64xbf16, #tpu.memory_space<vmem>>, vector<1x1000x64xbf16>
    %get3A_3 = vector.shape_cast %get3A_2 : vector<1x1000x64xbf16> to vector<1000x64xbf16>
    %convert_element_type3A = arith.extf %get3A_3 : vector<1000x64xbf16> to vector<1000x64xf32>
    %get3A_4 = arith.constant 1 : index
    %get3A_5 = arith.constant 0 : index
    %get3A_6 = arith.constant 0 : index
    %get3A_7 = vector.load %arg2[%get3A_4, %get3A_5, %get3A_6] : memref<2x1000x64xbf16, #tpu.memory_space<vmem>>, vector<1x1000x64xbf16>
    %get3A_8 = vector.shape_cast %get3A_7 : vector<1x1000x64xbf16> to vector<1000x64xbf16>
    %convert_element_type3A_9 = arith.extf %get3A_8 : vector<1000x64xbf16> to vector<1000x64xf32>
    %add3A = arith.addf %convert_element_type3A, %convert_element_type3A_9 : vector<1000x64xf32>
    %get3A_10 = arith.constant 0 : index
    %get3A_11 = arith.constant 0 : index
    %get3A_12 = vector.load %arg3[%get3A_10, %get3A_11] : memref<1000x16xf32, #tpu.memory_space<vmem>>, vector<1000x1xf32>
    %get3A_13 = arith.constant 0 : index
    %get3A_14 = arith.constant 0 : index
    %get3A_15 = vector.load %arg1[%get3A_13, %get3A_14] : memref<1000x64xf32, #tpu.memory_space<vmem>>, vector<1000x64xf32>
    %max3A = arith.constant 1.000000e+00 : f32
    %max3A_16 = vector.broadcast %max3A : f32 to vector<1000x1xf32>
    %max3A_17 = arith.maximumf %get3A_12, %max3A_16 : vector<1000x1xf32>
    %div3A = vector.broadcast %max3A_17 : vector<1000x1xf32> to vector<1000x64xf32>
    %div3A_18 = arith.divf %add3A, %div3A : vector<1000x64xf32>
    %add3A_19 = arith.addf %get3A_15, %div3A_18 : vector<1000x64xf32>
    %get3A_20 = arith.constant 0 : index
    %get3A_21 = arith.constant 0 : index
    %get3A_22 = vector.load %arg4[%get3A_20, %get3A_21] : memref<1x64xf32, #tpu.memory_space<vmem>>, vector<1x64xf32>
    %add3A_23 = vector.broadcast %get3A_22 : vector<1x64xf32> to vector<1000x64xf32>
    %add3A_24 = arith.addf %add3A_19, %add3A_23 : vector<1000x64xf32>
    %max3A_25 = arith.constant 0.000000e+00 : f32
    %max3A_26 = vector.broadcast %max3A_25 : f32 to vector<1000x64xf32>
    %max3A_27 = arith.maximumf %add3A_24, %max3A_26 : vector<1000x64xf32>
    %get3A_28 = arith.constant 0 : index
    %get3A_29 = arith.constant 0 : index
    %get3A_30 = vector.load %arg5[%get3A_28, %get3A_29] : memref<64x2xf32, #tpu.memory_space<vmem>>, vector<64x2xf32>
    %dot_general3A = arith.constant dense<0.000000e+00> : vector<1000x2xf32>
    %dot_general3A_31 = tpu.matmul %max3A_27, %get3A_30, %dot_general3A {dimension_numbers = #tpu.dot_dimension_numbers<[1], [0], [0], [1], [0, 0, 1, 1], [], []>, transpose_lhs_hint = false} : vector<1000x64xf32>, vector<64x2xf32>, vector<1000x2xf32> -> vector<1000x2xf32>
    %get3A_32 = arith.constant 0 : index
    %get3A_33 = arith.constant 0 : index
    %get3A_34 = vector.load %arg6[%get3A_32, %get3A_33] : memref<1x2xf32, #tpu.memory_space<vmem>>, vector<1x2xf32>
    %add3A_35 = vector.broadcast %get3A_34 : vector<1x2xf32> to vector<1000x2xf32>
    %add3A_36 = arith.addf %dot_general3A_31, %add3A_35 : vector<1000x2xf32>
    %swap3A = arith.constant 0 : index
    %swap3A_37 = arith.constant 0 : index
    %swap3A_38 = vector.load %arg7[%swap3A, %swap3A_37] : memref<1000x2xf32, #tpu.memory_space<vmem>>, vector<1000x2xf32>
    tpu.vector_store %arg7[%swap3A, %swap3A_37], %add3A_36 {strides = array<i32>} : memref<1000x2xf32, #tpu.memory_space<vmem>>, vector<1000x2xf32>,
    return
  }
  func.func @transform_0(%arg0: i32) -> (i32, i32) {
    %c0_i32 = arith.constant 0 : i32
    %c0_i32_0 = arith.constant 0 : i32
    return %arg0, %c0_i32 : i32, i32
  }
  func.func @transform_1(%arg0: i32) -> (i32, i32, i32) {
    %c0_i32 = arith.constant 0 : i32
    %c0_i32_0 = arith.constant 0 : i32
    %c0_i32_1 = arith.constant 0 : i32
    return %c0_i32, %arg0, %c0_i32_0 : i32, i32, i32
  }
  func.func @transform_2(%arg0: i32) -> (i32, i32) {
    %c0_i32 = arith.constant 0 : i32
    %c0_i32_0 = arith.constant 0 : i32
    return %arg0, %c0_i32 : i32, i32
  }
  func.func @transform_3(%arg0: i32) -> (i32, i32) {
    %c0_i32 = arith.constant 0 : i32
    %c0_i32_0 = arith.constant 0 : i32
    %c0_i32_1 = arith.constant 0 : i32
    return %c0_i32, %c0_i32_0 : i32, i32
  }
  func.func @transform_4(%arg0: i32) -> (i32, i32) {
    %c0_i32 = arith.constant 0 : i32
    %c0_i32_0 = arith.constant 0 : i32
    %c0_i32_1 = arith.constant 0 : i32
    return %c0_i32, %c0_i32_0 : i32, i32
  }
  func.func @transform_5(%arg0: i32) -> (i32, i32) {
    %c0_i32 = arith.constant 0 : i32
    %c0_i32_0 = arith.constant 0 : i32
    %c0_i32_1 = arith.constant 0 : i32
    return %c0_i32, %c0_i32_0 : i32, i32
  }
  func.func @transform_6(%arg0: i32) -> (i32, i32) {
    %c0_i32 = arith.constant 0 : i32
    %c0_i32_0 = arith.constant 0 : i32
    return %arg0, %c0_i32 : i32, i32
  }
}

</mosaic_0001>

<sc_bundles>
// kernel: kernel.10.cloned.1.call-start
scs
__scs_entry_jumppad:
0x0: {  	(pc) =	sbr.rel $0x88, $3  }
0x1: {  	(tag) =	ssettag $0x0;
	lr =	simm.s32 $0x1  }
0x2: {  	[smem:$0x3F97] =	sst lr;
	_ =	strace $0xD0000000  }
0x3: {  	_ = 	snop  }
0x4: {  	_ = 	snop  }
0x5: {  	_ = 	snop  }
0x6: {  	_ = 	snop  }
0x7: {  	_ = 	snop  }
__scs_overlays_trampoline_lowered:
0x8: {  	[smem:$0x3FA6] =	sst s0  }
0x9: {  	[smem:$0x3FA7] =	sst s1  }
0xa: {  	[smem:$0x3FA8] =	sst s2  }
0xb: {  	[smem:$0x3FA9] =	sst s3  }
0xc: {  	[smem:$0x3FAA] =	sst s4  }
0xd: {  	[smem:$0x3FAB] =	sst s5  }
0xe: {  	[smem:$0x3FAC] =	sst s6  }
0xf: {  	[smem:$0x3FAD] =	sst s7  }
0x10: {  	[smem:$0x3FAE] =	sst s8  }
0x11: {  	[smem:$0x3FAF] =	sst s9;
	s0 =	simm.s32 @!p0 $0x0  }
0x12: {  	s1 =	sld [smem:$0x3F95];
	s0 =	simm.s32 @p0 $0x1  }
0x13: {  	[smem:$0x3FB0] =	sst s0;
	s0 =	simm.s32 @!p1 $0x0  }
0x14: {  	s2 =	sld [smem:$0x3F94];
	s0 =	simm.s32 @p1 $0x1  }
0x15: {  	[smem:$0x3FB1] =	sst s0;
	s0 =	simm.s32 @!p2 $0x0  }
0x16: {  	s3 =	sld [smem:$0x3FDB];
	s0 =	simm.s32 @p2 $0x1  }
0x17: {  	s4 =	simm.s32 $0x1BF5;
	[smem:$0x3FB3] =	sst s0  }
0x18: {  	s0 =	sld [smem:$0x3F96];
	_ =	swait.ge [sflag:s4], $0x0  }
0x19: {  	s7 =	sld [smem:$0x3F97]  }
0x1a: {  	s8 =	sadd.s32 $0xFFFFE003, lr  }
0x1b: {  	s9 =	sadd.s32 $0xFFFFFEF7, lr;
	s5 =	simm.s32 $0xFFFFFFFF;
	p2 =	slt.u32 s8, $0xFFFFF086  }
0x1c: {  	p1 =	slt.u32 s9, $0xF7A;
	s5 =	simm.s32 @!p2 $0x0  }
0x1d: {  	s5 =	simm.s32 @p1 $0x1;
	p0 =	seq.s32 s7, s2  }
0x1e: {  	s7 =	smul.u32 @!p0 $0xF7A, s2;
	p2 =	seq.s32 @!p0 s5, $0x0  }
0x1f: {  	s9 =	smul.u32 $0xF7A, s1;
	s8 =	simm.s32 @!p0 $0x1BF5;
	p2 =	por !p2, p0  }
0x20: {  	[sflag:s8] =	ssyncset.s32 @!p0 $0xFFFFF086;
	s6 =	sadd.s32 @!p0 s3, s7;
	s7 =	simm.s32 @!p0 $0x108  }
0x21: {  	s3 =	sadd.s32 s3, s9;
	s6 =	sadd.s32 @!p0 $0x88, s6;
	s7 =	simm.s32 @p2 $0x1082  }
0x22: {  	[simem:s7], [sflag:s8] =	dma.local @!p0 [hbm:s6], $0xF7A  }
0x23: {  	s9 =	sor.u32 $0xD0000000, s2;
	s6 =	simm.s32 $0x108;
	_ =	swait.ge @!p0 [sflag:s8], $0x0  }
0x24: {  	s3 =	sadd.s32 $0x88, s3;
	s6 =	simm.s32 @!p1 $0x1082;
	[sflag:s4] =	ssyncset.s32 $0xFFFFF086  }
0x25: {  	[simem:s6], [sflag:s4] =	dma.local [hbm:s3], $0xF7A  }
0x26: {  	[smem:$0x3F97] =	sst s1;
	(tag) =	ssettag s2;
	_ =	strace s9  }
0x27: {  	s1 =	sld [smem:$0x3FA7]  }
0x28: {  	s2 =	sld [smem:$0x3FA8]  }
0x29: {  	s4 =	sld [smem:$0x3FAA]  }
0x2a: {  	p0 =	seq.s32 s5, $0x0;
	s5 =	sld [smem:$0x3FAB]  }
0x2b: {  	s6 =	sld [smem:$0x3FAC]  }
0x2c: {  	s7 =	sld [smem:$0x3FAD]  }
0x2d: {  	s3 =	simm.s32 $0x108;
	s8 =	sld [smem:$0x3FAE]  }
0x2e: {  	s3 =	simm.s32 @!p0 $0x1082;
	s9 =	sld [smem:$0x3FAF]  }
0x2f: {  	lr =	sadd.s32 s0, s3;
	s0 =	sld [smem:$0x3FA6]  }
0x30: {  	s3 =	sld [smem:$0x3FA9]  }
0x31: {  	[smem:$0x3FB2] =	sst s10  }
0x32: {  	s10 =	sld [smem:$0x3FB0];
	_ =	sdelay $0x3  }
0x33: {  	p0 =	seq.s32 s10, $0x1;
	s10 =	sld [smem:$0x3FB2];
	_ =	sdelay $0x3  }
0x34: {  	[smem:$0x3FB2] =	sst s10  }
0x35: {  	s10 =	sld [smem:$0x3FB1];
	_ =	sdelay $0x3  }
0x36: {  	p1 =	seq.s32 s10, $0x1;
	s10 =	sld [smem:$0x3FB2];
	_ =	sdelay $0x3  }
0x37: {  	[smem:$0x3FB2] =	sst s10  }
0x38: {  	s10 =	sld [smem:$0x3FB3]  }
0x39: {  	_ = 	snop;
	(pc) =	sbr.ind lr, $3  }
0x3a: {  	_ = 	snop  }
0x3b: {  	_ = 	snop  }
0x3c: {  	p2 =	seq.s32 s10, $0x1;
	s10 =	sld [smem:$0x3FB2]  }
0x3d: {  	_ =	shalt  }
0x3e: {  	_ =	shalt  }
0x3f: {  	_ =	shalt  }
0x40: {  	_ =	shalt  }
0x41: {  	_ =	shalt  }
0x42: {  	_ =	shalt  }
0x43: {  	_ =	shalt  }
0x44: {  	_ =	shalt  }
0x45: {  	_ =	shalt  }
0x46: {  	_ =	shalt  }
0x47: {  	_ =	shalt  }
0x48: {  	_ =	shalt  }
0x49: {  	_ =	shalt  }
0x4a: {  	_ =	shalt  }
0x4b: {  	_ =	shalt  }
0x4c: {  	_ =	shalt  }
0x4d: {  	_ =	shalt  }
0x4e: {  	_ =	shalt  }
0x4f: {  	_ =	shalt  }
0x50: {  	_ =	shalt  }
0x51: {  	_ =	shalt  }
0x52: {  	_ =	shalt  }
0x53: {  	_ =	shalt  }
0x54: {  	_ =	shalt  }
0x55: {  	_ =	shalt  }
0x56: {  	_ =	shalt  }
0x57: {  	_ =	shalt  }
0x58: {  	_ =	shalt  }
0x59: {  	_ =	shalt  }
0x5a: {  	_ =	shalt  }
0x5b: {  	_ =	shalt  }
0x5c: {  	_ =	shalt  }
0x5d: {  	_ =	shalt  }
0x5e: {  	_ =	shalt  }
0x5f: {  	_ =	shalt  }
0x60: {  	_ =	shalt  }
0x61: {  	_ =	shalt  }
0x62: {  	_ =	shalt  }
0x63: {  	_ =	shalt  }
0x64: {  	_ =	shalt  }
0x65: {  	_ =	shalt  }
0x66: {  	_ =	shalt  }
0x67: {  	_ =	shalt  }
0x68: {  	_ =	shalt  }
0x69: {  	_ =	shalt  }
0x6a: {  	_ =	shalt  }
0x6b: {  	_ =	shalt  }
0x6c: {  	_ =	shalt  }
0x6d: {  	_ =	shalt  }
0x6e: {  	_ =	shalt  }
0x6f: {  	_ =	shalt  }
0x70: {  	_ =	shalt  }
0x71: {  	_ =	shalt  }
0x72: {  	_ =	shalt  }
0x73: {  	_ =	shalt  }
0x74: {  	_ =	shalt  }
0x75: {  	_ =	shalt  }
0x76: {  	_ =	shalt  }
0x77: {  	_ =	shalt  }
0x78: {  	_ =	shalt  }
0x79: {  	_ =	shalt  }
0x7a: {  	_ =	shalt  }
0x7b: {  	_ =	shalt  }
0x7c: {  	_ =	shalt  }
0x7d: {  	_ =	shalt  }
0x7e: {  	_ =	shalt  }
0x7f: {  	_ =	shalt  }
0x80: {  	_ =	shalt  }
0x81: {  	_ =	shalt  }
0x82: {  	_ =	shalt  }
0x83: {  	_ =	shalt  }
0x84: {  	_ =	shalt  }
0x85: {  	_ =	shalt  }
0x86: {  	_ =	shalt  }
0x87: {  	_ =	shalt  }
.Lfunc_end0:
.L_simem_size_0:
called_computation.1_lowered:
.L_overlay_start_0:
0x88: {  	s2 =	sld [smem:$0x3FD9]  }
0x89: {  	s3 =	sld [smem:$0x3FFE];
	_ =	sdelay $0x1  }
0x8a: {  	s1 =	srdreg.scid  }
0x8b: {  	s0 =	sand.u32 $0x1, s1  }
0x8c: {  	s16 =	sshll.u32 s0, $0xA;
	s2 =	sadd.s32 s3, s2  }
0x8d: {  	s2 =	sadd.s32 s2, s16  }
0x8e: {  	[smem:$0x3FBE] =	sst s2  }
0x8f: {  	_ = 	snop  }
0x90: {  	(tm) =	ssettm $0x1  }
0x91: {  	s17 =	sld [smem:$0x3FFB];
	_ =	sdelay $0x3  }
0x92: {  	_ =	strace s17  }
0x93: {  	s2 =	sld [smem:$0x3FFC];
	_ =	sdelay $0x3  }
0x94: {  	_ =	strace s2  }
0x95: {  	s2 =	sld [smem:$0x3FFD];
	_ =	sdelay $0x3  }
0x96: {  	_ =	strace s2  }
0x97: {  	_ =	strace $0x8FFFFFFF  }
0x98: {  	s18 =	sld [smem:$0x3FDB];
	_ =	sdelay $0x1  }
0x99: {  	s19 =	simm.s32 $_scs_section_size  }
0x9a: {  	s4 =	simm.s32 $_size__tile_overlayer_lowered;
	s5 =	simm.s32 $_tile_overlayer_lowered  }
0x9b: {  	s22 =	simm.s32 $0x1BFF;
	s21 =	sshll.u32 s5, $0x1;
	s2 =	sadd.s32 s19, s18  }
0x9c: {  	s6 =	simm.s32 $0x0;
	s20 =	sshll.u32 s4, $0x1;
	s4 =	sadd.s32 s21, s2  }
0x9d: {  	[timem:s6], [sflag:s22] =	dma.local [hbm:s4], s20  }
0x9e: {  	_ =	swait.ge [sflag:s22], s20  }
0x9f: {  	s3 =	ssub.s32 $0x0, s20;
	[sflag:s22] =	ssyncset.done $0x0  }
0xa0: {  	[sflag:s22] =	ssyncadd.s32 s3;
	_ =	sdelay $0x1  }
0xa1: {  	s23 =	simm.s32 $0x1B8B  }
0xa2: {  	_ =	swait.ge [sflag:s23], $0x1  }
0xa3: {  	[sflag:s23] =	ssyncset.done $0x0  }
0xa4: {  	s25 =	simm.s32 $0x1B8E;
	s24 =	sld [smem:$0x3FFE];
	[sflag:s23] =	ssyncadd.s32 $0xFFFFFFFF  }
0xa5: {  	s26 =	simm.s32 $execute0_lowered;
	[smem:$0x3FD2] =	sst s25  }
0xa6: {  	s4 =	sshll.u32 s26, $0x1;
	_ =	strace $0x80000049;
	[dreg:$0x1] =	wrdreg $0xFFFFFFFF  }
0xa7: {  	s28 =	simm.s32 $_size_execute0_lowered;
	s2 =	sadd.s32 s2, s4;
	[dreg:$0x0] =	wrdreg $0x0  }
0xa8: {  	s4 =	sshll.u32 s28, $0x1;
	[dreg:$0x2] =	wrdreg s2  }
0xa9: {  	[dreg:$0x3] =	wrdreg s4  }
0xaa: {  	[dreg:$0x4] =	wrdreg $0xC0  }
0xab: {  	_ =	task [dreg:s6], $0x5FFFF  }
0xac: {  	[dreg:$0x1] =	wrdreg $0xFFFFFFFF  }
0xad: {  	[dreg:$0x0] =	wrdreg $0x60  }
0xae: {  	[dreg:$0x2] =	wrdreg s24  }
0xaf: {  	[dreg:$0x3] =	wrdreg $0xAA000  }
0xb0: {  	[dreg:$0x4] =	wrdreg $0xF8200  }
0xb1: {  	[dreg:$0x5] =	wrdreg $0x9  }
0xb2: {  	_ =	task.clear_ibuf [dreg:s6], $0x6FFFF;
	_ =	strace $0x90000049  }
0xb3: {  	s29 =	simm.s32 $0x9;
	_ =	strace $0x8000004B  }
0xb4: {  	_ =	swait.ge [sflag:s29], $0x1  }
0xb5: {  	[sflag:s29] =	ssyncadd.s32 $0xFFFFFFFF  }
0xb6: {  	_ =	strace $0x9000004B  }
0xb7: {  	_ =	sfence  }
0xb8: {  	s30 =	sld [smem:$0x0];
	_ =	sdelay $0x2  }
0xb9: {  	s31 =	sshll.u32 s1, $0xD;
	s1 =	sshrl.u32 s1, $0x2  }
0xba: {  	s3 =	sand.u32 $0x4000, s31;
	s1 =	sadd.s32 s1, s30  }
0xbb: {  	s0 =	sor.u32 s3, s0;
	s1 =	sshll.u32 s1, $0x11  }
0xbc: {  	s0 =	sor.u32 s1, s0  }
0xbd: {  	s0 =	sadd.s32 $0x8F2B, s0  }
0xbe: {  	[sflag:s0] =	ssyncadd.remote.s32 $0x1  }
0xbf: {  	_ =	sfence.sel $0xFFFF  }
0xc0: {  	[dreg:$0x0] =	wrdreg $0xFFFFFFFF;
	(pc) =	sbr.abs _section_cstart, $3  }
0xc1: {  	[dreg:$0x1] =	wrdreg $0xFFFFFFFF  }
0xc2: {  	_ =	task.clear_ibuf [dreg:s6], $0x2FFFF;
	_ =	strace $0x9FFFFFFF  }
0xc3: {  	(tm) =	ssettm $0x7FFFFFFF  }
tec
execute0_lowered:
.L_overlay_start_1:
0x0: {  	(tag) =	ssettag $0x1  }
0x1: {  	s0 =	rddreg [dreg:$0x0]  }
0x2: {  	s2 =	rddreg [dreg:$0x1]  }
0x3: {  	s3 =	rddreg [dreg:$0x2];
	s10 =	stileid.u32  }
0x4: {  	s5 =	srdreg.scid;
	s4 =	simm.s32 $0x0;
	s30 =	simm.s32 $0x4  }
0x5: {  	s19 =	simm.s32 $0x100;
	s20 =	simm.s32 $0x180;
	s21 =	simm.s32 $0x200  }
0x6: {  	s22 =	simm.s32 $0x280;
	s28 =	simm.s32 $0x6A00;
	s1 =	smul.u32 $0x9C40, s10  }
0x7: {  	s29 =	simm.s32 $0x7A00;
	s31 =	simm.s32 $0x400;
	s6 =	smul.u32 $0xA000, s10  }
0x8: {  	s5 =	sand.u32 $0x1, s5;
	[smem:$0x7FF] =	sst s4;
	s24 =	smul.u32 $0x14000, s10  }
0x9: {  	s11 =	sshll.u32 s10, $0x6;
	s25 =	smul.u32 $0x500, s10;
	s10 =	simm.s32 $0x800  }
0xa: {  	s7 =	smul.u32 $0xA0000, s5;
	_ =	strace $0x8000004A;
	[dreg:$0xf] =	wrdreg s11  }
0xb: {  	s9 =	smul.u32 $0x5000, s5;
	s5 =	ssub.s32 $0x2, s5;
	[dreg:$0x6] =	wrdreg s19  }
0xc: {  	s26 =	sor.u32 $0x1C03, s11;
	s19 =	simm.s32 $0x500;
	[dreg:$0x7] =	wrdreg s20  }
0xd: {  	s20 =	simm.s32 $0x80;
	[dreg:$0x8] =	wrdreg s21;
	s21 =	simm.s32 $0x1A00  }
0xe: {  	[dreg:$0x9] =	wrdreg s22;
	s22 =	simm.s32 $0x2A00;
	s8 =	sshrl.u32 s1, $0x4  }
0xf: {  	s23 =	sshrl.u32 s5, $0x1;
	s1 =	sshrl.u32 s1, $0x1;
	[dreg:$0x10] =	wrdreg s26  }
0x10: {  	s26 =	simm.s32 $0x380;
	s7 =	sadd.s32 s6, s7;
	s8 =	sadd.s32 s8, s0  }
0x11: {  	s9 =	sadd.s32 s9, s0;
	s5 =	ssub.s32 s5, s23;
	s1 =	sadd.s32 s1, s2  }
0x12: {  	s6 =	sshrl.u32 s6, $0x1;
	s23 =	simm.s32 $0x580;
	[dreg:$0xd] =	wrdreg s26  }
0x13: {  	s26 =	simm.s32 $0x5A00;
	s7 =	sshrl.u32 s7, $0x4;
	s8 =	sadd.s32 $0x1600, s8  }
0x14: {  	s17 =	sadd.s32 s6, s3;
	s13 =	sadd.s32 s25, s9;
	[dreg:$0xa] =	wrdreg s23  }
0x15: {  	s5 =	smax.u32 s5, $0x1;
	s18 =	sshrl.u32 s1, $0x3;
	[dreg:$0xe] =	wrdreg s8  }
0x16: {  	s23 =	simm.s32 $0x3A00;
	s25 =	simm.s32 $0x600;
	[dreg:$0x17] =	wrdreg s5  }
0x17: {  	s1 =	simm.s32 $0x700;
	s9 =	simm.s32 $0x780;
	[dreg:$0x18] =	wrdreg s18  }
0x18: {  	s0 =	sadd.s32 s7, s0;
	s7 =	sshrl.u32 s24, $0x2;
	[dreg:$0xc] =	wrdreg s25  }
0x19: {  	s15 =	sadd.s32 $0x17A00, s13;
	s16 =	sadd.s32 $0xDA00, s13;
	[dreg:$0x11] =	wrdreg s17  }
0x1a: {  	s18 =	simm.s32 $0x3;
	s24 =	simm.s32 $0x300;
	[dreg:$0x4] =	wrdreg s15  }
0x1b: {  	s25 =	simm.s32 $0x1;
	s5 =	simm.s32 $0x480;
	[dreg:$0x5] =	wrdreg s16  }
0x1c: {  	s11 =	sadd.s32 s7, s3;
	s0 =	sadd.s32 $0x21A00, s0;
	[dreg:$0xb] =	wrdreg s24  }
0x1d: {  	s13 =	simm.s32 $0x980;
	s7 =	sadd.s32 $0x1000, s11;
	[dreg:$0x16] =	wrdreg s0  }
0x1e: {  	s8 =	simm.s32 $0x0;
	s12 =	sadd.s32 $0x2000, s11;
	[dreg:$0x12] =	wrdreg s7  }
0x1f: {  	s16 =	simm.s32 $0xA00;
	s14 =	sadd.s32 $0x3000, s11;
	[dreg:$0x13] =	wrdreg s12  }
0x20: {  	s24 =	simm.s32 $0x4A00;
	s6 =	sadd.s32 $0x4000, s11;
	[dreg:$0x14] =	wrdreg s14  }
0x21: {  	s0 =	simm.s32 $0x8A00;
	s11 =	simm.s32 $0x880;
	[dreg:$0x15] =	wrdreg s6  }
0x22: {  	v0 =	vimm.bf16 $0.0e+00;
	s7 =	simm.s32 $0x9A00;
	s12 =	simm.s32 $0x900;
	s14 =	simm.s32 $0x2  }
.LBB2_1:
0x23: {  	[dreg:$0x19] =	wrdreg s8  }
0x24: {  	s6 =	rddreg [dreg:$0xe]  }
0x25: {  	s8 =	rddreg [dreg:$0x10]  }
0x26: {  	s15 =	rddreg [dreg:$0x18]  }
0x27: {  	[spmem:s15], [sflag:s8] =	dma.local [hbm:s6], $0x9C4  }
0x28: {  	s8 =	simm.s32 $0x0;
	s15 =	simm.s32 $0x100  }
.LBB2_2:
0x29: {  	p0 =	sne.s32 s15, $0x3F00;
	[tilespmem:s8+$0xA38] =	vst.msk $0xff, v0  }
0x2a: {  	[tilespmem:s8+$0xA00] =	vst.msk $0xff, v0  }
0x2b: {  	[tilespmem:s8+$0xA20] =	vst.msk $0xff, v0  }
.Ltmp0:
0x2c: {  	[tilespmem:s8+$0xA08] =	vst.msk $0xff, v0;
	(pc) =	sbr.rel @p0 .LBB2_2-.Ltmp0, $4  }
0x2d: {  	[tilespmem:s8+$0xA28] =	vst.msk $0xff, v0  }
0x2e: {  	[tilespmem:s8+$0xA10] =	vst.msk $0xff, v0  }
0x2f: {  	[tilespmem:s8+$0xA30] =	vst.msk $0xff, v0  }
0x30: {  	[tilespmem:s8+$0xA18] =	vst.msk $0xff, v0;
	s8 =	sshra.s32 s15, $0x2;
	s15 =	sadd.s32 $0x100, s15  }
0x31: {  	[tilespmem:s8+$0xA38] =	vst.msk $0xff, v0  }
0x32: {  	[tilespmem:s8+$0xA00] =	vst.msk $0xff, v0  }
0x33: {  	[tilespmem:s8+$0xA20] =	vst.msk $0xff, v0  }
0x34: {  	[tilespmem:s8+$0xA08] =	vst.msk $0xff, v0  }
0x35: {  	[tilespmem:s8+$0xA28] =	vst.msk $0xff, v0  }
0x36: {  	[tilespmem:s8+$0xA10] =	vst.msk $0xff, v0  }
0x37: {  	[tilespmem:s8+$0xA30] =	vst.msk $0xff, v0  }
0x38: {  	[tilespmem:s8+$0xA18] =	vst.msk $0xff, v0  }
0x39: {  	[spmem:s17] =	stream.linear.scatter [tilespmem:s16], [sflag:$0x4], $0x1000, $0x38;
	[tilespmem:$0x14820] =	vst v63  }
0x3a: {  	_ =	swait.ge [sflag:s30], $0x1000  }
0x3b: {  	[sflag:s30] =	ssyncset.done $0x0  }
0x3c: {  	s6 =	rddreg [dreg:$0x12];
	[sflag:s30] =	ssyncadd.s32 $0xFFFFF000  }
0x3d: {  	[spmem:s6] =	stream.linear.scatter [tilespmem:s16], [sflag:$0x4], $0x1000, $0x38;
	[tilespmem:$0x14820] =	vst v63  }
0x3e: {  	_ =	swait.ge [sflag:s30], $0x1000  }
0x3f: {  	[sflag:s30] =	ssyncset.done $0x0  }
0x40: {  	s17 =	rddreg [dreg:$0x13];
	[sflag:s30] =	ssyncadd.s32 $0xFFFFF000  }
0x41: {  	[spmem:s17] =	stream.linear.scatter [tilespmem:s16], [sflag:$0x4], $0x1000, $0x38;
	[tilespmem:$0x14820] =	vst v63  }
0x42: {  	_ =	swait.ge [sflag:s30], $0x1000  }
0x43: {  	[sflag:s30] =	ssyncset.done $0x0  }
0x44: {  	s8 =	rddreg [dreg:$0x14];
	[sflag:s30] =	ssyncadd.s32 $0xFFFFF000  }
0x45: {  	[spmem:s8] =	stream.linear.scatter [tilespmem:s16], [sflag:$0x4], $0x1000, $0x38;
	[tilespmem:$0x14820] =	vst v63  }
0x46: {  	_ =	swait.ge [sflag:s30], $0x1000  }
0x47: {  	[sflag:s30] =	ssyncset.done $0x0  }
0x48: {  	s15 =	rddreg [dreg:$0x15];
	[sflag:s30] =	ssyncadd.s32 $0xFFFFF000  }
0x49: {  	[spmem:s15] =	stream.linear.scatter [tilespmem:s16], [sflag:$0x4], $0x1000, $0x38;
	[tilespmem:$0x14820] =	vst v63  }
0x4a: {  	_ =	swait.ge [sflag:s30], $0x1000  }
0x4b: {  	[sflag:s30] =	ssyncset.done $0x0  }
0x4c: {  	[sflag:s30] =	ssyncadd.s32 $0xFFFFF000  }
0x4d: {  	_ =	swait.ge [sflag:s18], $0x9C4  }
0x4e: {  	[sflag:s18] =	ssyncset.done $0x0  }
0x4f: {  	[sflag:s18] =	ssyncadd.s32 $0xFFFFF63C  }
0x50: {  	[bflag:$0x0] =	sbarrier.arrive $0xFFFF  }
0x51: {  	s17 =	rddreg [dreg:$0x5]  }
0x52: {  	s30 =	rddreg [dreg:$0x4];
	s6 =	sadd.s32 $0x0, s17  }
0x53: {  	[tilespmem:s4], [sflag:$0x3] =	stream.linear.gather [hbm4b:s6+s4], $0x500, $0x38;
	[tilespmem:$0x14820] =	vst v63  }
0x54: {  	s8 =	sadd.s32 $0x0, s30  }
0x55: {  	[tilespmem:s19], [sflag:$0x3] =	stream.linear.gather [hbm4b:s8+s4], $0x500, $0x38;
	[tilespmem:$0x14820] =	vst v63  }
0x56: {  	_ =	swait.ge [sflag:s18], $0x500  }
0x57: {  	[sflag:s18] =	ssyncset.done $0x0  }
0x58: {  	[sflag:s18] =	ssyncadd.s32 $0xFFFFFB00  }
0x59: {  	_ =	swait.ge [sflag:s18], $0x500  }
0x5a: {  	[sflag:s18] =	ssyncset.done $0x0  }
0x5b: {  	[sflag:s18] =	ssyncadd.s32 $0xFFFFFB00  }
0x5c: {  	[tilespmem:s16], [sflag:$0x1] =	stream.indirect.gather [spmem:s2], $0x20, s4, s20, $0xb8;
	[tilespmem:$0x14820] =	vst v63  }
0x5d: {  	_ = 	snop  }
0x5e: {  	[tilespmem:s21], [sflag:$0x1] =	stream.indirect.gather [spmem:s2], $0x20, s20, s20, $0xb8;
	[tilespmem:$0x14820] =	vst v63  }
0x5f: {  	s15 =	rddreg [dreg:$0x6]  }
0x60: {  	[tilespmem:s22], [sflag:$0x1] =	stream.indirect.gather [spmem:s2], $0x20, s15, s20, $0xb8;
	[tilespmem:$0x14820] =	vst v63  }
0x61: {  	s17 =	rddreg [dreg:$0x7]  }
0x62: {  	[tilespmem:s23], [sflag:$0x1] =	stream.indirect.gather [spmem:s2], $0x20, s17, s20, $0xb8;
	[tilespmem:$0x14820] =	vst v63  }
0x63: {  	s30 =	rddreg [dreg:$0x8]  }
0x64: {  	[tilespmem:s24], [sflag:$0x1] =	stream.indirect.gather [spmem:s2], $0x20, s30, s20, $0xb8;
	[tilespmem:$0x14820] =	vst v63  }
0x65: {  	_ =	swait.ge [sflag:s25], $0x1000  }
0x66: {  	[sflag:s25] =	ssyncset.done $0x0  }
0x67: {  	[sflag:s25] =	ssyncadd.s32 $0xFFFFF000  }
0x68: {  	[spmem:s3] =	stream.indirect.scatter.add.bf16 [tilespmem:s16], [sflag:$0x2], $0x20, s19, s20, $0xb8;
	[tilespmem:$0x14820] =	vst v63  }
0x69: {  	s15 =	rddreg [dreg:$0x9]  }
0x6a: {  	[tilespmem:s26], [sflag:$0x1] =	stream.indirect.gather [spmem:s2], $0x20, s15, s20, $0xb8;
	[tilespmem:$0x14820] =	vst v63  }
0x6b: {  	_ =	swait.ge [sflag:s25], $0x1000  }
0x6c: {  	[sflag:s25] =	ssyncset.done $0x0  }
0x6d: {  	s17 =	rddreg [dreg:$0xa];
	[sflag:s25] =	ssyncadd.s32 $0xFFFFF000  }
0x6e: {  	[spmem:s3] =	stream.indirect.scatter.add.bf16 [tilespmem:s21], [sflag:$0x2], $0x20, s17, s20, $0xb8;
	[tilespmem:$0x14820] =	vst v63  }
0x6f: {  	s30 =	rddreg [dreg:$0xb]  }
0x70: {  	[tilespmem:s28], [sflag:$0x1] =	stream.indirect.gather [spmem:s2], $0x20, s30, s20, $0xb8;
	[tilespmem:$0x14820] =	vst v63  }
0x71: {  	_ =	swait.ge [sflag:s25], $0x1000  }
0x72: {  	[sflag:s25] =	ssyncset.done $0x0  }
0x73: {  	s15 =	rddreg [dreg:$0xc];
	[sflag:s25] =	ssyncadd.s32 $0xFFFFF000  }
0x74: {  	[spmem:s3] =	stream.indirect.scatter.add.bf16 [tilespmem:s22], [sflag:$0x2], $0x20, s15, s20, $0xb8;
	[tilespmem:$0x14820] =	vst v63  }
0x75: {  	s17 =	rddreg [dreg:$0xd]  }
0x76: {  	[tilespmem:s29], [sflag:$0x1] =	stream.indirect.gather [spmem:s2], $0x20, s17, s20, $0xb8;
	[tilespmem:$0x14820] =	vst v63  }
0x77: {  	_ =	swait.ge [sflag:s25], $0x1000  }
0x78: {  	[sflag:s25] =	ssyncset.done $0x0  }
0x79: {  	s30 =	simm.s32 $0x680;
	[sflag:s25] =	ssyncadd.s32 $0xFFFFF000  }
0x7a: {  	[spmem:s3] =	stream.indirect.scatter.add.bf16 [tilespmem:s23], [sflag:$0x2], $0x20, s30, s20, $0xb8;
	[tilespmem:$0x14820] =	vst v63  }
0x7b: {  	_ = 	snop  }
0x7c: {  	[tilespmem:s0], [sflag:$0x1] =	stream.indirect.gather [spmem:s2], $0x20, s31, s20, $0xb8;
	[tilespmem:$0x14820] =	vst v63  }
0x7d: {  	_ =	swait.ge [sflag:s25], $0x1000  }
0x7e: {  	[sflag:s25] =	ssyncset.done $0x0  }
0x7f: {  	[sflag:s25] =	ssyncadd.s32 $0xFFFFF000  }
0x80: {  	[spmem:s3] =	stream.indirect.scatter.add.bf16 [tilespmem:s24], [sflag:$0x2], $0x20, s1, s20, $0xb8;
	[tilespmem:$0x14820] =	vst v63  }
0x81: {  	_ = 	snop  }
0x82: {  	[tilespmem:s7], [sflag:$0x1] =	stream.indirect.gather [spmem:s2], $0x20, s5, s20, $0xb8;
	[tilespmem:$0x14820] =	vst v63  }
0x83: {  	_ =	swait.ge [sflag:s25], $0x1000  }
0x84: {  	[sflag:s25] =	ssyncset.done $0x0  }
0x85: {  	[sflag:s25] =	ssyncadd.s32 $0xFFFFF000  }
0x86: {  	[spmem:s3] =	stream.indirect.scatter.add.bf16 [tilespmem:s26], [sflag:$0x2], $0x20, s9, s20, $0xb8;
	[tilespmem:$0x14820] =	vst v63  }
0x87: {  	_ =	swait.ge [sflag:s25], $0x1000  }
0x88: {  	[sflag:s25] =	ssyncset.done $0x0  }
0x89: {  	[sflag:s25] =	ssyncadd.s32 $0xFFFFF000  }
0x8a: {  	[spmem:s3] =	stream.indirect.scatter.add.bf16 [tilespmem:s28], [sflag:$0x2], $0x20, s10, s20, $0xb8;
	[tilespmem:$0x14820] =	vst v63  }
0x8b: {  	_ =	swait.ge [sflag:s25], $0x1000  }
0x8c: {  	[sflag:s25] =	ssyncset.done $0x0  }
0x8d: {  	[sflag:s25] =	ssyncadd.s32 $0xFFFFF000  }
0x8e: {  	[spmem:s3] =	stream.indirect.scatter.add.bf16 [tilespmem:s29], [sflag:$0x2], $0x20, s11, s20, $0xb8;
	[tilespmem:$0x14820] =	vst v63  }
0x8f: {  	_ =	swait.ge [sflag:s25], $0x1000  }
0x90: {  	[sflag:s25] =	ssyncset.done $0x0  }
0x91: {  	[sflag:s25] =	ssyncadd.s32 $0xFFFFF000  }
0x92: {  	[spmem:s3] =	stream.indirect.scatter.add.bf16 [tilespmem:s0], [sflag:$0x2], $0x20, s12, s20, $0xb8;
	[tilespmem:$0x14820] =	vst v63  }
0x93: {  	_ =	swait.ge [sflag:s25], $0x1000  }
0x94: {  	[sflag:s25] =	ssyncset.done $0x0  }
0x95: {  	[sflag:s25] =	ssyncadd.s32 $0xFFFFF000  }
0x96: {  	[spmem:s3] =	stream.indirect.scatter.add.bf16 [tilespmem:s7], [sflag:$0x2], $0x20, s13, s20, $0xb8;
	[tilespmem:$0x14820] =	vst v63  }
0x97: {  	_ =	swait.ge [sflag:s14], $0x1000  }
0x98: {  	[sflag:s14] =	ssyncset.done $0x0  }
0x99: {  	[sflag:s14] =	ssyncadd.s32 $0xFFFFF000  }
0x9a: {  	_ =	swait.ge [sflag:s14], $0x1000  }
0x9b: {  	[sflag:s14] =	ssyncset.done $0x0  }
0x9c: {  	[sflag:s14] =	ssyncadd.s32 $0xFFFFF000  }
0x9d: {  	_ =	swait.ge [sflag:s14], $0x1000  }
0x9e: {  	[sflag:s14] =	ssyncset.done $0x0  }
0x9f: {  	[sflag:s14] =	ssyncadd.s32 $0xFFFFF000  }
0xa0: {  	_ =	swait.ge [sflag:s14], $0x1000  }
0xa1: {  	[sflag:s14] =	ssyncset.done $0x0  }
0xa2: {  	[sflag:s14] =	ssyncadd.s32 $0xFFFFF000  }
0xa3: {  	_ =	swait.ge [sflag:s14], $0x1000  }
0xa4: {  	[sflag:s14] =	ssyncset.done $0x0  }
0xa5: {  	[sflag:s14] =	ssyncadd.s32 $0xFFFFF000  }
0xa6: {  	_ =	swait.ge [sflag:s14], $0x1000  }
0xa7: {  	[sflag:s14] =	ssyncset.done $0x0  }
0xa8: {  	[sflag:s14] =	ssyncadd.s32 $0xFFFFF000  }
0xa9: {  	_ =	swait.ge [sflag:s14], $0x1000  }
0xaa: {  	[sflag:s14] =	ssyncset.done $0x0  }
0xab: {  	[sflag:s14] =	ssyncadd.s32 $0xFFFFF000  }
0xac: {  	_ =	swait.ge [sflag:s14], $0x1000  }
0xad: {  	[sflag:s14] =	ssyncset.done $0x0  }
0xae: {  	[sflag:s14] =	ssyncadd.s32 $0xFFFFF000  }
0xaf: {  	_ =	swait.ge [sflag:s14], $0x1000  }
0xb0: {  	[sflag:s14] =	ssyncset.done $0x0  }
0xb1: {  	[sflag:s14] =	ssyncadd.s32 $0xFFFFF000  }
0xb2: {  	s8 =	simm.s32 $0x140;
	_ =	swait.ge [sflag:s14], $0x1000  }
0xb3: {  	s15 =	simm.s32 $0xA0;
	s6 =	rddreg [dreg:$0x5];
	[sflag:s14] =	ssyncset.done $0x0  }
.LBB2_4:
0xb4: {  	[sflag:s14] =	ssyncadd.s32 $0xFFFFF000;
	s30 =	rddreg [dreg:$0x4];
	s6 =	sadd.s32 s15, s6  }
0xb5: {  	[tilespmem:s4], [sflag:$0x3] =	stream.linear.gather [hbm4b:s6+s4], $0x500, $0x38;
	[tilespmem:$0x14820] =	vst v63  }
0xb6: {  	s30 =	sadd.s32 s15, s30  }
0xb7: {  	[tilespmem:s19], [sflag:$0x3] =	stream.linear.gather [hbm4b:s30+s4], $0x500, $0x38;
	[tilespmem:$0x14820] =	vst v63  }
0xb8: {  	_ =	swait.ge [sflag:s18], $0x500  }
0xb9: {  	[sflag:s18] =	ssyncset.done $0x0  }
0xba: {  	[sflag:s18] =	ssyncadd.s32 $0xFFFFFB00  }
0xbb: {  	_ =	swait.ge [sflag:s18], $0x500  }
0xbc: {  	[sflag:s18] =	ssyncset.done $0x0  }
0xbd: {  	[sflag:s18] =	ssyncadd.s32 $0xFFFFFB00  }
0xbe: {  	[tilespmem:s16], [sflag:$0x1] =	stream.indirect.gather [spmem:s2], $0x20, s4, s20, $0xb8;
	[tilespmem:$0x14820] =	vst v63  }
0xbf: {  	_ = 	snop  }
0xc0: {  	[tilespmem:s21], [sflag:$0x1] =	stream.indirect.gather [spmem:s2], $0x20, s20, s20, $0xb8;
	[tilespmem:$0x14820] =	vst v63  }
0xc1: {  	s17 =	smov.u32 s8;
	s30 =	rddreg [dreg:$0x6]  }
0xc2: {  	[tilespmem:s22], [sflag:$0x1] =	stream.indirect.gather [spmem:s2], $0x20, s30, s20, $0xb8;
	[tilespmem:$0x14820] =	vst v63  }
0xc3: {  	s15 =	smov.u32 s17;
	s17 =	rddreg [dreg:$0x7]  }
0xc4: {  	[tilespmem:s23], [sflag:$0x1] =	stream.indirect.gather [spmem:s2], $0x20, s17, s20, $0xb8;
	[tilespmem:$0x14820] =	vst v63  }
0xc5: {  	s30 =	rddreg [dreg:$0x8]  }
0xc6: {  	[tilespmem:s24], [sflag:$0x1] =	stream.indirect.gather [spmem:s2], $0x20, s30, s20, $0xb8;
	[tilespmem:$0x14820] =	vst v63  }
0xc7: {  	_ =	swait.ge [sflag:s25], $0x1000  }
0xc8: {  	[sflag:s25] =	ssyncset.done $0x0  }
0xc9: {  	[sflag:s25] =	ssyncadd.s32 $0xFFFFF000  }
0xca: {  	[spmem:s3] =	stream.indirect.scatter.add.bf16 [tilespmem:s16], [sflag:$0x2], $0x20, s19, s20, $0xb8;
	[tilespmem:$0x14820] =	vst v63  }
0xcb: {  	s30 =	rddreg [dreg:$0x9]  }
0xcc: {  	[tilespmem:s26], [sflag:$0x1] =	stream.indirect.gather [spmem:s2], $0x20, s30, s20, $0xb8;
	[tilespmem:$0x14820] =	vst v63  }
0xcd: {  	_ =	swait.ge [sflag:s25], $0x1000  }
0xce: {  	[sflag:s25] =	ssyncset.done $0x0  }
0xcf: {  	s17 =	rddreg [dreg:$0xa];
	[sflag:s25] =	ssyncadd.s32 $0xFFFFF000  }
0xd0: {  	[spmem:s3] =	stream.indirect.scatter.add.bf16 [tilespmem:s21], [sflag:$0x2], $0x20, s17, s20, $0xb8;
	[tilespmem:$0x14820] =	vst v63  }
0xd1: {  	s30 =	rddreg [dreg:$0xb]  }
0xd2: {  	[tilespmem:s28], [sflag:$0x1] =	stream.indirect.gather [spmem:s2], $0x20, s30, s20, $0xb8;
	[tilespmem:$0x14820] =	vst v63  }
0xd3: {  	_ =	swait.ge [sflag:s25], $0x1000  }
0xd4: {  	[sflag:s25] =	ssyncset.done $0x0  }
0xd5: {  	s17 =	rddreg [dreg:$0xc];
	[sflag:s25] =	ssyncadd.s32 $0xFFFFF000  }
0xd6: {  	[spmem:s3] =	stream.indirect.scatter.add.bf16 [tilespmem:s22], [sflag:$0x2], $0x20, s17, s20, $0xb8;
	[tilespmem:$0x14820] =	vst v63  }
0xd7: {  	s30 =	rddreg [dreg:$0xd]  }
0xd8: {  	[tilespmem:s29], [sflag:$0x1] =	stream.indirect.gather [spmem:s2], $0x20, s30, s20, $0xb8;
	[tilespmem:$0x14820] =	vst v63  }
0xd9: {  	_ =	swait.ge [sflag:s25], $0x1000  }
0xda: {  	[sflag:s25] =	ssyncset.done $0x0  }
0xdb: {  	s17 =	simm.s32 $0x680;
	[sflag:s25] =	ssyncadd.s32 $0xFFFFF000  }
0xdc: {  	[spmem:s3] =	stream.indirect.scatter.add.bf16 [tilespmem:s23], [sflag:$0x2], $0x20, s17, s20, $0xb8;
	[tilespmem:$0x14820] =	vst v63  }
0xdd: {  	_ = 	snop  }
0xde: {  	[tilespmem:s0], [sflag:$0x1] =	stream.indirect.gather [spmem:s2], $0x20, s31, s20, $0xb8;
	[tilespmem:$0x14820] =	vst v63  }
0xdf: {  	_ =	swait.ge [sflag:s25], $0x1000  }
0xe0: {  	[sflag:s25] =	ssyncset.done $0x0  }
0xe1: {  	[sflag:s25] =	ssyncadd.s32 $0xFFFFF000  }
0xe2: {  	[spmem:s3] =	stream.indirect.scatter.add.bf16 [tilespmem:s24], [sflag:$0x2], $0x20, s1, s20, $0xb8;
	[tilespmem:$0x14820] =	vst v63  }
0xe3: {  	_ = 	snop  }
0xe4: {  	[tilespmem:s7], [sflag:$0x1] =	stream.indirect.gather [spmem:s2], $0x20, s5, s20, $0xb8;
	[tilespmem:$0x14820] =	vst v63  }
0xe5: {  	_ =	swait.ge [sflag:s25], $0x1000  }
0xe6: {  	[sflag:s25] =	ssyncset.done $0x0  }
0xe7: {  	[sflag:s25] =	ssyncadd.s32 $0xFFFFF000  }
0xe8: {  	[spmem:s3] =	stream.indirect.scatter.add.bf16 [tilespmem:s26], [sflag:$0x2], $0x20, s9, s20, $0xb8;
	[tilespmem:$0x14820] =	vst v63  }
0xe9: {  	_ =	swait.ge [sflag:s25], $0x1000  }
0xea: {  	[sflag:s25] =	ssyncset.done $0x0  }
0xeb: {  	[sflag:s25] =	ssyncadd.s32 $0xFFFFF000  }
0xec: {  	[spmem:s3] =	stream.indirect.scatter.add.bf16 [tilespmem:s28], [sflag:$0x2], $0x20, s10, s20, $0xb8;
	[tilespmem:$0x14820] =	vst v63  }
0xed: {  	_ =	swait.ge [sflag:s25], $0x1000  }
0xee: {  	[sflag:s25] =	ssyncset.done $0x0  }
0xef: {  	[sflag:s25] =	ssyncadd.s32 $0xFFFFF000  }
0xf0: {  	[spmem:s3] =	stream.indirect.scatter.add.bf16 [tilespmem:s29], [sflag:$0x2], $0x20, s11, s20, $0xb8;
	[tilespmem:$0x14820] =	vst v63  }
0xf1: {  	_ =	swait.ge [sflag:s25], $0x1000  }
0xf2: {  	[sflag:s25] =	ssyncset.done $0x0  }
0xf3: {  	[sflag:s25] =	ssyncadd.s32 $0xFFFFF000  }
0xf4: {  	[spmem:s3] =	stream.indirect.scatter.add.bf16 [tilespmem:s0], [sflag:$0x2], $0x20, s12, s20, $0xb8;
	[tilespmem:$0x14820] =	vst v63  }
0xf5: {  	_ =	swait.ge [sflag:s25], $0x1000  }
0xf6: {  	[sflag:s25] =	ssyncset.done $0x0  }
0xf7: {  	[sflag:s25] =	ssyncadd.s32 $0xFFFFF000  }
0xf8: {  	[spmem:s3] =	stream.indirect.scatter.add.bf16 [tilespmem:s7], [sflag:$0x2], $0x20, s13, s20, $0xb8;
	[tilespmem:$0x14820] =	vst v63  }
0xf9: {  	_ =	swait.ge [sflag:s14], $0x1000  }
0xfa: {  	[sflag:s14] =	ssyncset.done $0x0  }
0xfb: {  	[sflag:s14] =	ssyncadd.s32 $0xFFFFF000  }
0xfc: {  	_ =	swait.ge [sflag:s14], $0x1000  }
0xfd: {  	[sflag:s14] =	ssyncset.done $0x0  }
0xfe: {  	[sflag:s14] =	ssyncadd.s32 $0xFFFFF000  }
0xff: {  	_ =	swait.ge [sflag:s14], $0x1000  }
0x100: {  	[sflag:s14] =	ssyncset.done $0x0  }
0x101: {  	[sflag:s14] =	ssyncadd.s32 $0xFFFFF000  }
0x102: {  	_ =	swait.ge [sflag:s14], $0x1000  }
0x103: {  	[sflag:s14] =	ssyncset.done $0x0  }
0x104: {  	[sflag:s14] =	ssyncadd.s32 $0xFFFFF000  }
0x105: {  	_ =	swait.ge [sflag:s14], $0x1000  }
0x106: {  	[sflag:s14] =	ssyncset.done $0x0  }
0x107: {  	[sflag:s14] =	ssyncadd.s32 $0xFFFFF000  }
0x108: {  	_ =	swait.ge [sflag:s14], $0x1000  }
0x109: {  	[sflag:s14] =	ssyncset.done $0x0  }
0x10a: {  	[sflag:s14] =	ssyncadd.s32 $0xFFFFF000  }
0x10b: {  	_ =	swait.ge [sflag:s14], $0x1000  }
0x10c: {  	[sflag:s14] =	ssyncset.done $0x0  }
0x10d: {  	[sflag:s14] =	ssyncadd.s32 $0xFFFFF000  }
0x10e: {  	_ =	swait.ge [sflag:s14], $0x1000  }
0x10f: {  	[sflag:s14] =	ssyncset.done $0x0  }
0x110: {  	p0 =	sne.s32 s8, $0x460;
	[sflag:s14] =	ssyncadd.s32 $0xFFFFF000  }
.Ltmp1:
0x111: {  	_ =	swait.ge [sflag:s14], $0x1000;
	(pc) =	sbr.rel @p0 .LBB2_4-.Ltmp1, $4  }
0x112: {  	[sflag:s14] =	ssyncset.done $0x0  }
0x113: {  	[sflag:s14] =	ssyncadd.s32 $0xFFFFF000  }
0x114: {  	_ =	swait.ge [sflag:s14], $0x1000  }
0x115: {  	s8 =	sadd.s32 $0xA0, s8;
	s6 =	rddreg [dreg:$0x5];
	[sflag:s14] =	ssyncset.done $0x0  }
0x116: {  	s8 =	rddreg [dreg:$0x4];
	[sflag:s14] =	ssyncadd.s32 $0xFFFFF000;
	s6 =	sadd.s32 s15, s6  }
0x117: {  	[tilespmem:s4], [sflag:$0x3] =	stream.linear.gather [hbm4b:s6+s4], $0x500, $0x38;
	[tilespmem:$0x14820] =	vst v63  }
0x118: {  	s8 =	sadd.s32 s15, s8  }
0x119: {  	[tilespmem:s19], [sflag:$0x3] =	stream.linear.gather [hbm4b:s8+s4], $0x500, $0x38;
	[tilespmem:$0x14820] =	vst v63  }
0x11a: {  	_ =	swait.ge [sflag:s18], $0x500  }
0x11b: {  	[sflag:s18] =	ssyncset.done $0x0  }
0x11c: {  	[sflag:s18] =	ssyncadd.s32 $0xFFFFFB00  }
0x11d: {  	_ =	swait.ge [sflag:s18], $0x500  }
0x11e: {  	[sflag:s18] =	ssyncset.done $0x0  }
0x11f: {  	[sflag:s18] =	ssyncadd.s32 $0xFFFFFB00  }
0x120: {  	[tilespmem:s16], [sflag:$0x1] =	stream.indirect.gather [spmem:s2], $0x20, s4, s20, $0xb8;
	[tilespmem:$0x14820] =	vst v63  }
0x121: {  	_ = 	snop  }
0x122: {  	[tilespmem:s21], [sflag:$0x1] =	stream.indirect.gather [spmem:s2], $0x20, s20, s20, $0xb8;
	[tilespmem:$0x14820] =	vst v63  }
0x123: {  	s15 =	rddreg [dreg:$0x6]  }
0x124: {  	[tilespmem:s22], [sflag:$0x1] =	stream.indirect.gather [spmem:s2], $0x20, s15, s20, $0xb8;
	[tilespmem:$0x14820] =	vst v63  }
0x125: {  	s8 =	rddreg [dreg:$0x7]  }
0x126: {  	[tilespmem:s23], [sflag:$0x1] =	stream.indirect.gather [spmem:s2], $0x20, s8, s20, $0xb8;
	[tilespmem:$0x14820] =	vst v63  }
0x127: {  	s15 =	rddreg [dreg:$0x8]  }
0x128: {  	[tilespmem:s24], [sflag:$0x1] =	stream.indirect.gather [spmem:s2], $0x20, s15, s20, $0xb8;
	[tilespmem:$0x14820] =	vst v63  }
0x129: {  	_ =	swait.ge [sflag:s25], $0x1000  }
0x12a: {  	[sflag:s25] =	ssyncset.done $0x0  }
0x12b: {  	[sflag:s25] =	ssyncadd.s32 $0xFFFFF000  }
0x12c: {  	[spmem:s3] =	stream.indirect.scatter.add.bf16 [tilespmem:s16], [sflag:$0x2], $0x20, s19, s20, $0xb8;
	[tilespmem:$0x14820] =	vst v63  }
0x12d: {  	s15 =	rddreg [dreg:$0x9]  }
0x12e: {  	[tilespmem:s26], [sflag:$0x1] =	stream.indirect.gather [spmem:s2], $0x20, s15, s20, $0xb8;
	[tilespmem:$0x14820] =	vst v63  }
0x12f: {  	_ =	swait.ge [sflag:s25], $0x1000  }
0x130: {  	[sflag:s25] =	ssyncset.done $0x0  }
0x131: {  	s8 =	rddreg [dreg:$0xa];
	[sflag:s25] =	ssyncadd.s32 $0xFFFFF000  }
0x132: {  	[spmem:s3] =	stream.indirect.scatter.add.bf16 [tilespmem:s21], [sflag:$0x2], $0x20, s8, s20, $0xb8;
	[tilespmem:$0x14820] =	vst v63  }
0x133: {  	s15 =	rddreg [dreg:$0xb]  }
0x134: {  	[tilespmem:s28], [sflag:$0x1] =	stream.indirect.gather [spmem:s2], $0x20, s15, s20, $0xb8;
	[tilespmem:$0x14820] =	vst v63  }
0x135: {  	_ =	swait.ge [sflag:s25], $0x1000  }
0x136: {  	[sflag:s25] =	ssyncset.done $0x0  }
0x137: {  	s8 =	rddreg [dreg:$0xc];
	[sflag:s25] =	ssyncadd.s32 $0xFFFFF000  }
0x138: {  	[spmem:s3] =	stream.indirect.scatter.add.bf16 [tilespmem:s22], [sflag:$0x2], $0x20, s8, s20, $0xb8;
	[tilespmem:$0x14820] =	vst v63  }
0x139: {  	s15 =	rddreg [dreg:$0xd]  }
0x13a: {  	[tilespmem:s29], [sflag:$0x1] =	stream.indirect.gather [spmem:s2], $0x20, s15, s20, $0xb8;
	[tilespmem:$0x14820] =	vst v63  }
0x13b: {  	_ =	swait.ge [sflag:s25], $0x1000  }
0x13c: {  	[sflag:s25] =	ssyncset.done $0x0  }
0x13d: {  	[sflag:s25] =	ssyncadd.s32 $0xFFFFF000  }
0x13e: {  	[spmem:s3] =	stream.indirect.scatter.add.bf16 [tilespmem:s23], [sflag:$0x2], $0x20, s17, s20, $0xb8;
	[tilespmem:$0x14820] =	vst v63  }
0x13f: {  	_ = 	snop  }
0x140: {  	[tilespmem:s0], [sflag:$0x1] =	stream.indirect.gather [spmem:s2], $0x20, s31, s20, $0xb8;
	[tilespmem:$0x14820] =	vst v63  }
0x141: {  	_ =	swait.ge [sflag:s25], $0x1000  }
0x142: {  	[sflag:s25] =	ssyncset.done $0x0  }
0x143: {  	[sflag:s25] =	ssyncadd.s32 $0xFFFFF000  }
0x144: {  	[spmem:s3] =	stream.indirect.scatter.add.bf16 [tilespmem:s24], [sflag:$0x2], $0x20, s1, s20, $0xb8;
	[tilespmem:$0x14820] =	vst v63  }
0x145: {  	_ = 	snop  }
0x146: {  	[tilespmem:s7], [sflag:$0x1] =	stream.indirect.gather [spmem:s2], $0x20, s5, s20, $0xb8;
	[tilespmem:$0x14820] =	vst v63  }
0x147: {  	_ =	swait.ge [sflag:s25], $0x1000  }
0x148: {  	[sflag:s25] =	ssyncset.done $0x0  }
0x149: {  	[sflag:s25] =	ssyncadd.s32 $0xFFFFF000  }
0x14a: {  	[spmem:s3] =	stream.indirect.scatter.add.bf16 [tilespmem:s26], [sflag:$0x2], $0x20, s9, s20, $0xb8;
	[tilespmem:$0x14820] =	vst v63  }
0x14b: {  	_ =	swait.ge [sflag:s25], $0x1000  }
0x14c: {  	[sflag:s25] =	ssyncset.done $0x0  }
0x14d: {  	[sflag:s25] =	ssyncadd.s32 $0xFFFFF000  }
0x14e: {  	[spmem:s3] =	stream.indirect.scatter.add.bf16 [tilespmem:s28], [sflag:$0x2], $0x20, s10, s20, $0xb8;
	[tilespmem:$0x14820] =	vst v63  }
0x14f: {  	_ =	swait.ge [sflag:s25], $0x1000  }
0x150: {  	[sflag:s25] =	ssyncset.done $0x0  }
0x151: {  	[sflag:s25] =	ssyncadd.s32 $0xFFFFF000  }
0x152: {  	[spmem:s3] =	stream.indirect.scatter.add.bf16 [tilespmem:s29], [sflag:$0x2], $0x20, s11, s20, $0xb8;
	[tilespmem:$0x14820] =	vst v63  }
0x153: {  	_ =	swait.ge [sflag:s25], $0x1000  }
0x154: {  	[sflag:s25] =	ssyncset.done $0x0  }
0x155: {  	[sflag:s25] =	ssyncadd.s32 $0xFFFFF000  }
0x156: {  	[spmem:s3] =	stream.indirect.scatter.add.bf16 [tilespmem:s0], [sflag:$0x2], $0x20, s12, s20, $0xb8;
	[tilespmem:$0x14820] =	vst v63  }
0x157: {  	_ =	swait.ge [sflag:s25], $0x1000  }
0x158: {  	[sflag:s25] =	ssyncset.done $0x0  }
0x159: {  	[sflag:s25] =	ssyncadd.s32 $0xFFFFF000  }
0x15a: {  	[spmem:s3] =	stream.indirect.scatter.add.bf16 [tilespmem:s7], [sflag:$0x2], $0x20, s13, s20, $0xb8;
	[tilespmem:$0x14820] =	vst v63  }
0x15b: {  	_ =	swait.ge [sflag:s14], $0x1000  }
0x15c: {  	[sflag:s14] =	ssyncset.done $0x0  }
0x15d: {  	[sflag:s14] =	ssyncadd.s32 $0xFFFFF000  }
0x15e: {  	_ =	swait.ge [sflag:s14], $0x1000  }
0x15f: {  	[sflag:s14] =	ssyncset.done $0x0  }
0x160: {  	[sflag:s14] =	ssyncadd.s32 $0xFFFFF000  }
0x161: {  	_ =	swait.ge [sflag:s14], $0x1000  }
0x162: {  	[sflag:s14] =	ssyncset.done $0x0  }
0x163: {  	[sflag:s14] =	ssyncadd.s32 $0xFFFFF000  }
0x164: {  	_ =	swait.ge [sflag:s14], $0x1000  }
0x165: {  	[sflag:s14] =	ssyncset.done $0x0  }
0x166: {  	[sflag:s14] =	ssyncadd.s32 $0xFFFFF000  }
0x167: {  	_ =	swait.ge [sflag:s14], $0x1000  }
0x168: {  	[sflag:s14] =	ssyncset.done $0x0  }
0x169: {  	[sflag:s14] =	ssyncadd.s32 $0xFFFFF000  }
0x16a: {  	_ =	swait.ge [sflag:s14], $0x1000  }
0x16b: {  	[sflag:s14] =	ssyncset.done $0x0  }
0x16c: {  	[sflag:s14] =	ssyncadd.s32 $0xFFFFF000  }
0x16d: {  	_ =	swait.ge [sflag:s14], $0x1000  }
0x16e: {  	[sflag:s14] =	ssyncset.done $0x0  }
0x16f: {  	[sflag:s14] =	ssyncadd.s32 $0xFFFFF000  }
0x170: {  	_ =	swait.ge [sflag:s14], $0x1000  }
0x171: {  	[sflag:s14] =	ssyncset.done $0x0  }
0x172: {  	[sflag:s14] =	ssyncadd.s32 $0xFFFFF000  }
0x173: {  	_ =	swait.ge [sflag:s14], $0x1000  }
0x174: {  	[sflag:s14] =	ssyncset.done $0x0  }
0x175: {  	[sflag:s14] =	ssyncadd.s32 $0xFFFFF000  }
0x176: {  	_ =	swait.ge [sflag:s14], $0x1000  }
0x177: {  	[sflag:s14] =	ssyncset.done $0x0  }
0x178: {  	[sflag:s14] =	ssyncadd.s32 $0xFFFFF000  }
0x179: {  	[bflag:$0x0] =	sbarrier.arrive $0xFFFF  }
0x17a: {  	s17 =	rddreg [dreg:$0xf]  }
0x17b: {  	s6 =	sor.u32 $0x1C04, s17;
	s17 =	rddreg [dreg:$0x11]  }
0x17c: {  	s30 =	simm.s32 $0x4;
	s15 =	rddreg [dreg:$0x16];
	s8 =	sshrl.u32 s17, $0x3  }
0x17d: {  	[hbm:s15], [sflag:s6] =	dma.local [spmem:s8], $0xA00  }
0x17e: {  	_ =	swait.ge [sflag:s30], $0xA00  }
0x17f: {  	s6 =	rddreg [dreg:$0x19]  }
0x180: {  	s15 =	rddreg [dreg:$0x17];
	s8 =	sadd.s32 $0x1, s6  }
0x181: {  	p0 =	sne.s32 s8, s15  }
.Ltmp2:
0x182: {  	_ = 	snop;
	(pc) =	sbr.rel @p0 .LBB2_1-.Ltmp2, $3  }
0x183: {  	_ =	sdelay $0x1  }
0x184: {  	[sflag:s30] =	ssyncset.done $0x0  }
0x185: {  	[sflag:s30] =	ssyncadd.s32 $0xFFFFF600  }
0x186: {  	_ =	sfence.sel $0x180000  }
0x187: {  	[bflag:$0x0] =	sbarrier.arrive $0xFFFF  }
0x188: {  	_ =	strace $0x9000004A  }
0x189: {  	s0 =	stileid.u32;
	[bflag:$0x2] =	sbarrier.arrive $0xFFFF  }
0x18a: {  	p0 =	sne.s32 s0, $0x0;
	s0 =	rddreg [dreg:$0x3]  }
0x18b: {  	s0 =	sadd.s32 @!p0 $0x100000, s0  }
0x18c: {  	[sflag:s0] =	ssyncadd.tile.s32 @!p0 $0x1;
	_ =	shalt  }
.Lfunc_end2:
_tile_overlayer_lowered:
.L_overlay_start_2:
0x18d: {  	(tag) =	ssettag $0x2  }
0x18e: {  	s0 =	rddreg [dreg:$0x0];
	s2 =	stileid.u32  }
0x18f: {  	s1 =	rddreg [dreg:$0x1];
	p0 =	sne.s32 s2, $0x0  }
0x190: {  	s3 =	rddreg [dreg:$0x2];
	[bflag:$0x3] =	sbarrier.arrive $0xFFFF;
	s2 =	simm.s32 @!p0 $0x1C04  }
0x191: {  	[timem:s3], [sflag:s2] =	dma.local @!p0 [hbm:s0], s1  }
0x192: {  	s0 =	simm.s32 @!p0 $0x4  }
0x193: {  	_ =	swait.ge @!p0 [sflag:s0], s1  }
0x194: {  	s1 =	ssub.s32 @!p0 $0x0, s1;
	[sflag:s0] =	ssyncset.done @!p0 $0x0  }
0x195: {  	[sflag:s0] =	ssyncadd.s32 @!p0 s1  }
0x196: {  	[bflag:$0x3] =	sbarrier.arrive $0xFFFF  }
0x197: {  	_ =	shalt  }

// kernel: kernel.7.cloned.1.call-start
scs
__scs_entry_jumppad:
0x0: {  	(pc) =	sbr.rel $0x88, $3  }
0x1: {  	(tag) =	ssettag $0x0;
	lr =	simm.s32 $0x1  }
0x2: {  	[smem:$0x3F97] =	sst lr;
	_ =	strace $0xD0000000  }
0x3: {  	_ = 	snop  }
0x4: {  	_ = 	snop  }
0x5: {  	_ = 	snop  }
0x6: {  	_ = 	snop  }
0x7: {  	_ = 	snop  }
__scs_overlays_trampoline_lowered:
0x8: {  	[smem:$0x3FA6] =	sst s0  }
0x9: {  	[smem:$0x3FA7] =	sst s1  }
0xa: {  	[smem:$0x3FA8] =	sst s2  }
0xb: {  	[smem:$0x3FA9] =	sst s3  }
0xc: {  	[smem:$0x3FAA] =	sst s4  }
0xd: {  	[smem:$0x3FAB] =	sst s5  }
0xe: {  	[smem:$0x3FAC] =	sst s6  }
0xf: {  	[smem:$0x3FAD] =	sst s7  }
0x10: {  	[smem:$0x3FAE] =	sst s8  }
0x11: {  	[smem:$0x3FAF] =	sst s9;
	s0 =	simm.s32 @!p0 $0x0  }
0x12: {  	s1 =	sld [smem:$0x3F95];
	s0 =	simm.s32 @p0 $0x1  }
0x13: {  	[smem:$0x3FB0] =	sst s0;
	s0 =	simm.s32 @!p1 $0x0  }
0x14: {  	s2 =	sld [smem:$0x3F94];
	s0 =	simm.s32 @p1 $0x1  }
0x15: {  	[smem:$0x3FB1] =	sst s0;
	s0 =	simm.s32 @!p2 $0x0  }
0x16: {  	s3 =	sld [smem:$0x3FDB];
	s0 =	simm.s32 @p2 $0x1  }
0x17: {  	s4 =	simm.s32 $0x1BF5;
	[smem:$0x3FB3] =	sst s0  }
0x18: {  	s0 =	sld [smem:$0x3F96];
	_ =	swait.ge [sflag:s4], $0x0  }
0x19: {  	s7 =	sld [smem:$0x3F97]  }
0x1a: {  	s8 =	sadd.s32 $0xFFFFE003, lr  }
0x1b: {  	s9 =	sadd.s32 $0xFFFFFEF7, lr;
	s5 =	simm.s32 $0xFFFFFFFF;
	p2 =	slt.u32 s8, $0xFFFFF086  }
0x1c: {  	p1 =	slt.u32 s9, $0xF7A;
	s5 =	simm.s32 @!p2 $0x0  }
0x1d: {  	s5 =	simm.s32 @p1 $0x1;
	p0 =	seq.s32 s7, s2  }
0x1e: {  	s7 =	smul.u32 @!p0 $0xF7A, s2;
	p2 =	seq.s32 @!p0 s5, $0x0  }
0x1f: {  	s9 =	smul.u32 $0xF7A, s1;
	s8 =	simm.s32 @!p0 $0x1BF5;
	p2 =	por !p2, p0  }
0x20: {  	[sflag:s8] =	ssyncset.s32 @!p0 $0xFFFFF086;
	s6 =	sadd.s32 @!p0 s3, s7;
	s7 =	simm.s32 @!p0 $0x108  }
0x21: {  	s3 =	sadd.s32 s3, s9;
	s6 =	sadd.s32 @!p0 $0x88, s6;
	s7 =	simm.s32 @p2 $0x1082  }
0x22: {  	[simem:s7], [sflag:s8] =	dma.local @!p0 [hbm:s6], $0xF7A  }
0x23: {  	s9 =	sor.u32 $0xD0000000, s2;
	s6 =	simm.s32 $0x108;
	_ =	swait.ge @!p0 [sflag:s8], $0x0  }
0x24: {  	s3 =	sadd.s32 $0x88, s3;
	s6 =	simm.s32 @!p1 $0x1082;
	[sflag:s4] =	ssyncset.s32 $0xFFFFF086  }
0x25: {  	[simem:s6], [sflag:s4] =	dma.local [hbm:s3], $0xF7A  }
0x26: {  	[smem:$0x3F97] =	sst s1;
	(tag) =	ssettag s2;
	_ =	strace s9  }
0x27: {  	s1 =	sld [smem:$0x3FA7]  }
0x28: {  	s2 =	sld [smem:$0x3FA8]  }
0x29: {  	s4 =	sld [smem:$0x3FAA]  }
0x2a: {  	p0 =	seq.s32 s5, $0x0;
	s5 =	sld [smem:$0x3FAB]  }
0x2b: {  	s6 =	sld [smem:$0x3FAC]  }
0x2c: {  	s7 =	sld [smem:$0x3FAD]  }
0x2d: {  	s3 =	simm.s32 $0x108;
	s8 =	sld [smem:$0x3FAE]  }
0x2e: {  	s3 =	simm.s32 @!p0 $0x1082;
	s9 =	sld [smem:$0x3FAF]  }
0x2f: {  	lr =	sadd.s32 s0, s3;
	s0 =	sld [smem:$0x3FA6]  }
0x30: {  	s3 =	sld [smem:$0x3FA9]  }
0x31: {  	[smem:$0x3FB2] =	sst s10  }
0x32: {  	s10 =	sld [smem:$0x3FB0];
	_ =	sdelay $0x3  }
0x33: {  	p0 =	seq.s32 s10, $0x1;
	s10 =	sld [smem:$0x3FB2];
	_ =	sdelay $0x3  }
0x34: {  	[smem:$0x3FB2] =	sst s10  }
0x35: {  	s10 =	sld [smem:$0x3FB1];
	_ =	sdelay $0x3  }
0x36: {  	p1 =	seq.s32 s10, $0x1;
	s10 =	sld [smem:$0x3FB2];
	_ =	sdelay $0x3  }
0x37: {  	[smem:$0x3FB2] =	sst s10  }
0x38: {  	s10 =	sld [smem:$0x3FB3]  }
0x39: {  	_ = 	snop;
	(pc) =	sbr.ind lr, $3  }
0x3a: {  	_ = 	snop  }
0x3b: {  	_ = 	snop  }
0x3c: {  	p2 =	seq.s32 s10, $0x1;
	s10 =	sld [smem:$0x3FB2]  }
0x3d: {  	_ =	shalt  }
0x3e: {  	_ =	shalt  }
0x3f: {  	_ =	shalt  }
0x40: {  	_ =	shalt  }
0x41: {  	_ =	shalt  }
0x42: {  	_ =	shalt  }
0x43: {  	_ =	shalt  }
0x44: {  	_ =	shalt  }
0x45: {  	_ =	shalt  }
0x46: {  	_ =	shalt  }
0x47: {  	_ =	shalt  }
0x48: {  	_ =	shalt  }
0x49: {  	_ =	shalt  }
0x4a: {  	_ =	shalt  }
0x4b: {  	_ =	shalt  }
0x4c: {  	_ =	shalt  }
0x4d: {  	_ =	shalt  }
0x4e: {  	_ =	shalt  }
0x4f: {  	_ =	shalt  }
0x50: {  	_ =	shalt  }
0x51: {  	_ =	shalt  }
0x52: {  	_ =	shalt  }
0x53: {  	_ =	shalt  }
0x54: {  	_ =	shalt  }
0x55: {  	_ =	shalt  }
0x56: {  	_ =	shalt  }
0x57: {  	_ =	shalt  }
0x58: {  	_ =	shalt  }
0x59: {  	_ =	shalt  }
0x5a: {  	_ =	shalt  }
0x5b: {  	_ =	shalt  }
0x5c: {  	_ =	shalt  }
0x5d: {  	_ =	shalt  }
0x5e: {  	_ =	shalt  }
0x5f: {  	_ =	shalt  }
0x60: {  	_ =	shalt  }
0x61: {  	_ =	shalt  }
0x62: {  	_ =	shalt  }
0x63: {  	_ =	shalt  }
0x64: {  	_ =	shalt  }
0x65: {  	_ =	shalt  }
0x66: {  	_ =	shalt  }
0x67: {  	_ =	shalt  }
0x68: {  	_ =	shalt  }
0x69: {  	_ =	shalt  }
0x6a: {  	_ =	shalt  }
0x6b: {  	_ =	shalt  }
0x6c: {  	_ =	shalt  }
0x6d: {  	_ =	shalt  }
0x6e: {  	_ =	shalt  }
0x6f: {  	_ =	shalt  }
0x70: {  	_ =	shalt  }
0x71: {  	_ =	shalt  }
0x72: {  	_ =	shalt  }
0x73: {  	_ =	shalt  }
0x74: {  	_ =	shalt  }
0x75: {  	_ =	shalt  }
0x76: {  	_ =	shalt  }
0x77: {  	_ =	shalt  }
0x78: {  	_ =	shalt  }
0x79: {  	_ =	shalt  }
0x7a: {  	_ =	shalt  }
0x7b: {  	_ =	shalt  }
0x7c: {  	_ =	shalt  }
0x7d: {  	_ =	shalt  }
0x7e: {  	_ =	shalt  }
0x7f: {  	_ =	shalt  }
0x80: {  	_ =	shalt  }
0x81: {  	_ =	shalt  }
0x82: {  	_ =	shalt  }
0x83: {  	_ =	shalt  }
0x84: {  	_ =	shalt  }
0x85: {  	_ =	shalt  }
0x86: {  	_ =	shalt  }
0x87: {  	_ =	shalt  }
.Lfunc_end0:
.L_simem_size_0:
called_computation_lowered:
.L_overlay_start_0:
0x88: {  	s2 =	sld [smem:$0x3FD9]  }
0x89: {  	s3 =	sld [smem:$0x3FFE];
	_ =	sdelay $0x1  }
0x8a: {  	s1 =	srdreg.scid  }
0x8b: {  	s0 =	sand.u32 $0x1, s1  }
0x8c: {  	s16 =	sshll.u32 s0, $0xA;
	s2 =	sadd.s32 s3, s2  }
0x8d: {  	s2 =	sadd.s32 s2, s16  }
0x8e: {  	[smem:$0x3FBE] =	sst s2  }
0x8f: {  	_ = 	snop  }
0x90: {  	(tm) =	ssettm $0x1  }
0x91: {  	s17 =	sld [smem:$0x3FFB];
	_ =	sdelay $0x3  }
0x92: {  	_ =	strace s17  }
0x93: {  	s2 =	sld [smem:$0x3FFC];
	_ =	sdelay $0x3  }
0x94: {  	_ =	strace s2  }
0x95: {  	s2 =	sld [smem:$0x3FFD];
	_ =	sdelay $0x3  }
0x96: {  	_ =	strace s2  }
0x97: {  	_ =	strace $0x8FFFFFFF  }
0x98: {  	s18 =	sld [smem:$0x3FDB];
	_ =	sdelay $0x1  }
0x99: {  	s19 =	simm.s32 $_scs_section_size  }
0x9a: {  	s4 =	simm.s32 $_size__tile_overlayer_lowered;
	s5 =	simm.s32 $_tile_overlayer_lowered  }
0x9b: {  	s22 =	simm.s32 $0x1BFF;
	s21 =	sshll.u32 s5, $0x1;
	s2 =	sadd.s32 s19, s18  }
0x9c: {  	s6 =	simm.s32 $0x0;
	s20 =	sshll.u32 s4, $0x1;
	s4 =	sadd.s32 s21, s2  }
0x9d: {  	[timem:s6], [sflag:s22] =	dma.local [hbm:s4], s20  }
0x9e: {  	_ =	swait.ge [sflag:s22], s20  }
0x9f: {  	s3 =	ssub.s32 $0x0, s20;
	[sflag:s22] =	ssyncset.done $0x0  }
0xa0: {  	[sflag:s22] =	ssyncadd.s32 s3;
	_ =	sdelay $0x1  }
0xa1: {  	s23 =	simm.s32 $0x1B8B  }
0xa2: {  	_ =	swait.ge [sflag:s23], $0x1  }
0xa3: {  	[sflag:s23] =	ssyncset.done $0x0  }
0xa4: {  	s25 =	simm.s32 $0x1B8E;
	s24 =	sld [smem:$0x3FFE];
	[sflag:s23] =	ssyncadd.s32 $0xFFFFFFFF  }
0xa5: {  	s26 =	simm.s32 $execute0_lowered;
	[smem:$0x3FD2] =	sst s25  }
0xa6: {  	s4 =	sshll.u32 s26, $0x1;
	_ =	strace $0x80000046;
	[dreg:$0x1] =	wrdreg $0xFFFFFFFF  }
0xa7: {  	s28 =	simm.s32 $_size_execute0_lowered;
	s2 =	sadd.s32 s2, s4;
	[dreg:$0x0] =	wrdreg $0x0  }
0xa8: {  	s4 =	sshll.u32 s28, $0x1;
	[dreg:$0x2] =	wrdreg s2  }
0xa9: {  	[dreg:$0x3] =	wrdreg s4  }
0xaa: {  	[dreg:$0x4] =	wrdreg $0xC0  }
0xab: {  	_ =	task [dreg:s6], $0x5FFFF  }
0xac: {  	[dreg:$0x1] =	wrdreg $0xFFFFFFFF  }
0xad: {  	[dreg:$0x0] =	wrdreg $0x60  }
0xae: {  	[dreg:$0x2] =	wrdreg s24  }
0xaf: {  	[dreg:$0x3] =	wrdreg $0xD2000  }
0xb0: {  	[dreg:$0x4] =	wrdreg $0x133A80  }
0xb1: {  	[dreg:$0x5] =	wrdreg $0x9  }
0xb2: {  	_ =	task.clear_ibuf [dreg:s6], $0x6FFFF;
	_ =	strace $0x90000046  }
0xb3: {  	s29 =	simm.s32 $0x9;
	_ =	strace $0x80000048  }
0xb4: {  	_ =	swait.ge [sflag:s29], $0x1  }
0xb5: {  	[sflag:s29] =	ssyncadd.s32 $0xFFFFFFFF  }
0xb6: {  	_ =	strace $0x90000048  }
0xb7: {  	_ =	sfence  }
0xb8: {  	s30 =	sld [smem:$0x0];
	_ =	sdelay $0x2  }
0xb9: {  	s31 =	sshll.u32 s1, $0xD;
	s1 =	sshrl.u32 s1, $0x2  }
0xba: {  	s3 =	sand.u32 $0x4000, s31;
	s1 =	sadd.s32 s1, s30  }
0xbb: {  	s0 =	sor.u32 s3, s0;
	s1 =	sshll.u32 s1, $0x11  }
0xbc: {  	s0 =	sor.u32 s1, s0  }
0xbd: {  	s0 =	sadd.s32 $0x8F2B, s0  }
0xbe: {  	[sflag:s0] =	ssyncadd.remote.s32 $0x1  }
0xbf: {  	_ =	sfence.sel $0xFFFF  }
0xc0: {  	[dreg:$0x0] =	wrdreg $0xFFFFFFFF;
	(pc) =	sbr.abs _section_cstart, $3  }
0xc1: {  	[dreg:$0x1] =	wrdreg $0xFFFFFFFF  }
0xc2: {  	_ =	task.clear_ibuf [dreg:s6], $0x2FFFF;
	_ =	strace $0x9FFFFFFF  }
0xc3: {  	(tm) =	ssettm $0x7FFFFFFF  }
tec
execute0_lowered:
.L_overlay_start_1:
0x0: {  	(tag) =	ssettag $0x1  }
0x1: {  	s0 =	rddreg [dreg:$0x0]  }
0x2: {  	s2 =	rddreg [dreg:$0x1]  }
0x3: {  	s3 =	rddreg [dreg:$0x2];
	s10 =	stileid.u32  }
0x4: {  	s5 =	srdreg.scid;
	s4 =	simm.s32 $0x0;
	s30 =	simm.s32 $0x4  }
0x5: {  	s19 =	simm.s32 $0x100;
	s20 =	simm.s32 $0x180;
	s21 =	simm.s32 $0x200  }
0x6: {  	s22 =	simm.s32 $0x280;
	s28 =	simm.s32 $0x8200;
	s1 =	smul.u32 $0xC350, s10  }
0x7: {  	s29 =	simm.s32 $0x9600;
	s31 =	simm.s32 $0x400;
	s6 =	smul.u32 $0xC800, s10  }
0x8: {  	s5 =	sand.u32 $0x1, s5;
	[smem:$0x7FF] =	sst s4;
	s24 =	smul.u32 $0x19000, s10  }
0x9: {  	s11 =	sshll.u32 s10, $0x6;
	s25 =	smul.u32 $0x500, s10;
	s10 =	simm.s32 $0x800  }
0xa: {  	s7 =	smul.u32 $0xC8000, s5;
	_ =	strace $0x80000047;
	[dreg:$0xf] =	wrdreg s11  }
0xb: {  	s9 =	smul.u32 $0x5000, s5;
	s5 =	ssub.s32 $0x2, s5;
	[dreg:$0x6] =	wrdreg s19  }
0xc: {  	s26 =	sor.u32 $0x1C03, s11;
	s19 =	simm.s32 $0x500;
	[dreg:$0x7] =	wrdreg s20  }
0xd: {  	s20 =	simm.s32 $0x80;
	[dreg:$0x8] =	wrdreg s21;
	s21 =	simm.s32 $0x1E00  }
0xe: {  	[dreg:$0x9] =	wrdreg s22;
	s22 =	simm.s32 $0x3200;
	s8 =	sshrl.u32 s1, $0x4  }
0xf: {  	s23 =	sshrl.u32 s5, $0x1;
	s1 =	sshrl.u32 s1, $0x1;
	[dreg:$0x10] =	wrdreg s26  }
0x10: {  	s26 =	simm.s32 $0x380;
	s7 =	sadd.s32 s6, s7;
	s8 =	sadd.s32 s8, s0  }
0x11: {  	s9 =	sadd.s32 s9, s0;
	s5 =	ssub.s32 s5, s23;
	s1 =	sadd.s32 s1, s2  }
0x12: {  	s6 =	sshrl.u32 s6, $0x1;
	s23 =	simm.s32 $0x580;
	[dreg:$0xd] =	wrdreg s26  }
0x13: {  	s26 =	simm.s32 $0x6E00;
	s7 =	sshrl.u32 s7, $0x4;
	s8 =	sadd.s32 $0x1600, s8  }
0x14: {  	s17 =	sadd.s32 s6, s3;
	s13 =	sadd.s32 s25, s9;
	[dreg:$0xa] =	wrdreg s23  }
0x15: {  	s5 =	smax.u32 s5, $0x1;
	s18 =	sshrl.u32 s1, $0x3;
	[dreg:$0xe] =	wrdreg s8  }
0x16: {  	s23 =	simm.s32 $0x4600;
	s25 =	simm.s32 $0x600;
	[dreg:$0x17] =	wrdreg s5  }
0x17: {  	s1 =	simm.s32 $0x700;
	s9 =	simm.s32 $0x780;
	[dreg:$0x18] =	wrdreg s18  }
0x18: {  	s0 =	sadd.s32 s7, s0;
	s7 =	sshrl.u32 s24, $0x2;
	[dreg:$0xc] =	wrdreg s25  }
0x19: {  	s15 =	sadd.s32 $0x17A00, s13;
	s16 =	sadd.s32 $0xDA00, s13;
	[dreg:$0x11] =	wrdreg s17  }
0x1a: {  	s18 =	simm.s32 $0x3;
	s24 =	simm.s32 $0x300;
	[dreg:$0x4] =	wrdreg s15  }
0x1b: {  	s25 =	simm.s32 $0x1;
	s5 =	simm.s32 $0x480;
	[dreg:$0x5] =	wrdreg s16  }
0x1c: {  	s11 =	sadd.s32 s7, s3;
	s0 =	sadd.s32 $0x21A00, s0;
	[dreg:$0xb] =	wrdreg s24  }
0x1d: {  	s13 =	simm.s32 $0x980;
	s7 =	sadd.s32 $0x1400, s11;
	[dreg:$0x16] =	wrdreg s0  }
0x1e: {  	s8 =	simm.s32 $0x0;
	s12 =	sadd.s32 $0x2800, s11;
	[dreg:$0x12] =	wrdreg s7  }
0x1f: {  	s16 =	simm.s32 $0xA00;
	s14 =	sadd.s32 $0x3C00, s11;
	[dreg:$0x13] =	wrdreg s12  }
0x20: {  	s24 =	simm.s32 $0x5A00;
	s6 =	sadd.s32 $0x5000, s11;
	[dreg:$0x14] =	wrdreg s14  }
0x21: {  	s0 =	simm.s32 $0xAA00;
	s11 =	simm.s32 $0x880;
	[dreg:$0x15] =	wrdreg s6  }
0x22: {  	v0 =	vimm.bf16 $0.0e+00;
	s7 =	simm.s32 $0xBE00;
	s12 =	simm.s32 $0x900;
	s14 =	simm.s32 $0x2  }
.LBB2_1:
0x23: {  	[dreg:$0x19] =	wrdreg s8  }
0x24: {  	s6 =	rddreg [dreg:$0xe]  }
0x25: {  	s8 =	rddreg [dreg:$0x10]  }
0x26: {  	s15 =	rddreg [dreg:$0x18]  }
0x27: {  	[spmem:s15], [sflag:s8] =	dma.local [hbm:s6], $0xC35  }
0x28: {  	s8 =	simm.s32 $0x0;
	s15 =	simm.s32 $0x140  }
.LBB2_2:
0x29: {  	p0 =	sne.s32 s15, $0x4EC0;
	[tilespmem:s8+$0xA48] =	vst.msk $0xff, v0  }
0x2a: {  	[tilespmem:s8+$0xA00] =	vst.msk $0xff, v0  }
0x2b: {  	[tilespmem:s8+$0xA28] =	vst.msk $0xff, v0  }
0x2c: {  	[tilespmem:s8+$0xA08] =	vst.msk $0xff, v0  }
0x2d: {  	[tilespmem:s8+$0xA30] =	vst.msk $0xff, v0  }
.Ltmp0:
0x2e: {  	[tilespmem:s8+$0xA10] =	vst.msk $0xff, v0;
	(pc) =	sbr.rel @p0 .LBB2_2-.Ltmp0, $4  }
0x2f: {  	[tilespmem:s8+$0xA38] =	vst.msk $0xff, v0  }
0x30: {  	[tilespmem:s8+$0xA18] =	vst.msk $0xff, v0  }
0x31: {  	[tilespmem:s8+$0xA40] =	vst.msk $0xff, v0  }
0x32: {  	[tilespmem:s8+$0xA20] =	vst.msk $0xff, v0;
	s8 =	sshra.s32 s15, $0x2;
	s15 =	sadd.s32 $0x140, s15  }
0x33: {  	[tilespmem:s8+$0xA48] =	vst.msk $0xff, v0  }
0x34: {  	[tilespmem:s8+$0xA00] =	vst.msk $0xff, v0  }
0x35: {  	[tilespmem:s8+$0xA28] =	vst.msk $0xff, v0  }
0x36: {  	[tilespmem:s8+$0xA08] =	vst.msk $0xff, v0  }
0x37: {  	[tilespmem:s8+$0xA30] =	vst.msk $0xff, v0  }
0x38: {  	[tilespmem:s8+$0xA10] =	vst.msk $0xff, v0  }
0x39: {  	[tilespmem:s8+$0xA38] =	vst.msk $0xff, v0  }
0x3a: {  	[tilespmem:s8+$0xA18] =	vst.msk $0xff, v0  }
0x3b: {  	[tilespmem:s8+$0xA40] =	vst.msk $0xff, v0  }
0x3c: {  	[tilespmem:s8+$0xA20] =	vst.msk $0xff, v0  }
0x3d: {  	[spmem:s17] =	stream.linear.scatter [tilespmem:s16], [sflag:$0x4], $0x1400, $0x38;
	[tilespmem:$0x197A8] =	vst v63  }
0x3e: {  	_ =	swait.ge [sflag:s30], $0x1400  }
0x3f: {  	[sflag:s30] =	ssyncset.done $0x0  }
0x40: {  	s6 =	rddreg [dreg:$0x12];
	[sflag:s30] =	ssyncadd.s32 $0xFFFFEC00  }
0x41: {  	[spmem:s6] =	stream.linear.scatter [tilespmem:s16], [sflag:$0x4], $0x1400, $0x38;
	[tilespmem:$0x197A8] =	vst v63  }
0x42: {  	_ =	swait.ge [sflag:s30], $0x1400  }
0x43: {  	[sflag:s30] =	ssyncset.done $0x0  }
0x44: {  	s17 =	rddreg [dreg:$0x13];
	[sflag:s30] =	ssyncadd.s32 $0xFFFFEC00  }
0x45: {  	[spmem:s17] =	stream.linear.scatter [tilespmem:s16], [sflag:$0x4], $0x1400, $0x38;
	[tilespmem:$0x197A8] =	vst v63  }
0x46: {  	_ =	swait.ge [sflag:s30], $0x1400  }
0x47: {  	[sflag:s30] =	ssyncset.done $0x0  }
0x48: {  	s8 =	rddreg [dreg:$0x14];
	[sflag:s30] =	ssyncadd.s32 $0xFFFFEC00  }
0x49: {  	[spmem:s8] =	stream.linear.scatter [tilespmem:s16], [sflag:$0x4], $0x1400, $0x38;
	[tilespmem:$0x197A8] =	vst v63  }
0x4a: {  	_ =	swait.ge [sflag:s30], $0x1400  }
0x4b: {  	[sflag:s30] =	ssyncset.done $0x0  }
0x4c: {  	s15 =	rddreg [dreg:$0x15];
	[sflag:s30] =	ssyncadd.s32 $0xFFFFEC00  }
0x4d: {  	[spmem:s15] =	stream.linear.scatter [tilespmem:s16], [sflag:$0x4], $0x1400, $0x38;
	[tilespmem:$0x197A8] =	vst v63  }
0x4e: {  	_ =	swait.ge [sflag:s30], $0x1400  }
0x4f: {  	[sflag:s30] =	ssyncset.done $0x0  }
0x50: {  	[sflag:s30] =	ssyncadd.s32 $0xFFFFEC00  }
0x51: {  	_ =	swait.ge [sflag:s18], $0xC35  }
0x52: {  	[sflag:s18] =	ssyncset.done $0x0  }
0x53: {  	[sflag:s18] =	ssyncadd.s32 $0xFFFFF3CB  }
0x54: {  	[bflag:$0x0] =	sbarrier.arrive $0xFFFF  }
0x55: {  	s17 =	rddreg [dreg:$0x5]  }
0x56: {  	s30 =	rddreg [dreg:$0x4];
	s6 =	sadd.s32 $0x0, s17  }
0x57: {  	[tilespmem:s4], [sflag:$0x3] =	stream.linear.gather [hbm4b:s6+s4], $0x500, $0x38;
	[tilespmem:$0x197A8] =	vst v63  }
0x58: {  	s8 =	sadd.s32 $0x0, s30  }
0x59: {  	[tilespmem:s19], [sflag:$0x3] =	stream.linear.gather [hbm4b:s8+s4], $0x500, $0x38;
	[tilespmem:$0x197A8] =	vst v63  }
0x5a: {  	_ =	swait.ge [sflag:s18], $0x500  }
0x5b: {  	[sflag:s18] =	ssyncset.done $0x0  }
0x5c: {  	[sflag:s18] =	ssyncadd.s32 $0xFFFFFB00  }
0x5d: {  	_ =	swait.ge [sflag:s18], $0x500  }
0x5e: {  	[sflag:s18] =	ssyncset.done $0x0  }
0x5f: {  	[sflag:s18] =	ssyncadd.s32 $0xFFFFFB00  }
0x60: {  	[tilespmem:s16], [sflag:$0x1] =	stream.indirect.gather [spmem:s2], $0x28, s4, s20, $0xb8;
	[tilespmem:$0x197A8] =	vst v63  }
0x61: {  	_ = 	snop  }
0x62: {  	[tilespmem:s21], [sflag:$0x1] =	stream.indirect.gather [spmem:s2], $0x28, s20, s20, $0xb8;
	[tilespmem:$0x197A8] =	vst v63  }
0x63: {  	s15 =	rddreg [dreg:$0x6]  }
0x64: {  	[tilespmem:s22], [sflag:$0x1] =	stream.indirect.gather [spmem:s2], $0x28, s15, s20, $0xb8;
	[tilespmem:$0x197A8] =	vst v63  }
0x65: {  	s17 =	rddreg [dreg:$0x7]  }
0x66: {  	[tilespmem:s23], [sflag:$0x1] =	stream.indirect.gather [spmem:s2], $0x28, s17, s20, $0xb8;
	[tilespmem:$0x197A8] =	vst v63  }
0x67: {  	s30 =	rddreg [dreg:$0x8]  }
0x68: {  	[tilespmem:s24], [sflag:$0x1] =	stream.indirect.gather [spmem:s2], $0x28, s30, s20, $0xb8;
	[tilespmem:$0x197A8] =	vst v63  }
0x69: {  	_ =	swait.ge [sflag:s25], $0x1400  }
0x6a: {  	[sflag:s25] =	ssyncset.done $0x0  }
0x6b: {  	[sflag:s25] =	ssyncadd.s32 $0xFFFFEC00  }
0x6c: {  	[spmem:s3] =	stream.indirect.scatter.add.bf16 [tilespmem:s16], [sflag:$0x2], $0x28, s19, s20, $0xb8;
	[tilespmem:$0x197A8] =	vst v63  }
0x6d: {  	s15 =	rddreg [dreg:$0x9]  }
0x6e: {  	[tilespmem:s26], [sflag:$0x1] =	stream.indirect.gather [spmem:s2], $0x28, s15, s20, $0xb8;
	[tilespmem:$0x197A8] =	vst v63  }
0x6f: {  	_ =	swait.ge [sflag:s25], $0x1400  }
0x70: {  	[sflag:s25] =	ssyncset.done $0x0  }
0x71: {  	s17 =	rddreg [dreg:$0xa];
	[sflag:s25] =	ssyncadd.s32 $0xFFFFEC00  }
0x72: {  	[spmem:s3] =	stream.indirect.scatter.add.bf16 [tilespmem:s21], [sflag:$0x2], $0x28, s17, s20, $0xb8;
	[tilespmem:$0x197A8] =	vst v63  }
0x73: {  	s30 =	rddreg [dreg:$0xb]  }
0x74: {  	[tilespmem:s28], [sflag:$0x1] =	stream.indirect.gather [spmem:s2], $0x28, s30, s20, $0xb8;
	[tilespmem:$0x197A8] =	vst v63  }
0x75: {  	_ =	swait.ge [sflag:s25], $0x1400  }
0x76: {  	[sflag:s25] =	ssyncset.done $0x0  }
0x77: {  	s15 =	rddreg [dreg:$0xc];
	[sflag:s25] =	ssyncadd.s32 $0xFFFFEC00  }
0x78: {  	[spmem:s3] =	stream.indirect.scatter.add.bf16 [tilespmem:s22], [sflag:$0x2], $0x28, s15, s20, $0xb8;
	[tilespmem:$0x197A8] =	vst v63  }
0x79: {  	s17 =	rddreg [dreg:$0xd]  }
0x7a: {  	[tilespmem:s29], [sflag:$0x1] =	stream.indirect.gather [spmem:s2], $0x28, s17, s20, $0xb8;
	[tilespmem:$0x197A8] =	vst v63  }
0x7b: {  	_ =	swait.ge [sflag:s25], $0x1400  }
0x7c: {  	[sflag:s25] =	ssyncset.done $0x0  }
0x7d: {  	s30 =	simm.s32 $0x680;
	[sflag:s25] =	ssyncadd.s32 $0xFFFFEC00  }
0x7e: {  	[spmem:s3] =	stream.indirect.scatter.add.bf16 [tilespmem:s23], [sflag:$0x2], $0x28, s30, s20, $0xb8;
	[tilespmem:$0x197A8] =	vst v63  }
0x7f: {  	_ = 	snop  }
0x80: {  	[tilespmem:s0], [sflag:$0x1] =	stream.indirect.gather [spmem:s2], $0x28, s31, s20, $0xb8;
	[tilespmem:$0x197A8] =	vst v63  }
0x81: {  	_ =	swait.ge [sflag:s25], $0x1400  }
0x82: {  	[sflag:s25] =	ssyncset.done $0x0  }
0x83: {  	[sflag:s25] =	ssyncadd.s32 $0xFFFFEC00  }
0x84: {  	[spmem:s3] =	stream.indirect.scatter.add.bf16 [tilespmem:s24], [sflag:$0x2], $0x28, s1, s20, $0xb8;
	[tilespmem:$0x197A8] =	vst v63  }
0x85: {  	_ = 	snop  }
0x86: {  	[tilespmem:s7], [sflag:$0x1] =	stream.indirect.gather [spmem:s2], $0x28, s5, s20, $0xb8;
	[tilespmem:$0x197A8] =	vst v63  }
0x87: {  	_ =	swait.ge [sflag:s25], $0x1400  }
0x88: {  	[sflag:s25] =	ssyncset.done $0x0  }
0x89: {  	[sflag:s25] =	ssyncadd.s32 $0xFFFFEC00  }
0x8a: {  	[spmem:s3] =	stream.indirect.scatter.add.bf16 [tilespmem:s26], [sflag:$0x2], $0x28, s9, s20, $0xb8;
	[tilespmem:$0x197A8] =	vst v63  }
0x8b: {  	_ =	swait.ge [sflag:s25], $0x1400  }
0x8c: {  	[sflag:s25] =	ssyncset.done $0x0  }
0x8d: {  	[sflag:s25] =	ssyncadd.s32 $0xFFFFEC00  }
0x8e: {  	[spmem:s3] =	stream.indirect.scatter.add.bf16 [tilespmem:s28], [sflag:$0x2], $0x28, s10, s20, $0xb8;
	[tilespmem:$0x197A8] =	vst v63  }
0x8f: {  	_ =	swait.ge [sflag:s25], $0x1400  }
0x90: {  	[sflag:s25] =	ssyncset.done $0x0  }
0x91: {  	[sflag:s25] =	ssyncadd.s32 $0xFFFFEC00  }
0x92: {  	[spmem:s3] =	stream.indirect.scatter.add.bf16 [tilespmem:s29], [sflag:$0x2], $0x28, s11, s20, $0xb8;
	[tilespmem:$0x197A8] =	vst v63  }
0x93: {  	_ =	swait.ge [sflag:s25], $0x1400  }
0x94: {  	[sflag:s25] =	ssyncset.done $0x0  }
0x95: {  	[sflag:s25] =	ssyncadd.s32 $0xFFFFEC00  }
0x96: {  	[spmem:s3] =	stream.indirect.scatter.add.bf16 [tilespmem:s0], [sflag:$0x2], $0x28, s12, s20, $0xb8;
	[tilespmem:$0x197A8] =	vst v63  }
0x97: {  	_ =	swait.ge [sflag:s25], $0x1400  }
0x98: {  	[sflag:s25] =	ssyncset.done $0x0  }
0x99: {  	[sflag:s25] =	ssyncadd.s32 $0xFFFFEC00  }
0x9a: {  	[spmem:s3] =	stream.indirect.scatter.add.bf16 [tilespmem:s7], [sflag:$0x2], $0x28, s13, s20, $0xb8;
	[tilespmem:$0x197A8] =	vst v63  }
0x9b: {  	_ =	swait.ge [sflag:s14], $0x1400  }
0x9c: {  	[sflag:s14] =	ssyncset.done $0x0  }
0x9d: {  	[sflag:s14] =	ssyncadd.s32 $0xFFFFEC00  }
0x9e: {  	_ =	swait.ge [sflag:s14], $0x1400  }
0x9f: {  	[sflag:s14] =	ssyncset.done $0x0  }
0xa0: {  	[sflag:s14] =	ssyncadd.s32 $0xFFFFEC00  }
0xa1: {  	_ =	swait.ge [sflag:s14], $0x1400  }
0xa2: {  	[sflag:s14] =	ssyncset.done $0x0  }
0xa3: {  	[sflag:s14] =	ssyncadd.s32 $0xFFFFEC00  }
0xa4: {  	_ =	swait.ge [sflag:s14], $0x1400  }
0xa5: {  	[sflag:s14] =	ssyncset.done $0x0  }
0xa6: {  	[sflag:s14] =	ssyncadd.s32 $0xFFFFEC00  }
0xa7: {  	_ =	swait.ge [sflag:s14], $0x1400  }
0xa8: {  	[sflag:s14] =	ssyncset.done $0x0  }
0xa9: {  	[sflag:s14] =	ssyncadd.s32 $0xFFFFEC00  }
0xaa: {  	_ =	swait.ge [sflag:s14], $0x1400  }
0xab: {  	[sflag:s14] =	ssyncset.done $0x0  }
0xac: {  	[sflag:s14] =	ssyncadd.s32 $0xFFFFEC00  }
0xad: {  	_ =	swait.ge [sflag:s14], $0x1400  }
0xae: {  	[sflag:s14] =	ssyncset.done $0x0  }
0xaf: {  	[sflag:s14] =	ssyncadd.s32 $0xFFFFEC00  }
0xb0: {  	_ =	swait.ge [sflag:s14], $0x1400  }
0xb1: {  	[sflag:s14] =	ssyncset.done $0x0  }
0xb2: {  	[sflag:s14] =	ssyncadd.s32 $0xFFFFEC00  }
0xb3: {  	_ =	swait.ge [sflag:s14], $0x1400  }
0xb4: {  	[sflag:s14] =	ssyncset.done $0x0  }
0xb5: {  	[sflag:s14] =	ssyncadd.s32 $0xFFFFEC00  }
0xb6: {  	s8 =	simm.s32 $0x140;
	_ =	swait.ge [sflag:s14], $0x1400  }
0xb7: {  	s15 =	simm.s32 $0xA0;
	s6 =	rddreg [dreg:$0x5];
	[sflag:s14] =	ssyncset.done $0x0  }
.LBB2_4:
0xb8: {  	[sflag:s14] =	ssyncadd.s32 $0xFFFFEC00;
	s30 =	rddreg [dreg:$0x4];
	s6 =	sadd.s32 s15, s6  }
0xb9: {  	[tilespmem:s4], [sflag:$0x3] =	stream.linear.gather [hbm4b:s6+s4], $0x500, $0x38;
	[tilespmem:$0x197A8] =	vst v63  }
0xba: {  	s30 =	sadd.s32 s15, s30  }
0xbb: {  	[tilespmem:s19], [sflag:$0x3] =	stream.linear.gather [hbm4b:s30+s4], $0x500, $0x38;
	[tilespmem:$0x197A8] =	vst v63  }
0xbc: {  	_ =	swait.ge [sflag:s18], $0x500  }
0xbd: {  	[sflag:s18] =	ssyncset.done $0x0  }
0xbe: {  	[sflag:s18] =	ssyncadd.s32 $0xFFFFFB00  }
0xbf: {  	_ =	swait.ge [sflag:s18], $0x500  }
0xc0: {  	[sflag:s18] =	ssyncset.done $0x0  }
0xc1: {  	[sflag:s18] =	ssyncadd.s32 $0xFFFFFB00  }
0xc2: {  	[tilespmem:s16], [sflag:$0x1] =	stream.indirect.gather [spmem:s2], $0x28, s4, s20, $0xb8;
	[tilespmem:$0x197A8] =	vst v63  }
0xc3: {  	_ = 	snop  }
0xc4: {  	[tilespmem:s21], [sflag:$0x1] =	stream.indirect.gather [spmem:s2], $0x28, s20, s20, $0xb8;
	[tilespmem:$0x197A8] =	vst v63  }
0xc5: {  	s17 =	smov.u32 s8;
	s30 =	rddreg [dreg:$0x6]  }
0xc6: {  	[tilespmem:s22], [sflag:$0x1] =	stream.indirect.gather [spmem:s2], $0x28, s30, s20, $0xb8;
	[tilespmem:$0x197A8] =	vst v63  }
0xc7: {  	s15 =	smov.u32 s17;
	s17 =	rddreg [dreg:$0x7]  }
0xc8: {  	[tilespmem:s23], [sflag:$0x1] =	stream.indirect.gather [spmem:s2], $0x28, s17, s20, $0xb8;
	[tilespmem:$0x197A8] =	vst v63  }
0xc9: {  	s30 =	rddreg [dreg:$0x8]  }
0xca: {  	[tilespmem:s24], [sflag:$0x1] =	stream.indirect.gather [spmem:s2], $0x28, s30, s20, $0xb8;
	[tilespmem:$0x197A8] =	vst v63  }
0xcb: {  	_ =	swait.ge [sflag:s25], $0x1400  }
0xcc: {  	[sflag:s25] =	ssyncset.done $0x0  }
0xcd: {  	[sflag:s25] =	ssyncadd.s32 $0xFFFFEC00  }
0xce: {  	[spmem:s3] =	stream.indirect.scatter.add.bf16 [tilespmem:s16], [sflag:$0x2], $0x28, s19, s20, $0xb8;
	[tilespmem:$0x197A8] =	vst v63  }
0xcf: {  	s30 =	rddreg [dreg:$0x9]  }
0xd0: {  	[tilespmem:s26], [sflag:$0x1] =	stream.indirect.gather [spmem:s2], $0x28, s30, s20, $0xb8;
	[tilespmem:$0x197A8] =	vst v63  }
0xd1: {  	_ =	swait.ge [sflag:s25], $0x1400  }
0xd2: {  	[sflag:s25] =	ssyncset.done $0x0  }
0xd3: {  	s17 =	rddreg [dreg:$0xa];
	[sflag:s25] =	ssyncadd.s32 $0xFFFFEC00  }
0xd4: {  	[spmem:s3] =	stream.indirect.scatter.add.bf16 [tilespmem:s21], [sflag:$0x2], $0x28, s17, s20, $0xb8;
	[tilespmem:$0x197A8] =	vst v63  }
0xd5: {  	s30 =	rddreg [dreg:$0xb]  }
0xd6: {  	[tilespmem:s28], [sflag:$0x1] =	stream.indirect.gather [spmem:s2], $0x28, s30, s20, $0xb8;
	[tilespmem:$0x197A8] =	vst v63  }
0xd7: {  	_ =	swait.ge [sflag:s25], $0x1400  }
0xd8: {  	[sflag:s25] =	ssyncset.done $0x0  }
0xd9: {  	s17 =	rddreg [dreg:$0xc];
	[sflag:s25] =	ssyncadd.s32 $0xFFFFEC00  }
0xda: {  	[spmem:s3] =	stream.indirect.scatter.add.bf16 [tilespmem:s22], [sflag:$0x2], $0x28, s17, s20, $0xb8;
	[tilespmem:$0x197A8] =	vst v63  }
0xdb: {  	s30 =	rddreg [dreg:$0xd]  }
0xdc: {  	[tilespmem:s29], [sflag:$0x1] =	stream.indirect.gather [spmem:s2], $0x28, s30, s20, $0xb8;
	[tilespmem:$0x197A8] =	vst v63  }
0xdd: {  	_ =	swait.ge [sflag:s25], $0x1400  }
0xde: {  	[sflag:s25] =	ssyncset.done $0x0  }
0xdf: {  	s17 =	simm.s32 $0x680;
	[sflag:s25] =	ssyncadd.s32 $0xFFFFEC00  }
0xe0: {  	[spmem:s3] =	stream.indirect.scatter.add.bf16 [tilespmem:s23], [sflag:$0x2], $0x28, s17, s20, $0xb8;
	[tilespmem:$0x197A8] =	vst v63  }
0xe1: {  	_ = 	snop  }
0xe2: {  	[tilespmem:s0], [sflag:$0x1] =	stream.indirect.gather [spmem:s2], $0x28, s31, s20, $0xb8;
	[tilespmem:$0x197A8] =	vst v63  }
0xe3: {  	_ =	swait.ge [sflag:s25], $0x1400  }
0xe4: {  	[sflag:s25] =	ssyncset.done $0x0  }
0xe5: {  	[sflag:s25] =	ssyncadd.s32 $0xFFFFEC00  }
0xe6: {  	[spmem:s3] =	stream.indirect.scatter.add.bf16 [tilespmem:s24], [sflag:$0x2], $0x28, s1, s20, $0xb8;
	[tilespmem:$0x197A8] =	vst v63  }
0xe7: {  	_ = 	snop  }
0xe8: {  	[tilespmem:s7], [sflag:$0x1] =	stream.indirect.gather [spmem:s2], $0x28, s5, s20, $0xb8;
	[tilespmem:$0x197A8] =	vst v63  }
0xe9: {  	_ =	swait.ge [sflag:s25], $0x1400  }
0xea: {  	[sflag:s25] =	ssyncset.done $0x0  }
0xeb: {  	[sflag:s25] =	ssyncadd.s32 $0xFFFFEC00  }
0xec: {  	[spmem:s3] =	stream.indirect.scatter.add.bf16 [tilespmem:s26], [sflag:$0x2], $0x28, s9, s20, $0xb8;
	[tilespmem:$0x197A8] =	vst v63  }
0xed: {  	_ =	swait.ge [sflag:s25], $0x1400  }
0xee: {  	[sflag:s25] =	ssyncset.done $0x0  }
0xef: {  	[sflag:s25] =	ssyncadd.s32 $0xFFFFEC00  }
0xf0: {  	[spmem:s3] =	stream.indirect.scatter.add.bf16 [tilespmem:s28], [sflag:$0x2], $0x28, s10, s20, $0xb8;
	[tilespmem:$0x197A8] =	vst v63  }
0xf1: {  	_ =	swait.ge [sflag:s25], $0x1400  }
0xf2: {  	[sflag:s25] =	ssyncset.done $0x0  }
0xf3: {  	[sflag:s25] =	ssyncadd.s32 $0xFFFFEC00  }
0xf4: {  	[spmem:s3] =	stream.indirect.scatter.add.bf16 [tilespmem:s29], [sflag:$0x2], $0x28, s11, s20, $0xb8;
	[tilespmem:$0x197A8] =	vst v63  }
0xf5: {  	_ =	swait.ge [sflag:s25], $0x1400  }
0xf6: {  	[sflag:s25] =	ssyncset.done $0x0  }
0xf7: {  	[sflag:s25] =	ssyncadd.s32 $0xFFFFEC00  }
0xf8: {  	[spmem:s3] =	stream.indirect.scatter.add.bf16 [tilespmem:s0], [sflag:$0x2], $0x28, s12, s20, $0xb8;
	[tilespmem:$0x197A8] =	vst v63  }
0xf9: {  	_ =	swait.ge [sflag:s25], $0x1400  }
0xfa: {  	[sflag:s25] =	ssyncset.done $0x0  }
0xfb: {  	[sflag:s25] =	ssyncadd.s32 $0xFFFFEC00  }
0xfc: {  	[spmem:s3] =	stream.indirect.scatter.add.bf16 [tilespmem:s7], [sflag:$0x2], $0x28, s13, s20, $0xb8;
	[tilespmem:$0x197A8] =	vst v63  }
0xfd: {  	_ =	swait.ge [sflag:s14], $0x1400  }
0xfe: {  	[sflag:s14] =	ssyncset.done $0x0  }
0xff: {  	[sflag:s14] =	ssyncadd.s32 $0xFFFFEC00  }
0x100: {  	_ =	swait.ge [sflag:s14], $0x1400  }
0x101: {  	[sflag:s14] =	ssyncset.done $0x0  }
0x102: {  	[sflag:s14] =	ssyncadd.s32 $0xFFFFEC00  }
0x103: {  	_ =	swait.ge [sflag:s14], $0x1400  }
0x104: {  	[sflag:s14] =	ssyncset.done $0x0  }
0x105: {  	[sflag:s14] =	ssyncadd.s32 $0xFFFFEC00  }
0x106: {  	_ =	swait.ge [sflag:s14], $0x1400  }
0x107: {  	[sflag:s14] =	ssyncset.done $0x0  }
0x108: {  	[sflag:s14] =	ssyncadd.s32 $0xFFFFEC00  }
0x109: {  	_ =	swait.ge [sflag:s14], $0x1400  }
0x10a: {  	[sflag:s14] =	ssyncset.done $0x0  }
0x10b: {  	[sflag:s14] =	ssyncadd.s32 $0xFFFFEC00  }
0x10c: {  	_ =	swait.ge [sflag:s14], $0x1400  }
0x10d: {  	[sflag:s14] =	ssyncset.done $0x0  }
0x10e: {  	[sflag:s14] =	ssyncadd.s32 $0xFFFFEC00  }
0x10f: {  	_ =	swait.ge [sflag:s14], $0x1400  }
0x110: {  	[sflag:s14] =	ssyncset.done $0x0  }
0x111: {  	[sflag:s14] =	ssyncadd.s32 $0xFFFFEC00  }
0x112: {  	_ =	swait.ge [sflag:s14], $0x1400  }
0x113: {  	[sflag:s14] =	ssyncset.done $0x0  }
0x114: {  	p0 =	sne.s32 s8, $0x460;
	[sflag:s14] =	ssyncadd.s32 $0xFFFFEC00  }
.Ltmp1:
0x115: {  	_ =	swait.ge [sflag:s14], $0x1400;
	(pc) =	sbr.rel @p0 .LBB2_4-.Ltmp1, $4  }
0x116: {  	[sflag:s14] =	ssyncset.done $0x0  }
0x117: {  	[sflag:s14] =	ssyncadd.s32 $0xFFFFEC00  }
0x118: {  	_ =	swait.ge [sflag:s14], $0x1400  }
0x119: {  	s8 =	sadd.s32 $0xA0, s8;
	s6 =	rddreg [dreg:$0x5];
	[sflag:s14] =	ssyncset.done $0x0  }
0x11a: {  	s8 =	rddreg [dreg:$0x4];
	[sflag:s14] =	ssyncadd.s32 $0xFFFFEC00;
	s6 =	sadd.s32 s15, s6  }
0x11b: {  	[tilespmem:s4], [sflag:$0x3] =	stream.linear.gather [hbm4b:s6+s4], $0x500, $0x38;
	[tilespmem:$0x197A8] =	vst v63  }
0x11c: {  	s8 =	sadd.s32 s15, s8  }
0x11d: {  	[tilespmem:s19], [sflag:$0x3] =	stream.linear.gather [hbm4b:s8+s4], $0x500, $0x38;
	[tilespmem:$0x197A8] =	vst v63  }
0x11e: {  	_ =	swait.ge [sflag:s18], $0x500  }
0x11f: {  	[sflag:s18] =	ssyncset.done $0x0  }
0x120: {  	[sflag:s18] =	ssyncadd.s32 $0xFFFFFB00  }
0x121: {  	_ =	swait.ge [sflag:s18], $0x500  }
0x122: {  	[sflag:s18] =	ssyncset.done $0x0  }
0x123: {  	[sflag:s18] =	ssyncadd.s32 $0xFFFFFB00  }
0x124: {  	[tilespmem:s16], [sflag:$0x1] =	stream.indirect.gather [spmem:s2], $0x28, s4, s20, $0xb8;
	[tilespmem:$0x197A8] =	vst v63  }
0x125: {  	_ = 	snop  }
0x126: {  	[tilespmem:s21], [sflag:$0x1] =	stream.indirect.gather [spmem:s2], $0x28, s20, s20, $0xb8;
	[tilespmem:$0x197A8] =	vst v63  }
0x127: {  	s15 =	rddreg [dreg:$0x6]  }
0x128: {  	[tilespmem:s22], [sflag:$0x1] =	stream.indirect.gather [spmem:s2], $0x28, s15, s20, $0xb8;
	[tilespmem:$0x197A8] =	vst v63  }
0x129: {  	s8 =	rddreg [dreg:$0x7]  }
0x12a: {  	[tilespmem:s23], [sflag:$0x1] =	stream.indirect.gather [spmem:s2], $0x28, s8, s20, $0xb8;
	[tilespmem:$0x197A8] =	vst v63  }
0x12b: {  	s15 =	rddreg [dreg:$0x8]  }
0x12c: {  	[tilespmem:s24], [sflag:$0x1] =	stream.indirect.gather [spmem:s2], $0x28, s15, s20, $0xb8;
	[tilespmem:$0x197A8] =	vst v63  }
0x12d: {  	_ =	swait.ge [sflag:s25], $0x1400  }
0x12e: {  	[sflag:s25] =	ssyncset.done $0x0  }
0x12f: {  	[sflag:s25] =	ssyncadd.s32 $0xFFFFEC00  }
0x130: {  	[spmem:s3] =	stream.indirect.scatter.add.bf16 [tilespmem:s16], [sflag:$0x2], $0x28, s19, s20, $0xb8;
	[tilespmem:$0x197A8] =	vst v63  }
0x131: {  	s15 =	rddreg [dreg:$0x9]  }
0x132: {  	[tilespmem:s26], [sflag:$0x1] =	stream.indirect.gather [spmem:s2], $0x28, s15, s20, $0xb8;
	[tilespmem:$0x197A8] =	vst v63  }
0x133: {  	_ =	swait.ge [sflag:s25], $0x1400  }
0x134: {  	[sflag:s25] =	ssyncset.done $0x0  }
0x135: {  	s8 =	rddreg [dreg:$0xa];
	[sflag:s25] =	ssyncadd.s32 $0xFFFFEC00  }
0x136: {  	[spmem:s3] =	stream.indirect.scatter.add.bf16 [tilespmem:s21], [sflag:$0x2], $0x28, s8, s20, $0xb8;
	[tilespmem:$0x197A8] =	vst v63  }
0x137: {  	s15 =	rddreg [dreg:$0xb]  }
0x138: {  	[tilespmem:s28], [sflag:$0x1] =	stream.indirect.gather [spmem:s2], $0x28, s15, s20, $0xb8;
	[tilespmem:$0x197A8] =	vst v63  }
0x139: {  	_ =	swait.ge [sflag:s25], $0x1400  }
0x13a: {  	[sflag:s25] =	ssyncset.done $0x0  }
0x13b: {  	s8 =	rddreg [dreg:$0xc];
	[sflag:s25] =	ssyncadd.s32 $0xFFFFEC00  }
0x13c: {  	[spmem:s3] =	stream.indirect.scatter.add.bf16 [tilespmem:s22], [sflag:$0x2], $0x28, s8, s20, $0xb8;
	[tilespmem:$0x197A8] =	vst v63  }
0x13d: {  	s15 =	rddreg [dreg:$0xd]  }
0x13e: {  	[tilespmem:s29], [sflag:$0x1] =	stream.indirect.gather [spmem:s2], $0x28, s15, s20, $0xb8;
	[tilespmem:$0x197A8] =	vst v63  }
0x13f: {  	_ =	swait.ge [sflag:s25], $0x1400  }
0x140: {  	[sflag:s25] =	ssyncset.done $0x0  }
0x141: {  	[sflag:s25] =	ssyncadd.s32 $0xFFFFEC00  }
0x142: {  	[spmem:s3] =	stream.indirect.scatter.add.bf16 [tilespmem:s23], [sflag:$0x2], $0x28, s17, s20, $0xb8;
	[tilespmem:$0x197A8] =	vst v63  }
0x143: {  	_ = 	snop  }
0x144: {  	[tilespmem:s0], [sflag:$0x1] =	stream.indirect.gather [spmem:s2], $0x28, s31, s20, $0xb8;
	[tilespmem:$0x197A8] =	vst v63  }
0x145: {  	_ =	swait.ge [sflag:s25], $0x1400  }
0x146: {  	[sflag:s25] =	ssyncset.done $0x0  }
0x147: {  	[sflag:s25] =	ssyncadd.s32 $0xFFFFEC00  }
0x148: {  	[spmem:s3] =	stream.indirect.scatter.add.bf16 [tilespmem:s24], [sflag:$0x2], $0x28, s1, s20, $0xb8;
	[tilespmem:$0x197A8] =	vst v63  }
0x149: {  	_ = 	snop  }
0x14a: {  	[tilespmem:s7], [sflag:$0x1] =	stream.indirect.gather [spmem:s2], $0x28, s5, s20, $0xb8;
	[tilespmem:$0x197A8] =	vst v63  }
0x14b: {  	_ =	swait.ge [sflag:s25], $0x1400  }
0x14c: {  	[sflag:s25] =	ssyncset.done $0x0  }
0x14d: {  	[sflag:s25] =	ssyncadd.s32 $0xFFFFEC00  }
0x14e: {  	[spmem:s3] =	stream.indirect.scatter.add.bf16 [tilespmem:s26], [sflag:$0x2], $0x28, s9, s20, $0xb8;
	[tilespmem:$0x197A8] =	vst v63  }
0x14f: {  	_ =	swait.ge [sflag:s25], $0x1400  }
0x150: {  	[sflag:s25] =	ssyncset.done $0x0  }
0x151: {  	[sflag:s25] =	ssyncadd.s32 $0xFFFFEC00  }
0x152: {  	[spmem:s3] =	stream.indirect.scatter.add.bf16 [tilespmem:s28], [sflag:$0x2], $0x28, s10, s20, $0xb8;
	[tilespmem:$0x197A8] =	vst v63  }
0x153: {  	_ =	swait.ge [sflag:s25], $0x1400  }
0x154: {  	[sflag:s25] =	ssyncset.done $0x0  }
0x155: {  	[sflag:s25] =	ssyncadd.s32 $0xFFFFEC00  }
0x156: {  	[spmem:s3] =	stream.indirect.scatter.add.bf16 [tilespmem:s29], [sflag:$0x2], $0x28, s11, s20, $0xb8;
	[tilespmem:$0x197A8] =	vst v63  }
0x157: {  	_ =	swait.ge [sflag:s25], $0x1400  }
0x158: {  	[sflag:s25] =	ssyncset.done $0x0  }
0x159: {  	[sflag:s25] =	ssyncadd.s32 $0xFFFFEC00  }
0x15a: {  	[spmem:s3] =	stream.indirect.scatter.add.bf16 [tilespmem:s0], [sflag:$0x2], $0x28, s12, s20, $0xb8;
	[tilespmem:$0x197A8] =	vst v63  }
0x15b: {  	_ =	swait.ge [sflag:s25], $0x1400  }
0x15c: {  	[sflag:s25] =	ssyncset.done $0x0  }
0x15d: {  	[sflag:s25] =	ssyncadd.s32 $0xFFFFEC00  }
0x15e: {  	[spmem:s3] =	stream.indirect.scatter.add.bf16 [tilespmem:s7], [sflag:$0x2], $0x28, s13, s20, $0xb8;
	[tilespmem:$0x197A8] =	vst v63  }
0x15f: {  	_ =	swait.ge [sflag:s14], $0x1400  }
0x160: {  	[sflag:s14] =	ssyncset.done $0x0  }
0x161: {  	[sflag:s14] =	ssyncadd.s32 $0xFFFFEC00  }
0x162: {  	_ =	swait.ge [sflag:s14], $0x1400  }
0x163: {  	[sflag:s14] =	ssyncset.done $0x0  }
0x164: {  	[sflag:s14] =	ssyncadd.s32 $0xFFFFEC00  }
0x165: {  	_ =	swait.ge [sflag:s14], $0x1400  }
0x166: {  	[sflag:s14] =	ssyncset.done $0x0  }
0x167: {  	[sflag:s14] =	ssyncadd.s32 $0xFFFFEC00  }
0x168: {  	_ =	swait.ge [sflag:s14], $0x1400  }
0x169: {  	[sflag:s14] =	ssyncset.done $0x0  }
0x16a: {  	[sflag:s14] =	ssyncadd.s32 $0xFFFFEC00  }
0x16b: {  	_ =	swait.ge [sflag:s14], $0x1400  }
0x16c: {  	[sflag:s14] =	ssyncset.done $0x0  }
0x16d: {  	[sflag:s14] =	ssyncadd.s32 $0xFFFFEC00  }
0x16e: {  	_ =	swait.ge [sflag:s14], $0x1400  }
0x16f: {  	[sflag:s14] =	ssyncset.done $0x0  }
0x170: {  	[sflag:s14] =	ssyncadd.s32 $0xFFFFEC00  }
0x171: {  	_ =	swait.ge [sflag:s14], $0x1400  }
0x172: {  	[sflag:s14] =	ssyncset.done $0x0  }
0x173: {  	[sflag:s14] =	ssyncadd.s32 $0xFFFFEC00  }
0x174: {  	_ =	swait.ge [sflag:s14], $0x1400  }
0x175: {  	[sflag:s14] =	ssyncset.done $0x0  }
0x176: {  	[sflag:s14] =	ssyncadd.s32 $0xFFFFEC00  }
0x177: {  	_ =	swait.ge [sflag:s14], $0x1400  }
0x178: {  	[sflag:s14] =	ssyncset.done $0x0  }
0x179: {  	[sflag:s14] =	ssyncadd.s32 $0xFFFFEC00  }
0x17a: {  	_ =	swait.ge [sflag:s14], $0x1400  }
0x17b: {  	[sflag:s14] =	ssyncset.done $0x0  }
0x17c: {  	[sflag:s14] =	ssyncadd.s32 $0xFFFFEC00  }
0x17d: {  	[bflag:$0x0] =	sbarrier.arrive $0xFFFF  }
0x17e: {  	s17 =	rddreg [dreg:$0xf]  }
0x17f: {  	s6 =	sor.u32 $0x1C04, s17;
	s17 =	rddreg [dreg:$0x11]  }
0x180: {  	s30 =	simm.s32 $0x4;
	s15 =	rddreg [dreg:$0x16];
	s8 =	sshrl.u32 s17, $0x3  }
0x181: {  	[hbm:s15], [sflag:s6] =	dma.local [spmem:s8], $0xC80  }
0x182: {  	_ =	swait.ge [sflag:s30], $0xC80  }
0x183: {  	s6 =	rddreg [dreg:$0x19]  }
0x184: {  	s15 =	rddreg [dreg:$0x17];
	s8 =	sadd.s32 $0x1, s6  }
0x185: {  	p0 =	sne.s32 s8, s15  }
.Ltmp2:
0x186: {  	_ = 	snop;
	(pc) =	sbr.rel @p0 .LBB2_1-.Ltmp2, $3  }
0x187: {  	_ =	sdelay $0x1  }
0x188: {  	[sflag:s30] =	ssyncset.done $0x0  }
0x189: {  	[sflag:s30] =	ssyncadd.s32 $0xFFFFF380  }
0x18a: {  	_ =	sfence.sel $0x180000  }
0x18b: {  	[bflag:$0x0] =	sbarrier.arrive $0xFFFF  }
0x18c: {  	_ =	strace $0x90000047  }
0x18d: {  	s0 =	stileid.u32;
	[bflag:$0x2] =	sbarrier.arrive $0xFFFF  }
0x18e: {  	p0 =	sne.s32 s0, $0x0;
	s0 =	rddreg [dreg:$0x3]  }
0x18f: {  	s0 =	sadd.s32 @!p0 $0x100000, s0  }
0x190: {  	[sflag:s0] =	ssyncadd.tile.s32 @!p0 $0x1;
	_ =	shalt  }
.Lfunc_end2:
_tile_overlayer_lowered:
.L_overlay_start_2:
0x191: {  	(tag) =	ssettag $0x2  }
0x192: {  	s0 =	rddreg [dreg:$0x0];
	s2 =	stileid.u32  }
0x193: {  	s1 =	rddreg [dreg:$0x1];
	p0 =	sne.s32 s2, $0x0  }
0x194: {  	s3 =	rddreg [dreg:$0x2];
	[bflag:$0x3] =	sbarrier.arrive $0xFFFF;
	s2 =	simm.s32 @!p0 $0x1C04  }
0x195: {  	[timem:s3], [sflag:s2] =	dma.local @!p0 [hbm:s0], s1  }
0x196: {  	s0 =	simm.s32 @!p0 $0x4  }
0x197: {  	_ =	swait.ge @!p0 [sflag:s0], s1  }
0x198: {  	s1 =	ssub.s32 @!p0 $0x0, s1;
	[sflag:s0] =	ssyncset.done @!p0 $0x0  }
0x199: {  	[sflag:s0] =	ssyncadd.s32 @!p0 s1  }
0x19a: {  	[bflag:$0x3] =	sbarrier.arrive $0xFFFF  }
0x19b: {  	_ =	shalt  }

</sc_bundles>
